<compile_context>
chip_gen: v7x
topology: tpu7x:2x2x1
jax: 0.10.2.dev20260603
libtpu: 0.0.44.dev20260713+nightly
codegen_flags: <defaults>
</compile_context>

<pallas_src>
import functools

import jax
import jax.numpy as jnp
from jax import lax
from jax.experimental import pallas as pl
from jax.experimental.pallas import tpu as pltpu
from jax.experimental.pallas import tpu_sc as plsc

_NUM_CORES = 2
_NUM_SUBCORES = 16
_NUM_WORKERS = _NUM_CORES * _NUM_SUBCORES
_NBUF = 4


@functools.lru_cache(maxsize=None)
def _make_gather(S0: int, S1: int, V: int, D: int):
    assert S0 % _NUM_WORKERS == 0
    s_per_w = S0 // _NUM_WORKERS
    b_per_w = s_per_w * S1
    chunk_s = 4
    chunk = chunk_s * S1
    assert s_per_w % (chunk_s * _NBUF) == 0 and chunk % 8 == 0
    n_chunks = s_per_w // chunk_s
    n_outer = n_chunks // _NBUF

    mesh = plsc.VectorSubcoreMesh(
        core_axis_name="c", subcore_axis_name="s", num_cores=_NUM_CORES
    )

    @functools.partial(
        pl.kernel,
        mesh=mesh,
        out_type=jax.ShapeDtypeStruct((S0, S1, D), jnp.float32),
        compiler_params=pltpu.CompilerParams(
            use_tc_tiling_on_sc=True, needs_layout_passes=True
        ),
        scratch_types=[
            pltpu.VMEM((b_per_w,), jnp.int32),
            [pltpu.VMEM((chunk, D), jnp.float32) for _ in range(_NBUF)],
            [pltpu.SemaphoreType.DMA for _ in range(_NBUF)],
            [pltpu.SemaphoreType.DMA for _ in range(_NBUF)],
        ],
    )
    def gather_kernel(idx_hbm, table_hbm, out_hbm, idx_v, bufs, gsems, wsems):
        wid = lax.axis_index("s") * _NUM_CORES + lax.axis_index("c")
        base = wid * b_per_w
        sbase = wid * s_per_w
        pltpu.sync_copy(idx_hbm.at[pl.ds(base, b_per_w)], idx_v)

        def startg(c, b):
            pltpu.async_copy(
                table_hbm.at[idx_v.at[pl.ds(c * chunk, chunk)]], bufs[b], gsems[b]
            )

        def waitg(b):
            pltpu.make_async_copy(
                table_hbm.at[idx_v.at[pl.ds(0, chunk)]], bufs[b], gsems[b]
            ).wait()

        def startw(c, b):
            for j in range(chunk_s):
                pltpu.async_copy(
                    bufs[b].at[pl.ds(j * S1, S1)],
                    out_hbm.at[sbase + c * chunk_s + j],
                    wsems[b],
                )

        def waitw(b):
            for j in range(chunk_s):
                pltpu.make_async_copy(
                    bufs[b].at[pl.ds(j * S1, S1)], out_hbm.at[sbase], wsems[b]
                ).wait()

        for b in range(_NBUF - 1):
            startg(b, b)
        waitg(0)
        startw(0, 0)
        startg(_NBUF - 1, _NBUF - 1)
        for c in range(1, _NBUF):
            b = c % _NBUF
            waitg(b)
            startw(c, b)
            waitw((b - 1) % _NBUF)
            startg(c + _NBUF - 1, (b - 1) % _NBUF)

        @pl.loop(1, n_outer - 1)
        def _steady(o):
            c0 = o * _NBUF
            for b in range(_NBUF):
                waitg(b)
                startw(c0 + b, b)
                waitw((b - 1) % _NBUF)
                startg(c0 + b + _NBUF - 1, (b - 1) % _NBUF)

        c0 = (n_outer - 1) * _NBUF
        for b in range(_NBUF):
            waitg(b)
            startw(c0 + b, b)
            waitw((b - 1) % _NBUF)
            if b == 0:
                startg(c0 + b + _NBUF - 1, (b - 1) % _NBUF)
        waitw(_NBUF - 1)

    return gather_kernel


def kernel(token_ids, weight):
    S0, S1 = token_ids.shape
    V, D = weight.shape
    idx = token_ids.reshape(-1).astype(jnp.int32)
    return _make_gather(S0, S1, V, D)(idx, weight)

# --- scband reference (transcript-rebuilt; emitter-appended) ---
"""Pipeline reference for scband-embedding-32908039421958 (READ-ONLY COPY).

The authoritative reference and input builder live on the scoring server;
editing this copy changes nothing except your own understanding.
"""

import jax, jax.numpy as jnp
import numpy as np

NUM_EMBEDDINGS = 100000
EMBEDDING_DIM = 128

def setup_inputs(seed: int = 0) -> dict:
    key = jax.random.key(seed)
    k1, k2 = jax.random.split(key)
    token_ids = jax.random.randint(k1, (4096, 50), 0, NUM_EMBEDDINGS, dtype=jnp.int64 if jax.config.jax_enable_x64 else jnp.int32)
    # trunc_normal init approximated by clipped normal in [-2, 2]
    weight = jnp.clip(jax.random.normal(k2, (NUM_EMBEDDINGS, EMBEDDING_DIM), dtype=jnp.float32), -2.0, 2.0)
    return {"token_ids": token_ids, "weight": weight}

def reference(token_ids, weight):
    # weight[token_ids] -> gather rows
    return jnp.take(weight, token_ids, axis=0)

if __name__ == "__main__":
    import jax
    _d = setup_inputs()
    print(jax.jit(kernel)(*tuple(_d.values())))

</pallas_src>

<mosaic_0001>
#map = affine_map<(d0, d1) -> (0)>
#map1 = affine_map<(d0, d1) -> (0, 0)>
#map2 = affine_map<(d0, d1) -> (0, 0, 0)>
module attributes {stable_mosaic.version = 14 : i64} {
  func.func @gather_kernel(%arg0: i32, %arg1: i32, %arg2: memref<204800xi32, #tpu.memory_space<hbm>>, %arg3: memref<100000x128xf32, #tpu.memory_space<hbm>>, %arg4: memref<4096x50x128xf32, #tpu.memory_space<hbm>>, %arg5: memref<6400xi32, #tpu.memory_space<vmem>>, %arg6: memref<200x128xf32, #tpu.memory_space<vmem>>, %arg7: memref<200x128xf32, #tpu.memory_space<vmem>>, %arg8: memref<200x128xf32, #tpu.memory_space<vmem>>, %arg9: memref<200x128xf32, #tpu.memory_space<vmem>>, %arg10: memref<!tpu.dma_semaphore, #tpu.memory_space<semaphore_mem>>, %arg11: memref<!tpu.dma_semaphore, #tpu.memory_space<semaphore_mem>>, %arg12: memref<!tpu.dma_semaphore, #tpu.memory_space<semaphore_mem>>, %arg13: memref<!tpu.dma_semaphore, #tpu.memory_space<semaphore_mem>>, %arg14: memref<!tpu.dma_semaphore, #tpu.memory_space<semaphore_mem>>, %arg15: memref<!tpu.dma_semaphore, #tpu.memory_space<semaphore_mem>>, %arg16: memref<!tpu.dma_semaphore, #tpu.memory_space<semaphore_mem>>, %arg17: memref<!tpu.dma_semaphore, #tpu.memory_space<semaphore_mem>>) attributes {dimension_semantics = [#tpu.dimension_semantics<core_parallel>, #tpu.dimension_semantics<subcore_parallel>], iteration_bounds = array<i64: 2, 16>, scalar_prefetch = 0 : i64, scratch_operands = 13 : i64, tpu.core_type = #tpu.core_type<sc_vector_subcore>, window_params = [{transform_indices = #map}, {transform_indices = #map1}, {transform_indices = #map2}]} {
    %mul3A = arith.constant 2 : i32
    %mul3A_0 = arith.muli %arg1, %mul3A : i32
    %add3A = arith.addi %mul3A_0, %arg0 : i32
    %mul3A_1 = arith.constant 6400 : i32
    %mul3A_2 = arith.muli %add3A, %mul3A_1 : i32
    %mul3A_3 = arith.constant 128 : i32
    %mul3A_4 = arith.muli %add3A, %mul3A_3 : i32
    "tpu.region"() ({
      %run_scoped3A = tpu.sem_alloc : memref<!tpu.dma_semaphore, #tpu.memory_space<semaphore_mem>>
      %dma_start3A_1111 = tpu.memref_slice %arg2[%mul3A_2] : memref<204800xi32, #tpu.memory_space<hbm>> -> memref<6400xi32, #tpu.memory_space<hbm>>
      %dma_start3A_1112 = tpu.memref_slice %arg2[%mul3A_2] : memref<204800xi32, #tpu.memory_space<hbm>> -> memref<6400xi32, #tpu.memory_space<hbm>>
      tpu.enqueue_dma source(%dma_start3A_1112 : memref<6400xi32, #tpu.memory_space<hbm>>) target(%arg5 : memref<6400xi32, #tpu.memory_space<vmem>>) target_semaphore(%run_scoped3A : memref<!tpu.dma_semaphore, #tpu.memory_space<semaphore_mem>>)
      %dma_wait3A_1113 = tpu.memref_slice %arg2[%mul3A_2] : memref<204800xi32, #tpu.memory_space<hbm>> -> memref<6400xi32, #tpu.memory_space<hbm>>
      %dma_wait3A_1114 = tpu.memref_slice %arg2[%mul3A_2] : memref<204800xi32, #tpu.memory_space<hbm>> -> memref<6400xi32, #tpu.memory_space<hbm>>
      tpu.wait_dma2 semaphore(%run_scoped3A : memref<!tpu.dma_semaphore, #tpu.memory_space<semaphore_mem>>) src(%dma_wait3A_1114 : memref<6400xi32, #tpu.memory_space<hbm>>) dst(%arg5 : memref<6400xi32, #tpu.memory_space<vmem>>)
      tpu.yield
    }) : () -> ()
    %dma_start3A = arith.constant 0 : i32
    %dma_start3A_5 = tpu.memref_slice %arg5[%dma_start3A] : memref<6400xi32, #tpu.memory_space<vmem>> -> memref<200xi32, #tpu.memory_space<vmem>>
    %dma_start3A_6 = arith.constant 0 : i32
    %dma_start3A_7 = arith.constant 0 : i32
    %dma_start3A_8 = tpu.memref_slice %arg3[%dma_start3A_6, %dma_start3A_7] : memref<100000x128xf32, #tpu.memory_space<hbm>> -> memref<100000x128xf32, #tpu.memory_space<hbm>>
    tpu.enqueue_indirect_dma source(%dma_start3A_8 : memref<100000x128xf32, #tpu.memory_space<hbm>>) target(%arg6 : memref<200x128xf32, #tpu.memory_space<vmem>>) offsets(%dma_start3A_5 : memref<200xi32, #tpu.memory_space<vmem>>) semaphore(%arg10 : memref<!tpu.dma_semaphore, #tpu.memory_space<semaphore_mem>>)
    %dma_start3A_9 = arith.constant 200 : i32
    %dma_start3A_10 = tpu.memref_slice %arg5[%dma_start3A_9] : memref<6400xi32, #tpu.memory_space<vmem>> -> memref<200xi32, #tpu.memory_space<vmem>>
    %dma_start3A_11 = arith.constant 0 : i32
    %dma_start3A_12 = arith.constant 0 : i32
    %dma_start3A_13 = tpu.memref_slice %arg3[%dma_start3A_11, %dma_start3A_12] : memref<100000x128xf32, #tpu.memory_space<hbm>> -> memref<100000x128xf32, #tpu.memory_space<hbm>>
    tpu.enqueue_indirect_dma source(%dma_start3A_13 : memref<100000x128xf32, #tpu.memory_space<hbm>>) target(%arg7 : memref<200x128xf32, #tpu.memory_space<vmem>>) offsets(%dma_start3A_10 : memref<200xi32, #tpu.memory_space<vmem>>) semaphore(%arg11 : memref<!tpu.dma_semaphore, #tpu.memory_space<semaphore_mem>>)
    %dma_start3A_14 = arith.constant 400 : i32
    %dma_start3A_15 = tpu.memref_slice %arg5[%dma_start3A_14] : memref<6400xi32, #tpu.memory_space<vmem>> -> memref<200xi32, #tpu.memory_space<vmem>>
    %dma_start3A_16 = arith.constant 0 : i32
    %dma_start3A_17 = arith.constant 0 : i32
    %dma_start3A_18 = tpu.memref_slice %arg3[%dma_start3A_16, %dma_start3A_17] : memref<100000x128xf32, #tpu.memory_space<hbm>> -> memref<100000x128xf32, #tpu.memory_space<hbm>>
    tpu.enqueue_indirect_dma source(%dma_start3A_18 : memref<100000x128xf32, #tpu.memory_space<hbm>>) target(%arg8 : memref<200x128xf32, #tpu.memory_space<vmem>>) offsets(%dma_start3A_15 : memref<200xi32, #tpu.memory_space<vmem>>) semaphore(%arg12 : memref<!tpu.dma_semaphore, #tpu.memory_space<semaphore_mem>>)
    %dma_wait3A = arith.constant 0 : i32
    %dma_wait3A_19 = tpu.memref_slice %arg5[%dma_wait3A] : memref<6400xi32, #tpu.memory_space<vmem>> -> memref<200xi32, #tpu.memory_space<vmem>>
    %dma_wait3A_20 = arith.constant 0 : i32
    %dma_wait3A_21 = arith.constant 0 : i32
    %dma_wait3A_22 = tpu.memref_slice %arg3[%dma_wait3A_20, %dma_wait3A_21] : memref<100000x128xf32, #tpu.memory_space<hbm>> -> memref<100000x128xf32, #tpu.memory_space<hbm>>
    tpu.wait_indirect_dma semaphore(%arg10 : memref<!tpu.dma_semaphore, #tpu.memory_space<semaphore_mem>>) src(%dma_wait3A_22 : memref<100000x128xf32, #tpu.memory_space<hbm>>) dst(%arg6 : memref<200x128xf32, #tpu.memory_space<vmem>>)
    %add3A_23 = arith.constant 0 : i32
    %add3A_24 = arith.addi %mul3A_4, %add3A_23 : i32
    %add3A_25 = arith.constant 0 : i32
    %add3A_26 = arith.addi %add3A_24, %add3A_25 : i32
    %dma_start3A_27 = arith.constant 0 : i32
    %dma_start3A_28 = arith.constant 0 : i32
    %dma_start3A_29 = tpu.memref_slice %arg6[%dma_start3A_27, %dma_start3A_28] : memref<200x128xf32, #tpu.memory_space<vmem>> -> memref<50x128xf32, #tpu.memory_space<vmem>>
    %dma_start3A_30 = arith.constant 0 : i32
    %dma_start3A_31 = arith.constant 0 : i32
    %dma_start3A_32 = tpu.memref_slice %arg4[%add3A_26, %dma_start3A_30, %dma_start3A_31] : memref<4096x50x128xf32, #tpu.memory_space<hbm>> -> memref<1x50x128xf32, #tpu.memory_space<hbm>>
    %dma_start3A_33 = tpu.memref_squeeze %dma_start3A_32 : memref<1x50x128xf32, #tpu.memory_space<hbm>> -> memref<50x128xf32, #tpu.memory_space<hbm>>
    %dma_start3A_34 = arith.constant 0 : i32
    %dma_start3A_35 = arith.constant 0 : i32
    %dma_start3A_36 = tpu.memref_slice %arg4[%add3A_26, %dma_start3A_34, %dma_start3A_35] : memref<4096x50x128xf32, #tpu.memory_space<hbm>> -> memref<1x50x128xf32, #tpu.memory_space<hbm>>
    %dma_start3A_37 = tpu.memref_squeeze %dma_start3A_36 : memref<1x50x128xf32, #tpu.memory_space<hbm>> -> memref<50x128xf32, #tpu.memory_space<hbm>>
    %dma_start3A_38 = arith.constant 0 : i32
    %dma_start3A_39 = arith.constant 0 : i32
    %dma_start3A_40 = tpu.memref_slice %arg6[%dma_start3A_38, %dma_start3A_39] : memref<200x128xf32, #tpu.memory_space<vmem>> -> memref<50x128xf32, #tpu.memory_space<vmem>>
    tpu.enqueue_dma source(%dma_start3A_40 : memref<50x128xf32, #tpu.memory_space<vmem>>) target(%dma_start3A_37 : memref<50x128xf32, #tpu.memory_space<hbm>>) target_semaphore(%arg14 : memref<!tpu.dma_semaphore, #tpu.memory_space<semaphore_mem>>)
    %add3A_41 = arith.constant 0 : i32
    %add3A_42 = arith.addi %mul3A_4, %add3A_41 : i32
    %add3A_43 = arith.constant 1 : i32
    %add3A_44 = arith.addi %add3A_42, %add3A_43 : i32
    %dma_start3A_45 = arith.constant 50 : i32
    %dma_start3A_46 = arith.constant 0 : i32
    %dma_start3A_47 = tpu.memref_slice %arg6[%dma_start3A_45, %dma_start3A_46] : memref<200x128xf32, #tpu.memory_space<vmem>> -> memref<50x128xf32, #tpu.memory_space<vmem>>
    %dma_start3A_48 = arith.constant 0 : i32
    %dma_start3A_49 = arith.constant 0 : i32
    %dma_start3A_50 = tpu.memref_slice %arg4[%add3A_44, %dma_start3A_48, %dma_start3A_49] : memref<4096x50x128xf32, #tpu.memory_space<hbm>> -> memref<1x50x128xf32, #tpu.memory_space<hbm>>
    %dma_start3A_51 = tpu.memref_squeeze %dma_start3A_50 : memref<1x50x128xf32, #tpu.memory_space<hbm>> -> memref<50x128xf32, #tpu.memory_space<hbm>>
    %dma_start3A_52 = arith.constant 0 : i32
    %dma_start3A_53 = arith.constant 0 : i32
    %dma_start3A_54 = tpu.memref_slice %arg4[%add3A_44, %dma_start3A_52, %dma_start3A_53] : memref<4096x50x128xf32, #tpu.memory_space<hbm>> -> memref<1x50x128xf32, #tpu.memory_space<hbm>>
    %dma_start3A_55 = tpu.memref_squeeze %dma_start3A_54 : memref<1x50x128xf32, #tpu.memory_space<hbm>> -> memref<50x128xf32, #tpu.memory_space<hbm>>
    %dma_start3A_56 = arith.constant 50 : i32
    %dma_start3A_57 = arith.constant 0 : i32
    %dma_start3A_58 = tpu.memref_slice %arg6[%dma_start3A_56, %dma_start3A_57] : memref<200x128xf32, #tpu.memory_space<vmem>> -> memref<50x128xf32, #tpu.memory_space<vmem>>
    tpu.enqueue_dma source(%dma_start3A_58 : memref<50x128xf32, #tpu.memory_space<vmem>>) target(%dma_start3A_55 : memref<50x128xf32, #tpu.memory_space<hbm>>) target_semaphore(%arg14 : memref<!tpu.dma_semaphore, #tpu.memory_space<semaphore_mem>>)
    %add3A_59 = arith.constant 0 : i32
    %add3A_60 = arith.addi %mul3A_4, %add3A_59 : i32
    %add3A_61 = arith.constant 2 : i32
    %add3A_62 = arith.addi %add3A_60, %add3A_61 : i32
    %dma_start3A_63 = arith.constant 100 : i32
    %dma_start3A_64 = arith.constant 0 : i32
    %dma_start3A_65 = tpu.memref_slice %arg6[%dma_start3A_63, %dma_start3A_64] : memref<200x128xf32, #tpu.memory_space<vmem>> -> memref<50x128xf32, #tpu.memory_space<vmem>>
    %dma_start3A_66 = arith.constant 0 : i32
    %dma_start3A_67 = arith.constant 0 : i32
    %dma_start3A_68 = tpu.memref_slice %arg4[%add3A_62, %dma_start3A_66, %dma_start3A_67] : memref<4096x50x128xf32, #tpu.memory_space<hbm>> -> memref<1x50x128xf32, #tpu.memory_space<hbm>>
    %dma_start3A_69 = tpu.memref_squeeze %dma_start3A_68 : memref<1x50x128xf32, #tpu.memory_space<hbm>> -> memref<50x128xf32, #tpu.memory_space<hbm>>
    %dma_start3A_70 = arith.constant 0 : i32
    %dma_start3A_71 = arith.constant 0 : i32
    %dma_start3A_72 = tpu.memref_slice %arg4[%add3A_62, %dma_start3A_70, %dma_start3A_71] : memref<4096x50x128xf32, #tpu.memory_space<hbm>> -> memref<1x50x128xf32, #tpu.memory_space<hbm>>
    %dma_start3A_73 = tpu.memref_squeeze %dma_start3A_72 : memref<1x50x128xf32, #tpu.memory_space<hbm>> -> memref<50x128xf32, #tpu.memory_space<hbm>>
    %dma_start3A_74 = arith.constant 100 : i32
    %dma_start3A_75 = arith.constant 0 : i32
    %dma_start3A_76 = tpu.memref_slice %arg6[%dma_start3A_74, %dma_start3A_75] : memref<200x128xf32, #tpu.memory_space<vmem>> -> memref<50x128xf32, #tpu.memory_space<vmem>>
    tpu.enqueue_dma source(%dma_start3A_76 : memref<50x128xf32, #tpu.memory_space<vmem>>) target(%dma_start3A_73 : memref<50x128xf32, #tpu.memory_space<hbm>>) target_semaphore(%arg14 : memref<!tpu.dma_semaphore, #tpu.memory_space<semaphore_mem>>)
    %add3A_77 = arith.constant 0 : i32
    %add3A_78 = arith.addi %mul3A_4, %add3A_77 : i32
    %add3A_79 = arith.constant 3 : i32
    %add3A_80 = arith.addi %add3A_78, %add3A_79 : i32
    %dma_start3A_81 = arith.constant 150 : i32
    %dma_start3A_82 = arith.constant 0 : i32
    %dma_start3A_83 = tpu.memref_slice %arg6[%dma_start3A_81, %dma_start3A_82] : memref<200x128xf32, #tpu.memory_space<vmem>> -> memref<50x128xf32, #tpu.memory_space<vmem>>
    %dma_start3A_84 = arith.constant 0 : i32
    %dma_start3A_85 = arith.constant 0 : i32
    %dma_start3A_86 = tpu.memref_slice %arg4[%add3A_80, %dma_start3A_84, %dma_start3A_85] : memref<4096x50x128xf32, #tpu.memory_space<hbm>> -> memref<1x50x128xf32, #tpu.memory_space<hbm>>
    %dma_start3A_87 = tpu.memref_squeeze %dma_start3A_86 : memref<1x50x128xf32, #tpu.memory_space<hbm>> -> memref<50x128xf32, #tpu.memory_space<hbm>>
    %dma_start3A_88 = arith.constant 0 : i32
    %dma_start3A_89 = arith.constant 0 : i32
    %dma_start3A_90 = tpu.memref_slice %arg4[%add3A_80, %dma_start3A_88, %dma_start3A_89] : memref<4096x50x128xf32, #tpu.memory_space<hbm>> -> memref<1x50x128xf32, #tpu.memory_space<hbm>>
    %dma_start3A_91 = tpu.memref_squeeze %dma_start3A_90 : memref<1x50x128xf32, #tpu.memory_space<hbm>> -> memref<50x128xf32, #tpu.memory_space<hbm>>
    %dma_start3A_92 = arith.constant 150 : i32
    %dma_start3A_93 = arith.constant 0 : i32
    %dma_start3A_94 = tpu.memref_slice %arg6[%dma_start3A_92, %dma_start3A_93] : memref<200x128xf32, #tpu.memory_space<vmem>> -> memref<50x128xf32, #tpu.memory_space<vmem>>
    tpu.enqueue_dma source(%dma_start3A_94 : memref<50x128xf32, #tpu.memory_space<vmem>>) target(%dma_start3A_91 : memref<50x128xf32, #tpu.memory_space<hbm>>) target_semaphore(%arg14 : memref<!tpu.dma_semaphore, #tpu.memory_space<semaphore_mem>>)
    %dma_start3A_95 = arith.constant 600 : i32
    %dma_start3A_96 = tpu.memref_slice %arg5[%dma_start3A_95] : memref<6400xi32, #tpu.memory_space<vmem>> -> memref<200xi32, #tpu.memory_space<vmem>>
    %dma_start3A_97 = arith.constant 0 : i32
    %dma_start3A_98 = arith.constant 0 : i32
    %dma_start3A_99 = tpu.memref_slice %arg3[%dma_start3A_97, %dma_start3A_98] : memref<100000x128xf32, #tpu.memory_space<hbm>> -> memref<100000x128xf32, #tpu.memory_space<hbm>>
    tpu.enqueue_indirect_dma source(%dma_start3A_99 : memref<100000x128xf32, #tpu.memory_space<hbm>>) target(%arg9 : memref<200x128xf32, #tpu.memory_space<vmem>>) offsets(%dma_start3A_96 : memref<200xi32, #tpu.memory_space<vmem>>) semaphore(%arg13 : memref<!tpu.dma_semaphore, #tpu.memory_space<semaphore_mem>>)
    %dma_wait3A_100 = arith.constant 0 : i32
    %dma_wait3A_101 = tpu.memref_slice %arg5[%dma_wait3A_100] : memref<6400xi32, #tpu.memory_space<vmem>> -> memref<200xi32, #tpu.memory_space<vmem>>
    %dma_wait3A_102 = arith.constant 0 : i32
    %dma_wait3A_103 = arith.constant 0 : i32
    %dma_wait3A_104 = tpu.memref_slice %arg3[%dma_wait3A_102, %dma_wait3A_103] : memref<100000x128xf32, #tpu.memory_space<hbm>> -> memref<100000x128xf32, #tpu.memory_space<hbm>>
    tpu.wait_indirect_dma semaphore(%arg11 : memref<!tpu.dma_semaphore, #tpu.memory_space<semaphore_mem>>) src(%dma_wait3A_104 : memref<100000x128xf32, #tpu.memory_space<hbm>>) dst(%arg7 : memref<200x128xf32, #tpu.memory_space<vmem>>)
    %add3A_105 = arith.constant 4 : i32
    %add3A_106 = arith.addi %mul3A_4, %add3A_105 : i32
    %add3A_107 = arith.constant 0 : i32
    %add3A_108 = arith.addi %add3A_106, %add3A_107 : i32
    %dma_start3A_109 = arith.constant 0 : i32
    %dma_start3A_110 = arith.constant 0 : i32
    %dma_start3A_111 = tpu.memref_slice %arg7[%dma_start3A_109, %dma_start3A_110] : memref<200x128xf32, #tpu.memory_space<vmem>> -> memref<50x128xf32, #tpu.memory_space<vmem>>
    %dma_start3A_112 = arith.constant 0 : i32
    %dma_start3A_113 = arith.constant 0 : i32
    %dma_start3A_114 = tpu.memref_slice %arg4[%add3A_108, %dma_start3A_112, %dma_start3A_113] : memref<4096x50x128xf32, #tpu.memory_space<hbm>> -> memref<1x50x128xf32, #tpu.memory_space<hbm>>
    %dma_start3A_115 = tpu.memref_squeeze %dma_start3A_114 : memref<1x50x128xf32, #tpu.memory_space<hbm>> -> memref<50x128xf32, #tpu.memory_space<hbm>>
    %dma_start3A_116 = arith.constant 0 : i32
    %dma_start3A_117 = arith.constant 0 : i32
    %dma_start3A_118 = tpu.memref_slice %arg4[%add3A_108, %dma_start3A_116, %dma_start3A_117] : memref<4096x50x128xf32, #tpu.memory_space<hbm>> -> memref<1x50x128xf32, #tpu.memory_space<hbm>>
    %dma_start3A_119 = tpu.memref_squeeze %dma_start3A_118 : memref<1x50x128xf32, #tpu.memory_space<hbm>> -> memref<50x128xf32, #tpu.memory_space<hbm>>
    %dma_start3A_120 = arith.constant 0 : i32
    %dma_start3A_121 = arith.constant 0 : i32
    %dma_start3A_122 = tpu.memref_slice %arg7[%dma_start3A_120, %dma_start3A_121] : memref<200x128xf32, #tpu.memory_space<vmem>> -> memref<50x128xf32, #tpu.memory_space<vmem>>
    tpu.enqueue_dma source(%dma_start3A_122 : memref<50x128xf32, #tpu.memory_space<vmem>>) target(%dma_start3A_119 : memref<50x128xf32, #tpu.memory_space<hbm>>) target_semaphore(%arg15 : memref<!tpu.dma_semaphore, #tpu.memory_space<semaphore_mem>>)
    %add3A_123 = arith.constant 4 : i32
    %add3A_124 = arith.addi %mul3A_4, %add3A_123 : i32
    %add3A_125 = arith.constant 1 : i32
    %add3A_126 = arith.addi %add3A_124, %add3A_125 : i32
    %dma_start3A_127 = arith.constant 50 : i32
    %dma_start3A_128 = arith.constant 0 : i32
    %dma_start3A_129 = tpu.memref_slice %arg7[%dma_start3A_127, %dma_start3A_128] : memref<200x128xf32, #tpu.memory_space<vmem>> -> memref<50x128xf32, #tpu.memory_space<vmem>>
    %dma_start3A_130 = arith.constant 0 : i32
    %dma_start3A_131 = arith.constant 0 : i32
    %dma_start3A_132 = tpu.memref_slice %arg4[%add3A_126, %dma_start3A_130, %dma_start3A_131] : memref<4096x50x128xf32, #tpu.memory_space<hbm>> -> memref<1x50x128xf32, #tpu.memory_space<hbm>>
    %dma_start3A_133 = tpu.memref_squeeze %dma_start3A_132 : memref<1x50x128xf32, #tpu.memory_space<hbm>> -> memref<50x128xf32, #tpu.memory_space<hbm>>
    %dma_start3A_134 = arith.constant 0 : i32
    %dma_start3A_135 = arith.constant 0 : i32
    %dma_start3A_136 = tpu.memref_slice %arg4[%add3A_126, %dma_start3A_134, %dma_start3A_135] : memref<4096x50x128xf32, #tpu.memory_space<hbm>> -> memref<1x50x128xf32, #tpu.memory_space<hbm>>
    %dma_start3A_137 = tpu.memref_squeeze %dma_start3A_136 : memref<1x50x128xf32, #tpu.memory_space<hbm>> -> memref<50x128xf32, #tpu.memory_space<hbm>>
    %dma_start3A_138 = arith.constant 50 : i32
    %dma_start3A_139 = arith.constant 0 : i32
    %dma_start3A_140 = tpu.memref_slice %arg7[%dma_start3A_138, %dma_start3A_139] : memref<200x128xf32, #tpu.memory_space<vmem>> -> memref<50x128xf32, #tpu.memory_space<vmem>>
    tpu.enqueue_dma source(%dma_start3A_140 : memref<50x128xf32, #tpu.memory_space<vmem>>) target(%dma_start3A_137 : memref<50x128xf32, #tpu.memory_space<hbm>>) target_semaphore(%arg15 : memref<!tpu.dma_semaphore, #tpu.memory_space<semaphore_mem>>)
    %add3A_141 = arith.constant 4 : i32
    %add3A_142 = arith.addi %mul3A_4, %add3A_141 : i32
    %add3A_143 = arith.constant 2 : i32
    %add3A_144 = arith.addi %add3A_142, %add3A_143 : i32
    %dma_start3A_145 = arith.constant 100 : i32
    %dma_start3A_146 = arith.constant 0 : i32
    %dma_start3A_147 = tpu.memref_slice %arg7[%dma_start3A_145, %dma_start3A_146] : memref<200x128xf32, #tpu.memory_space<vmem>> -> memref<50x128xf32, #tpu.memory_space<vmem>>
    %dma_start3A_148 = arith.constant 0 : i32
    %dma_start3A_149 = arith.constant 0 : i32
    %dma_start3A_150 = tpu.memref_slice %arg4[%add3A_144, %dma_start3A_148, %dma_start3A_149] : memref<4096x50x128xf32, #tpu.memory_space<hbm>> -> memref<1x50x128xf32, #tpu.memory_space<hbm>>
    %dma_start3A_151 = tpu.memref_squeeze %dma_start3A_150 : memref<1x50x128xf32, #tpu.memory_space<hbm>> -> memref<50x128xf32, #tpu.memory_space<hbm>>
    %dma_start3A_152 = arith.constant 0 : i32
    %dma_start3A_153 = arith.constant 0 : i32
    %dma_start3A_154 = tpu.memref_slice %arg4[%add3A_144, %dma_start3A_152, %dma_start3A_153] : memref<4096x50x128xf32, #tpu.memory_space<hbm>> -> memref<1x50x128xf32, #tpu.memory_space<hbm>>
    %dma_start3A_155 = tpu.memref_squeeze %dma_start3A_154 : memref<1x50x128xf32, #tpu.memory_space<hbm>> -> memref<50x128xf32, #tpu.memory_space<hbm>>
    %dma_start3A_156 = arith.constant 100 : i32
    %dma_start3A_157 = arith.constant 0 : i32
    %dma_start3A_158 = tpu.memref_slice %arg7[%dma_start3A_156, %dma_start3A_157] : memref<200x128xf32, #tpu.memory_space<vmem>> -> memref<50x128xf32, #tpu.memory_space<vmem>>
    tpu.enqueue_dma source(%dma_start3A_158 : memref<50x128xf32, #tpu.memory_space<vmem>>) target(%dma_start3A_155 : memref<50x128xf32, #tpu.memory_space<hbm>>) target_semaphore(%arg15 : memref<!tpu.dma_semaphore, #tpu.memory_space<semaphore_mem>>)
    %add3A_159 = arith.constant 4 : i32
    %add3A_160 = arith.addi %mul3A_4, %add3A_159 : i32
    %add3A_161 = arith.constant 3 : i32
    %add3A_162 = arith.addi %add3A_160, %add3A_161 : i32
    %dma_start3A_163 = arith.constant 150 : i32
    %dma_start3A_164 = arith.constant 0 : i32
    %dma_start3A_165 = tpu.memref_slice %arg7[%dma_start3A_163, %dma_start3A_164] : memref<200x128xf32, #tpu.memory_space<vmem>> -> memref<50x128xf32, #tpu.memory_space<vmem>>
    %dma_start3A_166 = arith.constant 0 : i32
    %dma_start3A_167 = arith.constant 0 : i32
    %dma_start3A_168 = tpu.memref_slice %arg4[%add3A_162, %dma_start3A_166, %dma_start3A_167] : memref<4096x50x128xf32, #tpu.memory_space<hbm>> -> memref<1x50x128xf32, #tpu.memory_space<hbm>>
    %dma_start3A_169 = tpu.memref_squeeze %dma_start3A_168 : memref<1x50x128xf32, #tpu.memory_space<hbm>> -> memref<50x128xf32, #tpu.memory_space<hbm>>
    %dma_start3A_170 = arith.constant 0 : i32
    %dma_start3A_171 = arith.constant 0 : i32
    %dma_start3A_172 = tpu.memref_slice %arg4[%add3A_162, %dma_start3A_170, %dma_start3A_171] : memref<4096x50x128xf32, #tpu.memory_space<hbm>> -> memref<1x50x128xf32, #tpu.memory_space<hbm>>
    %dma_start3A_173 = tpu.memref_squeeze %dma_start3A_172 : memref<1x50x128xf32, #tpu.memory_space<hbm>> -> memref<50x128xf32, #tpu.memory_space<hbm>>
    %dma_start3A_174 = arith.constant 150 : i32
    %dma_start3A_175 = arith.constant 0 : i32
    %dma_start3A_176 = tpu.memref_slice %arg7[%dma_start3A_174, %dma_start3A_175] : memref<200x128xf32, #tpu.memory_space<vmem>> -> memref<50x128xf32, #tpu.memory_space<vmem>>
    tpu.enqueue_dma source(%dma_start3A_176 : memref<50x128xf32, #tpu.memory_space<vmem>>) target(%dma_start3A_173 : memref<50x128xf32, #tpu.memory_space<hbm>>) target_semaphore(%arg15 : memref<!tpu.dma_semaphore, #tpu.memory_space<semaphore_mem>>)
    %dma_wait3A_177 = arith.constant 0 : i32
    %dma_wait3A_178 = arith.constant 0 : i32
    %dma_wait3A_179 = tpu.memref_slice %arg6[%dma_wait3A_177, %dma_wait3A_178] : memref<200x128xf32, #tpu.memory_space<vmem>> -> memref<50x128xf32, #tpu.memory_space<vmem>>
    %dma_wait3A_180 = arith.constant 0 : i32
    %dma_wait3A_181 = arith.constant 0 : i32
    %dma_wait3A_182 = tpu.memref_slice %arg4[%mul3A_4, %dma_wait3A_180, %dma_wait3A_181] : memref<4096x50x128xf32, #tpu.memory_space<hbm>> -> memref<1x50x128xf32, #tpu.memory_space<hbm>>
    %dma_wait3A_183 = tpu.memref_squeeze %dma_wait3A_182 : memref<1x50x128xf32, #tpu.memory_space<hbm>> -> memref<50x128xf32, #tpu.memory_space<hbm>>
    %dma_wait3A_184 = arith.constant 0 : i32
    %dma_wait3A_185 = arith.constant 0 : i32
    %dma_wait3A_186 = tpu.memref_slice %arg4[%mul3A_4, %dma_wait3A_184, %dma_wait3A_185] : memref<4096x50x128xf32, #tpu.memory_space<hbm>> -> memref<1x50x128xf32, #tpu.memory_space<hbm>>
    %dma_wait3A_187 = tpu.memref_squeeze %dma_wait3A_186 : memref<1x50x128xf32, #tpu.memory_space<hbm>> -> memref<50x128xf32, #tpu.memory_space<hbm>>
    %dma_wait3A_188 = arith.constant 0 : i32
    %dma_wait3A_189 = arith.constant 0 : i32
    %dma_wait3A_190 = tpu.memref_slice %arg6[%dma_wait3A_188, %dma_wait3A_189] : memref<200x128xf32, #tpu.memory_space<vmem>> -> memref<50x128xf32, #tpu.memory_space<vmem>>
    tpu.wait_dma2 semaphore(%arg14 : memref<!tpu.dma_semaphore, #tpu.memory_space<semaphore_mem>>) src(%dma_wait3A_190 : memref<50x128xf32, #tpu.memory_space<vmem>>) dst(%dma_wait3A_187 : memref<50x128xf32, #tpu.memory_space<hbm>>)
    %dma_wait3A_191 = arith.constant 50 : i32
    %dma_wait3A_192 = arith.constant 0 : i32
    %dma_wait3A_193 = tpu.memref_slice %arg6[%dma_wait3A_191, %dma_wait3A_192] : memref<200x128xf32, #tpu.memory_space<vmem>> -> memref<50x128xf32, #tpu.memory_space<vmem>>
    %dma_wait3A_194 = arith.constant 0 : i32
    %dma_wait3A_195 = arith.constant 0 : i32
    %dma_wait3A_196 = tpu.memref_slice %arg4[%mul3A_4, %dma_wait3A_194, %dma_wait3A_195] : memref<4096x50x128xf32, #tpu.memory_space<hbm>> -> memref<1x50x128xf32, #tpu.memory_space<hbm>>
    %dma_wait3A_197 = tpu.memref_squeeze %dma_wait3A_196 : memref<1x50x128xf32, #tpu.memory_space<hbm>> -> memref<50x128xf32, #tpu.memory_space<hbm>>
    %dma_wait3A_198 = arith.constant 0 : i32
    %dma_wait3A_199 = arith.constant 0 : i32
    %dma_wait3A_200 = tpu.memref_slice %arg4[%mul3A_4, %dma_wait3A_198, %dma_wait3A_199] : memref<4096x50x128xf32, #tpu.memory_space<hbm>> -> memref<1x50x128xf32, #tpu.memory_space<hbm>>
    %dma_wait3A_201 = tpu.memref_squeeze %dma_wait3A_200 : memref<1x50x128xf32, #tpu.memory_space<hbm>> -> memref<50x128xf32, #tpu.memory_space<hbm>>
    %dma_wait3A_202 = arith.constant 50 : i32
    %dma_wait3A_203 = arith.constant 0 : i32
    %dma_wait3A_204 = tpu.memref_slice %arg6[%dma_wait3A_202, %dma_wait3A_203] : memref<200x128xf32, #tpu.memory_space<vmem>> -> memref<50x128xf32, #tpu.memory_space<vmem>>
    tpu.wait_dma2 semaphore(%arg14 : memref<!tpu.dma_semaphore, #tpu.memory_space<semaphore_mem>>) src(%dma_wait3A_204 : memref<50x128xf32, #tpu.memory_space<vmem>>) dst(%dma_wait3A_201 : memref<50x128xf32, #tpu.memory_space<hbm>>)
    %dma_wait3A_205 = arith.constant 100 : i32
    %dma_wait3A_206 = arith.constant 0 : i32
    %dma_wait3A_207 = tpu.memref_slice %arg6[%dma_wait3A_205, %dma_wait3A_206] : memref<200x128xf32, #tpu.memory_space<vmem>> -> memref<50x128xf32, #tpu.memory_space<vmem>>
    %dma_wait3A_208 = arith.constant 0 : i32
    %dma_wait3A_209 = arith.constant 0 : i32
    %dma_wait3A_210 = tpu.memref_slice %arg4[%mul3A_4, %dma_wait3A_208, %dma_wait3A_209] : memref<4096x50x128xf32, #tpu.memory_space<hbm>> -> memref<1x50x128xf32, #tpu.memory_space<hbm>>
    %dma_wait3A_211 = tpu.memref_squeeze %dma_wait3A_210 : memref<1x50x128xf32, #tpu.memory_space<hbm>> -> memref<50x128xf32, #tpu.memory_space<hbm>>
    %dma_wait3A_212 = arith.constant 0 : i32
    %dma_wait3A_213 = arith.constant 0 : i32
    %dma_wait3A_214 = tpu.memref_slice %arg4[%mul3A_4, %dma_wait3A_212, %dma_wait3A_213] : memref<4096x50x128xf32, #tpu.memory_space<hbm>> -> memref<1x50x128xf32, #tpu.memory_space<hbm>>
    %dma_wait3A_215 = tpu.memref_squeeze %dma_wait3A_214 : memref<1x50x128xf32, #tpu.memory_space<hbm>> -> memref<50x128xf32, #tpu.memory_space<hbm>>
    %dma_wait3A_216 = arith.constant 100 : i32
    %dma_wait3A_217 = arith.constant 0 : i32
    %dma_wait3A_218 = tpu.memref_slice %arg6[%dma_wait3A_216, %dma_wait3A_217] : memref<200x128xf32, #tpu.memory_space<vmem>> -> memref<50x128xf32, #tpu.memory_space<vmem>>
    tpu.wait_dma2 semaphore(%arg14 : memref<!tpu.dma_semaphore, #tpu.memory_space<semaphore_mem>>) src(%dma_wait3A_218 : memref<50x128xf32, #tpu.memory_space<vmem>>) dst(%dma_wait3A_215 : memref<50x128xf32, #tpu.memory_space<hbm>>)
    %dma_wait3A_219 = arith.constant 150 : i32
    %dma_wait3A_220 = arith.constant 0 : i32
    %dma_wait3A_221 = tpu.memref_slice %arg6[%dma_wait3A_219, %dma_wait3A_220] : memref<200x128xf32, #tpu.memory_space<vmem>> -> memref<50x128xf32, #tpu.memory_space<vmem>>
    %dma_wait3A_222 = arith.constant 0 : i32
    %dma_wait3A_223 = arith.constant 0 : i32
    %dma_wait3A_224 = tpu.memref_slice %arg4[%mul3A_4, %dma_wait3A_222, %dma_wait3A_223] : memref<4096x50x128xf32, #tpu.memory_space<hbm>> -> memref<1x50x128xf32, #tpu.memory_space<hbm>>
    %dma_wait3A_225 = tpu.memref_squeeze %dma_wait3A_224 : memref<1x50x128xf32, #tpu.memory_space<hbm>> -> memref<50x128xf32, #tpu.memory_space<hbm>>
    %dma_wait3A_226 = arith.constant 0 : i32
    %dma_wait3A_227 = arith.constant 0 : i32
    %dma_wait3A_228 = tpu.memref_slice %arg4[%mul3A_4, %dma_wait3A_226, %dma_wait3A_227] : memref<4096x50x128xf32, #tpu.memory_space<hbm>> -> memref<1x50x128xf32, #tpu.memory_space<hbm>>
    %dma_wait3A_229 = tpu.memref_squeeze %dma_wait3A_228 : memref<1x50x128xf32, #tpu.memory_space<hbm>> -> memref<50x128xf32, #tpu.memory_space<hbm>>
    %dma_wait3A_230 = arith.constant 150 : i32
    %dma_wait3A_231 = arith.constant 0 : i32
    %dma_wait3A_232 = tpu.memref_slice %arg6[%dma_wait3A_230, %dma_wait3A_231] : memref<200x128xf32, #tpu.memory_space<vmem>> -> memref<50x128xf32, #tpu.memory_space<vmem>>
    tpu.wait_dma2 semaphore(%arg14 : memref<!tpu.dma_semaphore, #tpu.memory_space<semaphore_mem>>) src(%dma_wait3A_232 : memref<50x128xf32, #tpu.memory_space<vmem>>) dst(%dma_wait3A_229 : memref<50x128xf32, #tpu.memory_space<hbm>>)
    %dma_start3A_233 = arith.constant 800 : i32
    %dma_start3A_234 = tpu.memref_slice %arg5[%dma_start3A_233] : memref<6400xi32, #tpu.memory_space<vmem>> -> memref<200xi32, #tpu.memory_space<vmem>>
    %dma_start3A_235 = arith.constant 0 : i32
    %dma_start3A_236 = arith.constant 0 : i32
    %dma_start3A_237 = tpu.memref_slice %arg3[%dma_start3A_235, %dma_start3A_236] : memref<100000x128xf32, #tpu.memory_space<hbm>> -> memref<100000x128xf32, #tpu.memory_space<hbm>>
    tpu.enqueue_indirect_dma source(%dma_start3A_237 : memref<100000x128xf32, #tpu.memory_space<hbm>>) target(%arg6 : memref<200x128xf32, #tpu.memory_space<vmem>>) offsets(%dma_start3A_234 : memref<200xi32, #tpu.memory_space<vmem>>) semaphore(%arg10 : memref<!tpu.dma_semaphore, #tpu.memory_space<semaphore_mem>>)
    %dma_wait3A_238 = arith.constant 0 : i32
    %dma_wait3A_239 = tpu.memref_slice %arg5[%dma_wait3A_238] : memref<6400xi32, #tpu.memory_space<vmem>> -> memref<200xi32, #tpu.memory_space<vmem>>
    %dma_wait3A_240 = arith.constant 0 : i32
    %dma_wait3A_241 = arith.constant 0 : i32
    %dma_wait3A_242 = tpu.memref_slice %arg3[%dma_wait3A_240, %dma_wait3A_241] : memref<100000x128xf32, #tpu.memory_space<hbm>> -> memref<100000x128xf32, #tpu.memory_space<hbm>>
    tpu.wait_indirect_dma semaphore(%arg12 : memref<!tpu.dma_semaphore, #tpu.memory_space<semaphore_mem>>) src(%dma_wait3A_242 : memref<100000x128xf32, #tpu.memory_space<hbm>>) dst(%arg8 : memref<200x128xf32, #tpu.memory_space<vmem>>)
    %add3A_243 = arith.constant 8 : i32
    %add3A_244 = arith.addi %mul3A_4, %add3A_243 : i32
    %add3A_245 = arith.constant 0 : i32
    %add3A_246 = arith.addi %add3A_244, %add3A_245 : i32
    %dma_start3A_247 = arith.constant 0 : i32
    %dma_start3A_248 = arith.constant 0 : i32
    %dma_start3A_249 = tpu.memref_slice %arg8[%dma_start3A_247, %dma_start3A_248] : memref<200x128xf32, #tpu.memory_space<vmem>> -> memref<50x128xf32, #tpu.memory_space<vmem>>
    %dma_start3A_250 = arith.constant 0 : i32
    %dma_start3A_251 = arith.constant 0 : i32
    %dma_start3A_252 = tpu.memref_slice %arg4[%add3A_246, %dma_start3A_250, %dma_start3A_251] : memref<4096x50x128xf32, #tpu.memory_space<hbm>> -> memref<1x50x128xf32, #tpu.memory_space<hbm>>
    %dma_start3A_253 = tpu.memref_squeeze %dma_start3A_252 : memref<1x50x128xf32, #tpu.memory_space<hbm>> -> memref<50x128xf32, #tpu.memory_space<hbm>>
    %dma_start3A_254 = arith.constant 0 : i32
    %dma_start3A_255 = arith.constant 0 : i32
    %dma_start3A_256 = tpu.memref_slice %arg4[%add3A_246, %dma_start3A_254, %dma_start3A_255] : memref<4096x50x128xf32, #tpu.memory_space<hbm>> -> memref<1x50x128xf32, #tpu.memory_space<hbm>>
    %dma_start3A_257 = tpu.memref_squeeze %dma_start3A_256 : memref<1x50x128xf32, #tpu.memory_space<hbm>> -> memref<50x128xf32, #tpu.memory_space<hbm>>
    %dma_start3A_258 = arith.constant 0 : i32
    %dma_start3A_259 = arith.constant 0 : i32
    %dma_start3A_260 = tpu.memref_slice %arg8[%dma_start3A_258, %dma_start3A_259] : memref<200x128xf32, #tpu.memory_space<vmem>> -> memref<50x128xf32, #tpu.memory_space<vmem>>
    tpu.enqueue_dma source(%dma_start3A_260 : memref<50x128xf32, #tpu.memory_space<vmem>>) target(%dma_start3A_257 : memref<50x128xf32, #tpu.memory_space<hbm>>) target_semaphore(%arg16 : memref<!tpu.dma_semaphore, #tpu.memory_space<semaphore_mem>>)
    %add3A_261 = arith.constant 8 : i32
    %add3A_262 = arith.addi %mul3A_4, %add3A_261 : i32
    %add3A_263 = arith.constant 1 : i32
    %add3A_264 = arith.addi %add3A_262, %add3A_263 : i32
    %dma_start3A_265 = arith.constant 50 : i32
    %dma_start3A_266 = arith.constant 0 : i32
    %dma_start3A_267 = tpu.memref_slice %arg8[%dma_start3A_265, %dma_start3A_266] : memref<200x128xf32, #tpu.memory_space<vmem>> -> memref<50x128xf32, #tpu.memory_space<vmem>>
    %dma_start3A_268 = arith.constant 0 : i32
    %dma_start3A_269 = arith.constant 0 : i32
    %dma_start3A_270 = tpu.memref_slice %arg4[%add3A_264, %dma_start3A_268, %dma_start3A_269] : memref<4096x50x128xf32, #tpu.memory_space<hbm>> -> memref<1x50x128xf32, #tpu.memory_space<hbm>>
    %dma_start3A_271 = tpu.memref_squeeze %dma_start3A_270 : memref<1x50x128xf32, #tpu.memory_space<hbm>> -> memref<50x128xf32, #tpu.memory_space<hbm>>
    %dma_start3A_272 = arith.constant 0 : i32
    %dma_start3A_273 = arith.constant 0 : i32
    %dma_start3A_274 = tpu.memref_slice %arg4[%add3A_264, %dma_start3A_272, %dma_start3A_273] : memref<4096x50x128xf32, #tpu.memory_space<hbm>> -> memref<1x50x128xf32, #tpu.memory_space<hbm>>
    %dma_start3A_275 = tpu.memref_squeeze %dma_start3A_274 : memref<1x50x128xf32, #tpu.memory_space<hbm>> -> memref<50x128xf32, #tpu.memory_space<hbm>>
    %dma_start3A_276 = arith.constant 50 : i32
    %dma_start3A_277 = arith.constant 0 : i32
    %dma_start3A_278 = tpu.memref_slice %arg8[%dma_start3A_276, %dma_start3A_277] : memref<200x128xf32, #tpu.memory_space<vmem>> -> memref<50x128xf32, #tpu.memory_space<vmem>>
    tpu.enqueue_dma source(%dma_start3A_278 : memref<50x128xf32, #tpu.memory_space<vmem>>) target(%dma_start3A_275 : memref<50x128xf32, #tpu.memory_space<hbm>>) target_semaphore(%arg16 : memref<!tpu.dma_semaphore, #tpu.memory_space<semaphore_mem>>)
    %add3A_279 = arith.constant 8 : i32
    %add3A_280 = arith.addi %mul3A_4, %add3A_279 : i32
    %add3A_281 = arith.constant 2 : i32
    %add3A_282 = arith.addi %add3A_280, %add3A_281 : i32
    %dma_start3A_283 = arith.constant 100 : i32
    %dma_start3A_284 = arith.constant 0 : i32
    %dma_start3A_285 = tpu.memref_slice %arg8[%dma_start3A_283, %dma_start3A_284] : memref<200x128xf32, #tpu.memory_space<vmem>> -> memref<50x128xf32, #tpu.memory_space<vmem>>
    %dma_start3A_286 = arith.constant 0 : i32
    %dma_start3A_287 = arith.constant 0 : i32
    %dma_start3A_288 = tpu.memref_slice %arg4[%add3A_282, %dma_start3A_286, %dma_start3A_287] : memref<4096x50x128xf32, #tpu.memory_space<hbm>> -> memref<1x50x128xf32, #tpu.memory_space<hbm>>
    %dma_start3A_289 = tpu.memref_squeeze %dma_start3A_288 : memref<1x50x128xf32, #tpu.memory_space<hbm>> -> memref<50x128xf32, #tpu.memory_space<hbm>>
    %dma_start3A_290 = arith.constant 0 : i32
    %dma_start3A_291 = arith.constant 0 : i32
    %dma_start3A_292 = tpu.memref_slice %arg4[%add3A_282, %dma_start3A_290, %dma_start3A_291] : memref<4096x50x128xf32, #tpu.memory_space<hbm>> -> memref<1x50x128xf32, #tpu.memory_space<hbm>>
    %dma_start3A_293 = tpu.memref_squeeze %dma_start3A_292 : memref<1x50x128xf32, #tpu.memory_space<hbm>> -> memref<50x128xf32, #tpu.memory_space<hbm>>
    %dma_start3A_294 = arith.constant 100 : i32
    %dma_start3A_295 = arith.constant 0 : i32
    %dma_start3A_296 = tpu.memref_slice %arg8[%dma_start3A_294, %dma_start3A_295] : memref<200x128xf32, #tpu.memory_space<vmem>> -> memref<50x128xf32, #tpu.memory_space<vmem>>
    tpu.enqueue_dma source(%dma_start3A_296 : memref<50x128xf32, #tpu.memory_space<vmem>>) target(%dma_start3A_293 : memref<50x128xf32, #tpu.memory_space<hbm>>) target_semaphore(%arg16 : memref<!tpu.dma_semaphore, #tpu.memory_space<semaphore_mem>>)
    %add3A_297 = arith.constant 8 : i32
    %add3A_298 = arith.addi %mul3A_4, %add3A_297 : i32
    %add3A_299 = arith.constant 3 : i32
    %add3A_300 = arith.addi %add3A_298, %add3A_299 : i32
    %dma_start3A_301 = arith.constant 150 : i32
    %dma_start3A_302 = arith.constant 0 : i32
    %dma_start3A_303 = tpu.memref_slice %arg8[%dma_start3A_301, %dma_start3A_302] : memref<200x128xf32, #tpu.memory_space<vmem>> -> memref<50x128xf32, #tpu.memory_space<vmem>>
    %dma_start3A_304 = arith.constant 0 : i32
    %dma_start3A_305 = arith.constant 0 : i32
    %dma_start3A_306 = tpu.memref_slice %arg4[%add3A_300, %dma_start3A_304, %dma_start3A_305] : memref<4096x50x128xf32, #tpu.memory_space<hbm>> -> memref<1x50x128xf32, #tpu.memory_space<hbm>>
    %dma_start3A_307 = tpu.memref_squeeze %dma_start3A_306 : memref<1x50x128xf32, #tpu.memory_space<hbm>> -> memref<50x128xf32, #tpu.memory_space<hbm>>
    %dma_start3A_308 = arith.constant 0 : i32
    %dma_start3A_309 = arith.constant 0 : i32
    %dma_start3A_310 = tpu.memref_slice %arg4[%add3A_300, %dma_start3A_308, %dma_start3A_309] : memref<4096x50x128xf32, #tpu.memory_space<hbm>> -> memref<1x50x128xf32, #tpu.memory_space<hbm>>
    %dma_start3A_311 = tpu.memref_squeeze %dma_start3A_310 : memref<1x50x128xf32, #tpu.memory_space<hbm>> -> memref<50x128xf32, #tpu.memory_space<hbm>>
    %dma_start3A_312 = arith.constant 150 : i32
    %dma_start3A_313 = arith.constant 0 : i32
    %dma_start3A_314 = tpu.memref_slice %arg8[%dma_start3A_312, %dma_start3A_313] : memref<200x128xf32, #tpu.memory_space<vmem>> -> memref<50x128xf32, #tpu.memory_space<vmem>>
    tpu.enqueue_dma source(%dma_start3A_314 : memref<50x128xf32, #tpu.memory_space<vmem>>) target(%dma_start3A_311 : memref<50x128xf32, #tpu.memory_space<hbm>>) target_semaphore(%arg16 : memref<!tpu.dma_semaphore, #tpu.memory_space<semaphore_mem>>)
    %dma_wait3A_315 = arith.constant 0 : i32
    %dma_wait3A_316 = arith.constant 0 : i32
    %dma_wait3A_317 = tpu.memref_slice %arg7[%dma_wait3A_315, %dma_wait3A_316] : memref<200x128xf32, #tpu.memory_space<vmem>> -> memref<50x128xf32, #tpu.memory_space<vmem>>
    %dma_wait3A_318 = arith.constant 0 : i32
    %dma_wait3A_319 = arith.constant 0 : i32
    %dma_wait3A_320 = tpu.memref_slice %arg4[%mul3A_4, %dma_wait3A_318, %dma_wait3A_319] : memref<4096x50x128xf32, #tpu.memory_space<hbm>> -> memref<1x50x128xf32, #tpu.memory_space<hbm>>
    %dma_wait3A_321 = tpu.memref_squeeze %dma_wait3A_320 : memref<1x50x128xf32, #tpu.memory_space<hbm>> -> memref<50x128xf32, #tpu.memory_space<hbm>>
    %dma_wait3A_322 = arith.constant 0 : i32
    %dma_wait3A_323 = arith.constant 0 : i32
    %dma_wait3A_324 = tpu.memref_slice %arg4[%mul3A_4, %dma_wait3A_322, %dma_wait3A_323] : memref<4096x50x128xf32, #tpu.memory_space<hbm>> -> memref<1x50x128xf32, #tpu.memory_space<hbm>>
    %dma_wait3A_325 = tpu.memref_squeeze %dma_wait3A_324 : memref<1x50x128xf32, #tpu.memory_space<hbm>> -> memref<50x128xf32, #tpu.memory_space<hbm>>
    %dma_wait3A_326 = arith.constant 0 : i32
    %dma_wait3A_327 = arith.constant 0 : i32
    %dma_wait3A_328 = tpu.memref_slice %arg7[%dma_wait3A_326, %dma_wait3A_327] : memref<200x128xf32, #tpu.memory_space<vmem>> -> memref<50x128xf32, #tpu.memory_space<vmem>>
    tpu.wait_dma2 semaphore(%arg15 : memref<!tpu.dma_semaphore, #tpu.memory_space<semaphore_mem>>) src(%dma_wait3A_328 : memref<50x128xf32, #tpu.memory_space<vmem>>) dst(%dma_wait3A_325 : memref<50x128xf32, #tpu.memory_space<hbm>>)
    %dma_wait3A_329 = arith.constant 50 : i32
    %dma_wait3A_330 = arith.constant 0 : i32
    %dma_wait3A_331 = tpu.memref_slice %arg7[%dma_wait3A_329, %dma_wait3A_330] : memref<200x128xf32, #tpu.memory_space<vmem>> -> memref<50x128xf32, #tpu.memory_space<vmem>>
    %dma_wait3A_332 = arith.constant 0 : i32
    %dma_wait3A_333 = arith.constant 0 : i32
    %dma_wait3A_334 = tpu.memref_slice %arg4[%mul3A_4, %dma_wait3A_332, %dma_wait3A_333] : memref<4096x50x128xf32, #tpu.memory_space<hbm>> -> memref<1x50x128xf32, #tpu.memory_space<hbm>>
    %dma_wait3A_335 = tpu.memref_squeeze %dma_wait3A_334 : memref<1x50x128xf32, #tpu.memory_space<hbm>> -> memref<50x128xf32, #tpu.memory_space<hbm>>
    %dma_wait3A_336 = arith.constant 0 : i32
    %dma_wait3A_337 = arith.constant 0 : i32
    %dma_wait3A_338 = tpu.memref_slice %arg4[%mul3A_4, %dma_wait3A_336, %dma_wait3A_337] : memref<4096x50x128xf32, #tpu.memory_space<hbm>> -> memref<1x50x128xf32, #tpu.memory_space<hbm>>
    %dma_wait3A_339 = tpu.memref_squeeze %dma_wait3A_338 : memref<1x50x128xf32, #tpu.memory_space<hbm>> -> memref<50x128xf32, #tpu.memory_space<hbm>>
    %dma_wait3A_340 = arith.constant 50 : i32
    %dma_wait3A_341 = arith.constant 0 : i32
    %dma_wait3A_342 = tpu.memref_slice %arg7[%dma_wait3A_340, %dma_wait3A_341] : memref<200x128xf32, #tpu.memory_space<vmem>> -> memref<50x128xf32, #tpu.memory_space<vmem>>
    tpu.wait_dma2 semaphore(%arg15 : memref<!tpu.dma_semaphore, #tpu.memory_space<semaphore_mem>>) src(%dma_wait3A_342 : memref<50x128xf32, #tpu.memory_space<vmem>>) dst(%dma_wait3A_339 : memref<50x128xf32, #tpu.memory_space<hbm>>)
    %dma_wait3A_343 = arith.constant 100 : i32
    %dma_wait3A_344 = arith.constant 0 : i32
    %dma_wait3A_345 = tpu.memref_slice %arg7[%dma_wait3A_343, %dma_wait3A_344] : memref<200x128xf32, #tpu.memory_space<vmem>> -> memref<50x128xf32, #tpu.memory_space<vmem>>
    %dma_wait3A_346 = arith.constant 0 : i32
    %dma_wait3A_347 = arith.constant 0 : i32
    %dma_wait3A_348 = tpu.memref_slice %arg4[%mul3A_4, %dma_wait3A_346, %dma_wait3A_347] : memref<4096x50x128xf32, #tpu.memory_space<hbm>> -> memref<1x50x128xf32, #tpu.memory_space<hbm>>
    %dma_wait3A_349 = tpu.memref_squeeze %dma_wait3A_348 : memref<1x50x128xf32, #tpu.memory_space<hbm>> -> memref<50x128xf32, #tpu.memory_space<hbm>>
    %dma_wait3A_350 = arith.constant 0 : i32
    %dma_wait3A_351 = arith.constant 0 : i32
    %dma_wait3A_352 = tpu.memref_slice %arg4[%mul3A_4, %dma_wait3A_350, %dma_wait3A_351] : memref<4096x50x128xf32, #tpu.memory_space<hbm>> -> memref<1x50x128xf32, #tpu.memory_space<hbm>>
    %dma_wait3A_353 = tpu.memref_squeeze %dma_wait3A_352 : memref<1x50x128xf32, #tpu.memory_space<hbm>> -> memref<50x128xf32, #tpu.memory_space<hbm>>
    %dma_wait3A_354 = arith.constant 100 : i32
    %dma_wait3A_355 = arith.constant 0 : i32
    %dma_wait3A_356 = tpu.memref_slice %arg7[%dma_wait3A_354, %dma_wait3A_355] : memref<200x128xf32, #tpu.memory_space<vmem>> -> memref<50x128xf32, #tpu.memory_space<vmem>>
    tpu.wait_dma2 semaphore(%arg15 : memref<!tpu.dma_semaphore, #tpu.memory_space<semaphore_mem>>) src(%dma_wait3A_356 : memref<50x128xf32, #tpu.memory_space<vmem>>) dst(%dma_wait3A_353 : memref<50x128xf32, #tpu.memory_space<hbm>>)
    %dma_wait3A_357 = arith.constant 150 : i32
    %dma_wait3A_358 = arith.constant 0 : i32
    %dma_wait3A_359 = tpu.memref_slice %arg7[%dma_wait3A_357, %dma_wait3A_358] : memref<200x128xf32, #tpu.memory_space<vmem>> -> memref<50x128xf32, #tpu.memory_space<vmem>>
    %dma_wait3A_360 = arith.constant 0 : i32
    %dma_wait3A_361 = arith.constant 0 : i32
    %dma_wait3A_362 = tpu.memref_slice %arg4[%mul3A_4, %dma_wait3A_360, %dma_wait3A_361] : memref<4096x50x128xf32, #tpu.memory_space<hbm>> -> memref<1x50x128xf32, #tpu.memory_space<hbm>>
    %dma_wait3A_363 = tpu.memref_squeeze %dma_wait3A_362 : memref<1x50x128xf32, #tpu.memory_space<hbm>> -> memref<50x128xf32, #tpu.memory_space<hbm>>
    %dma_wait3A_364 = arith.constant 0 : i32
    %dma_wait3A_365 = arith.constant 0 : i32
    %dma_wait3A_366 = tpu.memref_slice %arg4[%mul3A_4, %dma_wait3A_364, %dma_wait3A_365] : memref<4096x50x128xf32, #tpu.memory_space<hbm>> -> memref<1x50x128xf32, #tpu.memory_space<hbm>>
    %dma_wait3A_367 = tpu.memref_squeeze %dma_wait3A_366 : memref<1x50x128xf32, #tpu.memory_space<hbm>> -> memref<50x128xf32, #tpu.memory_space<hbm>>
    %dma_wait3A_368 = arith.constant 150 : i32
    %dma_wait3A_369 = arith.constant 0 : i32
    %dma_wait3A_370 = tpu.memref_slice %arg7[%dma_wait3A_368, %dma_wait3A_369] : memref<200x128xf32, #tpu.memory_space<vmem>> -> memref<50x128xf32, #tpu.memory_space<vmem>>
    tpu.wait_dma2 semaphore(%arg15 : memref<!tpu.dma_semaphore, #tpu.memory_space<semaphore_mem>>) src(%dma_wait3A_370 : memref<50x128xf32, #tpu.memory_space<vmem>>) dst(%dma_wait3A_367 : memref<50x128xf32, #tpu.memory_space<hbm>>)
    %dma_start3A_371 = arith.constant 1000 : i32
    %dma_start3A_372 = tpu.memref_slice %arg5[%dma_start3A_371] : memref<6400xi32, #tpu.memory_space<vmem>> -> memref<200xi32, #tpu.memory_space<vmem>>
    %dma_start3A_373 = arith.constant 0 : i32
    %dma_start3A_374 = arith.constant 0 : i32
    %dma_start3A_375 = tpu.memref_slice %arg3[%dma_start3A_373, %dma_start3A_374] : memref<100000x128xf32, #tpu.memory_space<hbm>> -> memref<100000x128xf32, #tpu.memory_space<hbm>>
    tpu.enqueue_indirect_dma source(%dma_start3A_375 : memref<100000x128xf32, #tpu.memory_space<hbm>>) target(%arg7 : memref<200x128xf32, #tpu.memory_space<vmem>>) offsets(%dma_start3A_372 : memref<200xi32, #tpu.memory_space<vmem>>) semaphore(%arg11 : memref<!tpu.dma_semaphore, #tpu.memory_space<semaphore_mem>>)
    %dma_wait3A_376 = arith.constant 0 : i32
    %dma_wait3A_377 = tpu.memref_slice %arg5[%dma_wait3A_376] : memref<6400xi32, #tpu.memory_space<vmem>> -> memref<200xi32, #tpu.memory_space<vmem>>
    %dma_wait3A_378 = arith.constant 0 : i32
    %dma_wait3A_379 = arith.constant 0 : i32
    %dma_wait3A_380 = tpu.memref_slice %arg3[%dma_wait3A_378, %dma_wait3A_379] : memref<100000x128xf32, #tpu.memory_space<hbm>> -> memref<100000x128xf32, #tpu.memory_space<hbm>>
    tpu.wait_indirect_dma semaphore(%arg13 : memref<!tpu.dma_semaphore, #tpu.memory_space<semaphore_mem>>) src(%dma_wait3A_380 : memref<100000x128xf32, #tpu.memory_space<hbm>>) dst(%arg9 : memref<200x128xf32, #tpu.memory_space<vmem>>)
    %add3A_381 = arith.constant 12 : i32
    %add3A_382 = arith.addi %mul3A_4, %add3A_381 : i32
    %add3A_383 = arith.constant 0 : i32
    %add3A_384 = arith.addi %add3A_382, %add3A_383 : i32
    %dma_start3A_385 = arith.constant 0 : i32
    %dma_start3A_386 = arith.constant 0 : i32
    %dma_start3A_387 = tpu.memref_slice %arg9[%dma_start3A_385, %dma_start3A_386] : memref<200x128xf32, #tpu.memory_space<vmem>> -> memref<50x128xf32, #tpu.memory_space<vmem>>
    %dma_start3A_388 = arith.constant 0 : i32
    %dma_start3A_389 = arith.constant 0 : i32
    %dma_start3A_390 = tpu.memref_slice %arg4[%add3A_384, %dma_start3A_388, %dma_start3A_389] : memref<4096x50x128xf32, #tpu.memory_space<hbm>> -> memref<1x50x128xf32, #tpu.memory_space<hbm>>
    %dma_start3A_391 = tpu.memref_squeeze %dma_start3A_390 : memref<1x50x128xf32, #tpu.memory_space<hbm>> -> memref<50x128xf32, #tpu.memory_space<hbm>>
    %dma_start3A_392 = arith.constant 0 : i32
    %dma_start3A_393 = arith.constant 0 : i32
    %dma_start3A_394 = tpu.memref_slice %arg4[%add3A_384, %dma_start3A_392, %dma_start3A_393] : memref<4096x50x128xf32, #tpu.memory_space<hbm>> -> memref<1x50x128xf32, #tpu.memory_space<hbm>>
    %dma_start3A_395 = tpu.memref_squeeze %dma_start3A_394 : memref<1x50x128xf32, #tpu.memory_space<hbm>> -> memref<50x128xf32, #tpu.memory_space<hbm>>
    %dma_start3A_396 = arith.constant 0 : i32
    %dma_start3A_397 = arith.constant 0 : i32
    %dma_start3A_398 = tpu.memref_slice %arg9[%dma_start3A_396, %dma_start3A_397] : memref<200x128xf32, #tpu.memory_space<vmem>> -> memref<50x128xf32, #tpu.memory_space<vmem>>
    tpu.enqueue_dma source(%dma_start3A_398 : memref<50x128xf32, #tpu.memory_space<vmem>>) target(%dma_start3A_395 : memref<50x128xf32, #tpu.memory_space<hbm>>) target_semaphore(%arg17 : memref<!tpu.dma_semaphore, #tpu.memory_space<semaphore_mem>>)
    %add3A_399 = arith.constant 12 : i32
    %add3A_400 = arith.addi %mul3A_4, %add3A_399 : i32
    %add3A_401 = arith.constant 1 : i32
    %add3A_402 = arith.addi %add3A_400, %add3A_401 : i32
    %dma_start3A_403 = arith.constant 50 : i32
    %dma_start3A_404 = arith.constant 0 : i32
    %dma_start3A_405 = tpu.memref_slice %arg9[%dma_start3A_403, %dma_start3A_404] : memref<200x128xf32, #tpu.memory_space<vmem>> -> memref<50x128xf32, #tpu.memory_space<vmem>>
    %dma_start3A_406 = arith.constant 0 : i32
    %dma_start3A_407 = arith.constant 0 : i32
    %dma_start3A_408 = tpu.memref_slice %arg4[%add3A_402, %dma_start3A_406, %dma_start3A_407] : memref<4096x50x128xf32, #tpu.memory_space<hbm>> -> memref<1x50x128xf32, #tpu.memory_space<hbm>>
    %dma_start3A_409 = tpu.memref_squeeze %dma_start3A_408 : memref<1x50x128xf32, #tpu.memory_space<hbm>> -> memref<50x128xf32, #tpu.memory_space<hbm>>
    %dma_start3A_410 = arith.constant 0 : i32
    %dma_start3A_411 = arith.constant 0 : i32
    %dma_start3A_412 = tpu.memref_slice %arg4[%add3A_402, %dma_start3A_410, %dma_start3A_411] : memref<4096x50x128xf32, #tpu.memory_space<hbm>> -> memref<1x50x128xf32, #tpu.memory_space<hbm>>
    %dma_start3A_413 = tpu.memref_squeeze %dma_start3A_412 : memref<1x50x128xf32, #tpu.memory_space<hbm>> -> memref<50x128xf32, #tpu.memory_space<hbm>>
    %dma_start3A_414 = arith.constant 50 : i32
    %dma_start3A_415 = arith.constant 0 : i32
    %dma_start3A_416 = tpu.memref_slice %arg9[%dma_start3A_414, %dma_start3A_415] : memref<200x128xf32, #tpu.memory_space<vmem>> -> memref<50x128xf32, #tpu.memory_space<vmem>>
    tpu.enqueue_dma source(%dma_start3A_416 : memref<50x128xf32, #tpu.memory_space<vmem>>) target(%dma_start3A_413 : memref<50x128xf32, #tpu.memory_space<hbm>>) target_semaphore(%arg17 : memref<!tpu.dma_semaphore, #tpu.memory_space<semaphore_mem>>)
    %add3A_417 = arith.constant 12 : i32
    %add3A_418 = arith.addi %mul3A_4, %add3A_417 : i32
    %add3A_419 = arith.constant 2 : i32
    %add3A_420 = arith.addi %add3A_418, %add3A_419 : i32
    %dma_start3A_421 = arith.constant 100 : i32
    %dma_start3A_422 = arith.constant 0 : i32
    %dma_start3A_423 = tpu.memref_slice %arg9[%dma_start3A_421, %dma_start3A_422] : memref<200x128xf32, #tpu.memory_space<vmem>> -> memref<50x128xf32, #tpu.memory_space<vmem>>
    %dma_start3A_424 = arith.constant 0 : i32
    %dma_start3A_425 = arith.constant 0 : i32
    %dma_start3A_426 = tpu.memref_slice %arg4[%add3A_420, %dma_start3A_424, %dma_start3A_425] : memref<4096x50x128xf32, #tpu.memory_space<hbm>> -> memref<1x50x128xf32, #tpu.memory_space<hbm>>
    %dma_start3A_427 = tpu.memref_squeeze %dma_start3A_426 : memref<1x50x128xf32, #tpu.memory_space<hbm>> -> memref<50x128xf32, #tpu.memory_space<hbm>>
    %dma_start3A_428 = arith.constant 0 : i32
    %dma_start3A_429 = arith.constant 0 : i32
    %dma_start3A_430 = tpu.memref_slice %arg4[%add3A_420, %dma_start3A_428, %dma_start3A_429] : memref<4096x50x128xf32, #tpu.memory_space<hbm>> -> memref<1x50x128xf32, #tpu.memory_space<hbm>>
    %dma_start3A_431 = tpu.memref_squeeze %dma_start3A_430 : memref<1x50x128xf32, #tpu.memory_space<hbm>> -> memref<50x128xf32, #tpu.memory_space<hbm>>
    %dma_start3A_432 = arith.constant 100 : i32
    %dma_start3A_433 = arith.constant 0 : i32
    %dma_start3A_434 = tpu.memref_slice %arg9[%dma_start3A_432, %dma_start3A_433] : memref<200x128xf32, #tpu.memory_space<vmem>> -> memref<50x128xf32, #tpu.memory_space<vmem>>
    tpu.enqueue_dma source(%dma_start3A_434 : memref<50x128xf32, #tpu.memory_space<vmem>>) target(%dma_start3A_431 : memref<50x128xf32, #tpu.memory_space<hbm>>) target_semaphore(%arg17 : memref<!tpu.dma_semaphore, #tpu.memory_space<semaphore_mem>>)
    %add3A_435 = arith.constant 12 : i32
    %add3A_436 = arith.addi %mul3A_4, %add3A_435 : i32
    %add3A_437 = arith.constant 3 : i32
    %add3A_438 = arith.addi %add3A_436, %add3A_437 : i32
    %dma_start3A_439 = arith.constant 150 : i32
    %dma_start3A_440 = arith.constant 0 : i32
    %dma_start3A_441 = tpu.memref_slice %arg9[%dma_start3A_439, %dma_start3A_440] : memref<200x128xf32, #tpu.memory_space<vmem>> -> memref<50x128xf32, #tpu.memory_space<vmem>>
    %dma_start3A_442 = arith.constant 0 : i32
    %dma_start3A_443 = arith.constant 0 : i32
    %dma_start3A_444 = tpu.memref_slice %arg4[%add3A_438, %dma_start3A_442, %dma_start3A_443] : memref<4096x50x128xf32, #tpu.memory_space<hbm>> -> memref<1x50x128xf32, #tpu.memory_space<hbm>>
    %dma_start3A_445 = tpu.memref_squeeze %dma_start3A_444 : memref<1x50x128xf32, #tpu.memory_space<hbm>> -> memref<50x128xf32, #tpu.memory_space<hbm>>
    %dma_start3A_446 = arith.constant 0 : i32
    %dma_start3A_447 = arith.constant 0 : i32
    %dma_start3A_448 = tpu.memref_slice %arg4[%add3A_438, %dma_start3A_446, %dma_start3A_447] : memref<4096x50x128xf32, #tpu.memory_space<hbm>> -> memref<1x50x128xf32, #tpu.memory_space<hbm>>
    %dma_start3A_449 = tpu.memref_squeeze %dma_start3A_448 : memref<1x50x128xf32, #tpu.memory_space<hbm>> -> memref<50x128xf32, #tpu.memory_space<hbm>>
    %dma_start3A_450 = arith.constant 150 : i32
    %dma_start3A_451 = arith.constant 0 : i32
    %dma_start3A_452 = tpu.memref_slice %arg9[%dma_start3A_450, %dma_start3A_451] : memref<200x128xf32, #tpu.memory_space<vmem>> -> memref<50x128xf32, #tpu.memory_space<vmem>>
    tpu.enqueue_dma source(%dma_start3A_452 : memref<50x128xf32, #tpu.memory_space<vmem>>) target(%dma_start3A_449 : memref<50x128xf32, #tpu.memory_space<hbm>>) target_semaphore(%arg17 : memref<!tpu.dma_semaphore, #tpu.memory_space<semaphore_mem>>)
    %dma_wait3A_453 = arith.constant 0 : i32
    %dma_wait3A_454 = arith.constant 0 : i32
    %dma_wait3A_455 = tpu.memref_slice %arg8[%dma_wait3A_453, %dma_wait3A_454] : memref<200x128xf32, #tpu.memory_space<vmem>> -> memref<50x128xf32, #tpu.memory_space<vmem>>
    %dma_wait3A_456 = arith.constant 0 : i32
    %dma_wait3A_457 = arith.constant 0 : i32
    %dma_wait3A_458 = tpu.memref_slice %arg4[%mul3A_4, %dma_wait3A_456, %dma_wait3A_457] : memref<4096x50x128xf32, #tpu.memory_space<hbm>> -> memref<1x50x128xf32, #tpu.memory_space<hbm>>
    %dma_wait3A_459 = tpu.memref_squeeze %dma_wait3A_458 : memref<1x50x128xf32, #tpu.memory_space<hbm>> -> memref<50x128xf32, #tpu.memory_space<hbm>>
    %dma_wait3A_460 = arith.constant 0 : i32
    %dma_wait3A_461 = arith.constant 0 : i32
    %dma_wait3A_462 = tpu.memref_slice %arg4[%mul3A_4, %dma_wait3A_460, %dma_wait3A_461] : memref<4096x50x128xf32, #tpu.memory_space<hbm>> -> memref<1x50x128xf32, #tpu.memory_space<hbm>>
    %dma_wait3A_463 = tpu.memref_squeeze %dma_wait3A_462 : memref<1x50x128xf32, #tpu.memory_space<hbm>> -> memref<50x128xf32, #tpu.memory_space<hbm>>
    %dma_wait3A_464 = arith.constant 0 : i32
    %dma_wait3A_465 = arith.constant 0 : i32
    %dma_wait3A_466 = tpu.memref_slice %arg8[%dma_wait3A_464, %dma_wait3A_465] : memref<200x128xf32, #tpu.memory_space<vmem>> -> memref<50x128xf32, #tpu.memory_space<vmem>>
    tpu.wait_dma2 semaphore(%arg16 : memref<!tpu.dma_semaphore, #tpu.memory_space<semaphore_mem>>) src(%dma_wait3A_466 : memref<50x128xf32, #tpu.memory_space<vmem>>) dst(%dma_wait3A_463 : memref<50x128xf32, #tpu.memory_space<hbm>>)
    %dma_wait3A_467 = arith.constant 50 : i32
    %dma_wait3A_468 = arith.constant 0 : i32
    %dma_wait3A_469 = tpu.memref_slice %arg8[%dma_wait3A_467, %dma_wait3A_468] : memref<200x128xf32, #tpu.memory_space<vmem>> -> memref<50x128xf32, #tpu.memory_space<vmem>>
    %dma_wait3A_470 = arith.constant 0 : i32
    %dma_wait3A_471 = arith.constant 0 : i32
    %dma_wait3A_472 = tpu.memref_slice %arg4[%mul3A_4, %dma_wait3A_470, %dma_wait3A_471] : memref<4096x50x128xf32, #tpu.memory_space<hbm>> -> memref<1x50x128xf32, #tpu.memory_space<hbm>>
    %dma_wait3A_473 = tpu.memref_squeeze %dma_wait3A_472 : memref<1x50x128xf32, #tpu.memory_space<hbm>> -> memref<50x128xf32, #tpu.memory_space<hbm>>
    %dma_wait3A_474 = arith.constant 0 : i32
    %dma_wait3A_475 = arith.constant 0 : i32
    %dma_wait3A_476 = tpu.memref_slice %arg4[%mul3A_4, %dma_wait3A_474, %dma_wait3A_475] : memref<4096x50x128xf32, #tpu.memory_space<hbm>> -> memref<1x50x128xf32, #tpu.memory_space<hbm>>
    %dma_wait3A_477 = tpu.memref_squeeze %dma_wait3A_476 : memref<1x50x128xf32, #tpu.memory_space<hbm>> -> memref<50x128xf32, #tpu.memory_space<hbm>>
    %dma_wait3A_478 = arith.constant 50 : i32
    %dma_wait3A_479 = arith.constant 0 : i32
    %dma_wait3A_480 = tpu.memref_slice %arg8[%dma_wait3A_478, %dma_wait3A_479] : memref<200x128xf32, #tpu.memory_space<vmem>> -> memref<50x128xf32, #tpu.memory_space<vmem>>
    tpu.wait_dma2 semaphore(%arg16 : memref<!tpu.dma_semaphore, #tpu.memory_space<semaphore_mem>>) src(%dma_wait3A_480 : memref<50x128xf32, #tpu.memory_space<vmem>>) dst(%dma_wait3A_477 : memref<50x128xf32, #tpu.memory_space<hbm>>)
    %dma_wait3A_481 = arith.constant 100 : i32
    %dma_wait3A_482 = arith.constant 0 : i32
    %dma_wait3A_483 = tpu.memref_slice %arg8[%dma_wait3A_481, %dma_wait3A_482] : memref<200x128xf32, #tpu.memory_space<vmem>> -> memref<50x128xf32, #tpu.memory_space<vmem>>
    %dma_wait3A_484 = arith.constant 0 : i32
    %dma_wait3A_485 = arith.constant 0 : i32
    %dma_wait3A_486 = tpu.memref_slice %arg4[%mul3A_4, %dma_wait3A_484, %dma_wait3A_485] : memref<4096x50x128xf32, #tpu.memory_space<hbm>> -> memref<1x50x128xf32, #tpu.memory_space<hbm>>
    %dma_wait3A_487 = tpu.memref_squeeze %dma_wait3A_486 : memref<1x50x128xf32, #tpu.memory_space<hbm>> -> memref<50x128xf32, #tpu.memory_space<hbm>>
    %dma_wait3A_488 = arith.constant 0 : i32
    %dma_wait3A_489 = arith.constant 0 : i32
    %dma_wait3A_490 = tpu.memref_slice %arg4[%mul3A_4, %dma_wait3A_488, %dma_wait3A_489] : memref<4096x50x128xf32, #tpu.memory_space<hbm>> -> memref<1x50x128xf32, #tpu.memory_space<hbm>>
    %dma_wait3A_491 = tpu.memref_squeeze %dma_wait3A_490 : memref<1x50x128xf32, #tpu.memory_space<hbm>> -> memref<50x128xf32, #tpu.memory_space<hbm>>
    %dma_wait3A_492 = arith.constant 100 : i32
    %dma_wait3A_493 = arith.constant 0 : i32
    %dma_wait3A_494 = tpu.memref_slice %arg8[%dma_wait3A_492, %dma_wait3A_493] : memref<200x128xf32, #tpu.memory_space<vmem>> -> memref<50x128xf32, #tpu.memory_space<vmem>>
    tpu.wait_dma2 semaphore(%arg16 : memref<!tpu.dma_semaphore, #tpu.memory_space<semaphore_mem>>) src(%dma_wait3A_494 : memref<50x128xf32, #tpu.memory_space<vmem>>) dst(%dma_wait3A_491 : memref<50x128xf32, #tpu.memory_space<hbm>>)
    %dma_wait3A_495 = arith.constant 150 : i32
    %dma_wait3A_496 = arith.constant 0 : i32
    %dma_wait3A_497 = tpu.memref_slice %arg8[%dma_wait3A_495, %dma_wait3A_496] : memref<200x128xf32, #tpu.memory_space<vmem>> -> memref<50x128xf32, #tpu.memory_space<vmem>>
    %dma_wait3A_498 = arith.constant 0 : i32
    %dma_wait3A_499 = arith.constant 0 : i32
    %dma_wait3A_500 = tpu.memref_slice %arg4[%mul3A_4, %dma_wait3A_498, %dma_wait3A_499] : memref<4096x50x128xf32, #tpu.memory_space<hbm>> -> memref<1x50x128xf32, #tpu.memory_space<hbm>>
    %dma_wait3A_501 = tpu.memref_squeeze %dma_wait3A_500 : memref<1x50x128xf32, #tpu.memory_space<hbm>> -> memref<50x128xf32, #tpu.memory_space<hbm>>
    %dma_wait3A_502 = arith.constant 0 : i32
    %dma_wait3A_503 = arith.constant 0 : i32
    %dma_wait3A_504 = tpu.memref_slice %arg4[%mul3A_4, %dma_wait3A_502, %dma_wait3A_503] : memref<4096x50x128xf32, #tpu.memory_space<hbm>> -> memref<1x50x128xf32, #tpu.memory_space<hbm>>
    %dma_wait3A_505 = tpu.memref_squeeze %dma_wait3A_504 : memref<1x50x128xf32, #tpu.memory_space<hbm>> -> memref<50x128xf32, #tpu.memory_space<hbm>>
    %dma_wait3A_506 = arith.constant 150 : i32
    %dma_wait3A_507 = arith.constant 0 : i32
    %dma_wait3A_508 = tpu.memref_slice %arg8[%dma_wait3A_506, %dma_wait3A_507] : memref<200x128xf32, #tpu.memory_space<vmem>> -> memref<50x128xf32, #tpu.memory_space<vmem>>
    tpu.wait_dma2 semaphore(%arg16 : memref<!tpu.dma_semaphore, #tpu.memory_space<semaphore_mem>>) src(%dma_wait3A_508 : memref<50x128xf32, #tpu.memory_space<vmem>>) dst(%dma_wait3A_505 : memref<50x128xf32, #tpu.memory_space<hbm>>)
    %dma_start3A_509 = arith.constant 1200 : i32
    %dma_start3A_510 = tpu.memref_slice %arg5[%dma_start3A_509] : memref<6400xi32, #tpu.memory_space<vmem>> -> memref<200xi32, #tpu.memory_space<vmem>>
    %dma_start3A_511 = arith.constant 0 : i32
    %dma_start3A_512 = arith.constant 0 : i32
    %dma_start3A_513 = tpu.memref_slice %arg3[%dma_start3A_511, %dma_start3A_512] : memref<100000x128xf32, #tpu.memory_space<hbm>> -> memref<100000x128xf32, #tpu.memory_space<hbm>>
    tpu.enqueue_indirect_dma source(%dma_start3A_513 : memref<100000x128xf32, #tpu.memory_space<hbm>>) target(%arg8 : memref<200x128xf32, #tpu.memory_space<vmem>>) offsets(%dma_start3A_510 : memref<200xi32, #tpu.memory_space<vmem>>) semaphore(%arg12 : memref<!tpu.dma_semaphore, #tpu.memory_space<semaphore_mem>>)
    %scan3A = arith.constant 0 : i32
    %scan3A_514 = arith.constant 6 : i32
    %scan3A_515 = arith.addi %scan3A, %scan3A_514 : i32
    %scan3A_516 = arith.constant 1 : i32
    scf.for %scan3A_1111 = %scan3A to %scan3A_515 step %scan3A_516  : i32 {
      %mul3A_1112 = arith.constant 1 : i32
      %mul3A_1113 = arith.muli %scan3A_1111, %mul3A_1112 : i32
      %add3A_1114 = arith.constant 1 : i32
      %add3A_1115 = arith.addi %add3A_1114, %mul3A_1113 : i32
      %mul3A_1116 = arith.constant 4 : i32
      %mul3A_1117 = arith.muli %add3A_1115, %mul3A_1116 : i32
      %dma_wait3A_1118 = arith.constant 0 : i32
      %dma_wait3A_1119 = tpu.memref_slice %arg5[%dma_wait3A_1118] : memref<6400xi32, #tpu.memory_space<vmem>> -> memref<200xi32, #tpu.memory_space<vmem>>
      %dma_wait3A_1120 = arith.constant 0 : i32
      %dma_wait3A_1121 = arith.constant 0 : i32
      %dma_wait3A_1122 = tpu.memref_slice %arg3[%dma_wait3A_1120, %dma_wait3A_1121] : memref<100000x128xf32, #tpu.memory_space<hbm>> -> memref<100000x128xf32, #tpu.memory_space<hbm>>
      tpu.wait_indirect_dma semaphore(%arg10 : memref<!tpu.dma_semaphore, #tpu.memory_space<semaphore_mem>>) src(%dma_wait3A_1122 : memref<100000x128xf32, #tpu.memory_space<hbm>>) dst(%arg6 : memref<200x128xf32, #tpu.memory_space<vmem>>)
      %add3A_1123 = arith.constant 0 : i32
      %add3A_1124 = arith.addi %mul3A_1117, %add3A_1123 : i32
      %mul3A_1125 = arith.constant 4 : i32
      %mul3A_1126 = arith.muli %add3A_1124, %mul3A_1125 : i32
      %add3A_1127 = arith.addi %mul3A_4, %mul3A_1126 : i32
      %add3A_1128 = arith.constant 0 : i32
      %add3A_1129 = arith.addi %add3A_1127, %add3A_1128 : i32
      %dma_start3A_1130 = arith.constant 0 : i32
      %dma_start3A_1131 = arith.constant 0 : i32
      %dma_start3A_1132 = tpu.memref_slice %arg6[%dma_start3A_1130, %dma_start3A_1131] : memref<200x128xf32, #tpu.memory_space<vmem>> -> memref<50x128xf32, #tpu.memory_space<vmem>>
      %dma_start3A_1133 = arith.constant 0 : i32
      %dma_start3A_1134 = arith.constant 0 : i32
      %dma_start3A_1135 = tpu.memref_slice %arg4[%add3A_1129, %dma_start3A_1133, %dma_start3A_1134] : memref<4096x50x128xf32, #tpu.memory_space<hbm>> -> memref<1x50x128xf32, #tpu.memory_space<hbm>>
      %dma_start3A_1136 = tpu.memref_squeeze %dma_start3A_1135 : memref<1x50x128xf32, #tpu.memory_space<hbm>> -> memref<50x128xf32, #tpu.memory_space<hbm>>
      %dma_start3A_1137 = arith.constant 0 : i32
      %dma_start3A_1138 = arith.constant 0 : i32
      %dma_start3A_1139 = tpu.memref_slice %arg4[%add3A_1129, %dma_start3A_1137, %dma_start3A_1138] : memref<4096x50x128xf32, #tpu.memory_space<hbm>> -> memref<1x50x128xf32, #tpu.memory_space<hbm>>
      %dma_start3A_1140 = tpu.memref_squeeze %dma_start3A_1139 : memref<1x50x128xf32, #tpu.memory_space<hbm>> -> memref<50x128xf32, #tpu.memory_space<hbm>>
      %dma_start3A_1141 = arith.constant 0 : i32
      %dma_start3A_1142 = arith.constant 0 : i32
      %dma_start3A_1143 = tpu.memref_slice %arg6[%dma_start3A_1141, %dma_start3A_1142] : memref<200x128xf32, #tpu.memory_space<vmem>> -> memref<50x128xf32, #tpu.memory_space<vmem>>
      tpu.enqueue_dma source(%dma_start3A_1143 : memref<50x128xf32, #tpu.memory_space<vmem>>) target(%dma_start3A_1140 : memref<50x128xf32, #tpu.memory_space<hbm>>) target_semaphore(%arg14 : memref<!tpu.dma_semaphore, #tpu.memory_space<semaphore_mem>>)
      %mul3A_1144 = arith.constant 4 : i32
      %mul3A_1145 = arith.muli %add3A_1124, %mul3A_1144 : i32
      %add3A_1146 = arith.addi %mul3A_4, %mul3A_1145 : i32
      %add3A_1147 = arith.constant 1 : i32
      %add3A_1148 = arith.addi %add3A_1146, %add3A_1147 : i32
      %dma_start3A_1149 = arith.constant 50 : i32
      %dma_start3A_1150 = arith.constant 0 : i32
      %dma_start3A_1151 = tpu.memref_slice %arg6[%dma_start3A_1149, %dma_start3A_1150] : memref<200x128xf32, #tpu.memory_space<vmem>> -> memref<50x128xf32, #tpu.memory_space<vmem>>
      %dma_start3A_1152 = arith.constant 0 : i32
      %dma_start3A_1153 = arith.constant 0 : i32
      %dma_start3A_1154 = tpu.memref_slice %arg4[%add3A_1148, %dma_start3A_1152, %dma_start3A_1153] : memref<4096x50x128xf32, #tpu.memory_space<hbm>> -> memref<1x50x128xf32, #tpu.memory_space<hbm>>
      %dma_start3A_1155 = tpu.memref_squeeze %dma_start3A_1154 : memref<1x50x128xf32, #tpu.memory_space<hbm>> -> memref<50x128xf32, #tpu.memory_space<hbm>>
      %dma_start3A_1156 = arith.constant 0 : i32
      %dma_start3A_1157 = arith.constant 0 : i32
      %dma_start3A_1158 = tpu.memref_slice %arg4[%add3A_1148, %dma_start3A_1156, %dma_start3A_1157] : memref<4096x50x128xf32, #tpu.memory_space<hbm>> -> memref<1x50x128xf32, #tpu.memory_space<hbm>>
      %dma_start3A_1159 = tpu.memref_squeeze %dma_start3A_1158 : memref<1x50x128xf32, #tpu.memory_space<hbm>> -> memref<50x128xf32, #tpu.memory_space<hbm>>
      %dma_start3A_1160 = arith.constant 50 : i32
      %dma_start3A_1161 = arith.constant 0 : i32
      %dma_start3A_1162 = tpu.memref_slice %arg6[%dma_start3A_1160, %dma_start3A_1161] : memref<200x128xf32, #tpu.memory_space<vmem>> -> memref<50x128xf32, #tpu.memory_space<vmem>>
      tpu.enqueue_dma source(%dma_start3A_1162 : memref<50x128xf32, #tpu.memory_space<vmem>>) target(%dma_start3A_1159 : memref<50x128xf32, #tpu.memory_space<hbm>>) target_semaphore(%arg14 : memref<!tpu.dma_semaphore, #tpu.memory_space<semaphore_mem>>)
      %mul3A_1163 = arith.constant 4 : i32
      %mul3A_1164 = arith.muli %add3A_1124, %mul3A_1163 : i32
      %add3A_1165 = arith.addi %mul3A_4, %mul3A_1164 : i32
      %add3A_1166 = arith.constant 2 : i32
      %add3A_1167 = arith.addi %add3A_1165, %add3A_1166 : i32
      %dma_start3A_1168 = arith.constant 100 : i32
      %dma_start3A_1169 = arith.constant 0 : i32
      %dma_start3A_1170 = tpu.memref_slice %arg6[%dma_start3A_1168, %dma_start3A_1169] : memref<200x128xf32, #tpu.memory_space<vmem>> -> memref<50x128xf32, #tpu.memory_space<vmem>>
      %dma_start3A_1171 = arith.constant 0 : i32
      %dma_start3A_1172 = arith.constant 0 : i32
      %dma_start3A_1173 = tpu.memref_slice %arg4[%add3A_1167, %dma_start3A_1171, %dma_start3A_1172] : memref<4096x50x128xf32, #tpu.memory_space<hbm>> -> memref<1x50x128xf32, #tpu.memory_space<hbm>>
      %dma_start3A_1174 = tpu.memref_squeeze %dma_start3A_1173 : memref<1x50x128xf32, #tpu.memory_space<hbm>> -> memref<50x128xf32, #tpu.memory_space<hbm>>
      %dma_start3A_1175 = arith.constant 0 : i32
      %dma_start3A_1176 = arith.constant 0 : i32
      %dma_start3A_1177 = tpu.memref_slice %arg4[%add3A_1167, %dma_start3A_1175, %dma_start3A_1176] : memref<4096x50x128xf32, #tpu.memory_space<hbm>> -> memref<1x50x128xf32, #tpu.memory_space<hbm>>
      %dma_start3A_1178 = tpu.memref_squeeze %dma_start3A_1177 : memref<1x50x128xf32, #tpu.memory_space<hbm>> -> memref<50x128xf32, #tpu.memory_space<hbm>>
      %dma_start3A_1179 = arith.constant 100 : i32
      %dma_start3A_1180 = arith.constant 0 : i32
      %dma_start3A_1181 = tpu.memref_slice %arg6[%dma_start3A_1179, %dma_start3A_1180] : memref<200x128xf32, #tpu.memory_space<vmem>> -> memref<50x128xf32, #tpu.memory_space<vmem>>
      tpu.enqueue_dma source(%dma_start3A_1181 : memref<50x128xf32, #tpu.memory_space<vmem>>) target(%dma_start3A_1178 : memref<50x128xf32, #tpu.memory_space<hbm>>) target_semaphore(%arg14 : memref<!tpu.dma_semaphore, #tpu.memory_space<semaphore_mem>>)
      %mul3A_1182 = arith.constant 4 : i32
      %mul3A_1183 = arith.muli %add3A_1124, %mul3A_1182 : i32
      %add3A_1184 = arith.addi %mul3A_4, %mul3A_1183 : i32
      %add3A_1185 = arith.constant 3 : i32
      %add3A_1186 = arith.addi %add3A_1184, %add3A_1185 : i32
      %dma_start3A_1187 = arith.constant 150 : i32
      %dma_start3A_1188 = arith.constant 0 : i32
      %dma_start3A_1189 = tpu.memref_slice %arg6[%dma_start3A_1187, %dma_start3A_1188] : memref<200x128xf32, #tpu.memory_space<vmem>> -> memref<50x128xf32, #tpu.memory_space<vmem>>
      %dma_start3A_1190 = arith.constant 0 : i32
      %dma_start3A_1191 = arith.constant 0 : i32
      %dma_start3A_1192 = tpu.memref_slice %arg4[%add3A_1186, %dma_start3A_1190, %dma_start3A_1191] : memref<4096x50x128xf32, #tpu.memory_space<hbm>> -> memref<1x50x128xf32, #tpu.memory_space<hbm>>
      %dma_start3A_1193 = tpu.memref_squeeze %dma_start3A_1192 : memref<1x50x128xf32, #tpu.memory_space<hbm>> -> memref<50x128xf32, #tpu.memory_space<hbm>>
      %dma_start3A_1194 = arith.constant 0 : i32
      %dma_start3A_1195 = arith.constant 0 : i32
      %dma_start3A_1196 = tpu.memref_slice %arg4[%add3A_1186, %dma_start3A_1194, %dma_start3A_1195] : memref<4096x50x128xf32, #tpu.memory_space<hbm>> -> memref<1x50x128xf32, #tpu.memory_space<hbm>>
      %dma_start3A_1197 = tpu.memref_squeeze %dma_start3A_1196 : memref<1x50x128xf32, #tpu.memory_space<hbm>> -> memref<50x128xf32, #tpu.memory_space<hbm>>
      %dma_start3A_1198 = arith.constant 150 : i32
      %dma_start3A_1199 = arith.constant 0 : i32
      %dma_start3A_1200 = tpu.memref_slice %arg6[%dma_start3A_1198, %dma_start3A_1199] : memref<200x128xf32, #tpu.memory_space<vmem>> -> memref<50x128xf32, #tpu.memory_space<vmem>>
      tpu.enqueue_dma source(%dma_start3A_1200 : memref<50x128xf32, #tpu.memory_space<vmem>>) target(%dma_start3A_1197 : memref<50x128xf32, #tpu.memory_space<hbm>>) target_semaphore(%arg14 : memref<!tpu.dma_semaphore, #tpu.memory_space<semaphore_mem>>)
      %dma_wait3A_1201 = arith.constant 0 : i32
      %dma_wait3A_1202 = arith.constant 0 : i32
      %dma_wait3A_1203 = tpu.memref_slice %arg9[%dma_wait3A_1201, %dma_wait3A_1202] : memref<200x128xf32, #tpu.memory_space<vmem>> -> memref<50x128xf32, #tpu.memory_space<vmem>>
      %dma_wait3A_1204 = arith.constant 0 : i32
      %dma_wait3A_1205 = arith.constant 0 : i32
      %dma_wait3A_1206 = tpu.memref_slice %arg4[%mul3A_4, %dma_wait3A_1204, %dma_wait3A_1205] : memref<4096x50x128xf32, #tpu.memory_space<hbm>> -> memref<1x50x128xf32, #tpu.memory_space<hbm>>
      %dma_wait3A_1207 = tpu.memref_squeeze %dma_wait3A_1206 : memref<1x50x128xf32, #tpu.memory_space<hbm>> -> memref<50x128xf32, #tpu.memory_space<hbm>>
      %dma_wait3A_1208 = arith.constant 0 : i32
      %dma_wait3A_1209 = arith.constant 0 : i32
      %dma_wait3A_1210 = tpu.memref_slice %arg4[%mul3A_4, %dma_wait3A_1208, %dma_wait3A_1209] : memref<4096x50x128xf32, #tpu.memory_space<hbm>> -> memref<1x50x128xf32, #tpu.memory_space<hbm>>
      %dma_wait3A_1211 = tpu.memref_squeeze %dma_wait3A_1210 : memref<1x50x128xf32, #tpu.memory_space<hbm>> -> memref<50x128xf32, #tpu.memory_space<hbm>>
      %dma_wait3A_1212 = arith.constant 0 : i32
      %dma_wait3A_1213 = arith.constant 0 : i32
      %dma_wait3A_1214 = tpu.memref_slice %arg9[%dma_wait3A_1212, %dma_wait3A_1213] : memref<200x128xf32, #tpu.memory_space<vmem>> -> memref<50x128xf32, #tpu.memory_space<vmem>>
      tpu.wait_dma2 semaphore(%arg17 : memref<!tpu.dma_semaphore, #tpu.memory_space<semaphore_mem>>) src(%dma_wait3A_1214 : memref<50x128xf32, #tpu.memory_space<vmem>>) dst(%dma_wait3A_1211 : memref<50x128xf32, #tpu.memory_space<hbm>>)
      %dma_wait3A_1215 = arith.constant 50 : i32
      %dma_wait3A_1216 = arith.constant 0 : i32
      %dma_wait3A_1217 = tpu.memref_slice %arg9[%dma_wait3A_1215, %dma_wait3A_1216] : memref<200x128xf32, #tpu.memory_space<vmem>> -> memref<50x128xf32, #tpu.memory_space<vmem>>
      %dma_wait3A_1218 = arith.constant 0 : i32
      %dma_wait3A_1219 = arith.constant 0 : i32
      %dma_wait3A_1220 = tpu.memref_slice %arg4[%mul3A_4, %dma_wait3A_1218, %dma_wait3A_1219] : memref<4096x50x128xf32, #tpu.memory_space<hbm>> -> memref<1x50x128xf32, #tpu.memory_space<hbm>>
      %dma_wait3A_1221 = tpu.memref_squeeze %dma_wait3A_1220 : memref<1x50x128xf32, #tpu.memory_space<hbm>> -> memref<50x128xf32, #tpu.memory_space<hbm>>
      %dma_wait3A_1222 = arith.constant 0 : i32
      %dma_wait3A_1223 = arith.constant 0 : i32
      %dma_wait3A_1224 = tpu.memref_slice %arg4[%mul3A_4, %dma_wait3A_1222, %dma_wait3A_1223] : memref<4096x50x128xf32, #tpu.memory_space<hbm>> -> memref<1x50x128xf32, #tpu.memory_space<hbm>>
      %dma_wait3A_1225 = tpu.memref_squeeze %dma_wait3A_1224 : memref<1x50x128xf32, #tpu.memory_space<hbm>> -> memref<50x128xf32, #tpu.memory_space<hbm>>
      %dma_wait3A_1226 = arith.constant 50 : i32
      %dma_wait3A_1227 = arith.constant 0 : i32
      %dma_wait3A_1228 = tpu.memref_slice %arg9[%dma_wait3A_1226, %dma_wait3A_1227] : memref<200x128xf32, #tpu.memory_space<vmem>> -> memref<50x128xf32, #tpu.memory_space<vmem>>
      tpu.wait_dma2 semaphore(%arg17 : memref<!tpu.dma_semaphore, #tpu.memory_space<semaphore_mem>>) src(%dma_wait3A_1228 : memref<50x128xf32, #tpu.memory_space<vmem>>) dst(%dma_wait3A_1225 : memref<50x128xf32, #tpu.memory_space<hbm>>)
      %dma_wait3A_1229 = arith.constant 100 : i32
      %dma_wait3A_1230 = arith.constant 0 : i32
      %dma_wait3A_1231 = tpu.memref_slice %arg9[%dma_wait3A_1229, %dma_wait3A_1230] : memref<200x128xf32, #tpu.memory_space<vmem>> -> memref<50x128xf32, #tpu.memory_space<vmem>>
      %dma_wait3A_1232 = arith.constant 0 : i32
      %dma_wait3A_1233 = arith.constant 0 : i32
      %dma_wait3A_1234 = tpu.memref_slice %arg4[%mul3A_4, %dma_wait3A_1232, %dma_wait3A_1233] : memref<4096x50x128xf32, #tpu.memory_space<hbm>> -> memref<1x50x128xf32, #tpu.memory_space<hbm>>
      %dma_wait3A_1235 = tpu.memref_squeeze %dma_wait3A_1234 : memref<1x50x128xf32, #tpu.memory_space<hbm>> -> memref<50x128xf32, #tpu.memory_space<hbm>>
      %dma_wait3A_1236 = arith.constant 0 : i32
      %dma_wait3A_1237 = arith.constant 0 : i32
      %dma_wait3A_1238 = tpu.memref_slice %arg4[%mul3A_4, %dma_wait3A_1236, %dma_wait3A_1237] : memref<4096x50x128xf32, #tpu.memory_space<hbm>> -> memref<1x50x128xf32, #tpu.memory_space<hbm>>
      %dma_wait3A_1239 = tpu.memref_squeeze %dma_wait3A_1238 : memref<1x50x128xf32, #tpu.memory_space<hbm>> -> memref<50x128xf32, #tpu.memory_space<hbm>>
      %dma_wait3A_1240 = arith.constant 100 : i32
      %dma_wait3A_1241 = arith.constant 0 : i32
      %dma_wait3A_1242 = tpu.memref_slice %arg9[%dma_wait3A_1240, %dma_wait3A_1241] : memref<200x128xf32, #tpu.memory_space<vmem>> -> memref<50x128xf32, #tpu.memory_space<vmem>>
      tpu.wait_dma2 semaphore(%arg17 : memref<!tpu.dma_semaphore, #tpu.memory_space<semaphore_mem>>) src(%dma_wait3A_1242 : memref<50x128xf32, #tpu.memory_space<vmem>>) dst(%dma_wait3A_1239 : memref<50x128xf32, #tpu.memory_space<hbm>>)
      %dma_wait3A_1243 = arith.constant 150 : i32
      %dma_wait3A_1244 = arith.constant 0 : i32
      %dma_wait3A_1245 = tpu.memref_slice %arg9[%dma_wait3A_1243, %dma_wait3A_1244] : memref<200x128xf32, #tpu.memory_space<vmem>> -> memref<50x128xf32, #tpu.memory_space<vmem>>
      %dma_wait3A_1246 = arith.constant 0 : i32
      %dma_wait3A_1247 = arith.constant 0 : i32
      %dma_wait3A_1248 = tpu.memref_slice %arg4[%mul3A_4, %dma_wait3A_1246, %dma_wait3A_1247] : memref<4096x50x128xf32, #tpu.memory_space<hbm>> -> memref<1x50x128xf32, #tpu.memory_space<hbm>>
      %dma_wait3A_1249 = tpu.memref_squeeze %dma_wait3A_1248 : memref<1x50x128xf32, #tpu.memory_space<hbm>> -> memref<50x128xf32, #tpu.memory_space<hbm>>
      %dma_wait3A_1250 = arith.constant 0 : i32
      %dma_wait3A_1251 = arith.constant 0 : i32
      %dma_wait3A_1252 = tpu.memref_slice %arg4[%mul3A_4, %dma_wait3A_1250, %dma_wait3A_1251] : memref<4096x50x128xf32, #tpu.memory_space<hbm>> -> memref<1x50x128xf32, #tpu.memory_space<hbm>>
      %dma_wait3A_1253 = tpu.memref_squeeze %dma_wait3A_1252 : memref<1x50x128xf32, #tpu.memory_space<hbm>> -> memref<50x128xf32, #tpu.memory_space<hbm>>
      %dma_wait3A_1254 = arith.constant 150 : i32
      %dma_wait3A_1255 = arith.constant 0 : i32
      %dma_wait3A_1256 = tpu.memref_slice %arg9[%dma_wait3A_1254, %dma_wait3A_1255] : memref<200x128xf32, #tpu.memory_space<vmem>> -> memref<50x128xf32, #tpu.memory_space<vmem>>
      tpu.wait_dma2 semaphore(%arg17 : memref<!tpu.dma_semaphore, #tpu.memory_space<semaphore_mem>>) src(%dma_wait3A_1256 : memref<50x128xf32, #tpu.memory_space<vmem>>) dst(%dma_wait3A_1253 : memref<50x128xf32, #tpu.memory_space<hbm>>)
      %add3A_1257 = arith.constant 0 : i32
      %add3A_1258 = arith.addi %mul3A_1117, %add3A_1257 : i32
      %add3A_1259 = arith.constant 4 : i32
      %add3A_1260 = arith.addi %add3A_1258, %add3A_1259 : i32
      %sub3A = arith.constant 1 : i32
      %sub3A_1261 = arith.subi %add3A_1260, %sub3A : i32
      %mul3A_1262 = arith.constant 200 : i32
      %mul3A_1263 = arith.muli %sub3A_1261, %mul3A_1262 : i32
      %dma_start3A_1264 = tpu.memref_slice %arg5[%mul3A_1263] : memref<6400xi32, #tpu.memory_space<vmem>> -> memref<200xi32, #tpu.memory_space<vmem>>
      %dma_start3A_1265 = arith.constant 0 : i32
      %dma_start3A_1266 = arith.constant 0 : i32
      %dma_start3A_1267 = tpu.memref_slice %arg3[%dma_start3A_1265, %dma_start3A_1266] : memref<100000x128xf32, #tpu.memory_space<hbm>> -> memref<100000x128xf32, #tpu.memory_space<hbm>>
      tpu.enqueue_indirect_dma source(%dma_start3A_1267 : memref<100000x128xf32, #tpu.memory_space<hbm>>) target(%arg9 : memref<200x128xf32, #tpu.memory_space<vmem>>) offsets(%dma_start3A_1264 : memref<200xi32, #tpu.memory_space<vmem>>) semaphore(%arg13 : memref<!tpu.dma_semaphore, #tpu.memory_space<semaphore_mem>>)
      %dma_wait3A_1268 = arith.constant 0 : i32
      %dma_wait3A_1269 = tpu.memref_slice %arg5[%dma_wait3A_1268] : memref<6400xi32, #tpu.memory_space<vmem>> -> memref<200xi32, #tpu.memory_space<vmem>>
      %dma_wait3A_1270 = arith.constant 0 : i32
      %dma_wait3A_1271 = arith.constant 0 : i32
      %dma_wait3A_1272 = tpu.memref_slice %arg3[%dma_wait3A_1270, %dma_wait3A_1271] : memref<100000x128xf32, #tpu.memory_space<hbm>> -> memref<100000x128xf32, #tpu.memory_space<hbm>>
      tpu.wait_indirect_dma semaphore(%arg11 : memref<!tpu.dma_semaphore, #tpu.memory_space<semaphore_mem>>) src(%dma_wait3A_1272 : memref<100000x128xf32, #tpu.memory_space<hbm>>) dst(%arg7 : memref<200x128xf32, #tpu.memory_space<vmem>>)
      %add3A_1273 = arith.constant 1 : i32
      %add3A_1274 = arith.addi %mul3A_1117, %add3A_1273 : i32
      %mul3A_1275 = arith.constant 4 : i32
      %mul3A_1276 = arith.muli %add3A_1274, %mul3A_1275 : i32
      %add3A_1277 = arith.addi %mul3A_4, %mul3A_1276 : i32
      %add3A_1278 = arith.constant 0 : i32
      %add3A_1279 = arith.addi %add3A_1277, %add3A_1278 : i32
      %dma_start3A_1280 = arith.constant 0 : i32
      %dma_start3A_1281 = arith.constant 0 : i32
      %dma_start3A_1282 = tpu.memref_slice %arg7[%dma_start3A_1280, %dma_start3A_1281] : memref<200x128xf32, #tpu.memory_space<vmem>> -> memref<50x128xf32, #tpu.memory_space<vmem>>
      %dma_start3A_1283 = arith.constant 0 : i32
      %dma_start3A_1284 = arith.constant 0 : i32
      %dma_start3A_1285 = tpu.memref_slice %arg4[%add3A_1279, %dma_start3A_1283, %dma_start3A_1284] : memref<4096x50x128xf32, #tpu.memory_space<hbm>> -> memref<1x50x128xf32, #tpu.memory_space<hbm>>
      %dma_start3A_1286 = tpu.memref_squeeze %dma_start3A_1285 : memref<1x50x128xf32, #tpu.memory_space<hbm>> -> memref<50x128xf32, #tpu.memory_space<hbm>>
      %dma_start3A_1287 = arith.constant 0 : i32
      %dma_start3A_1288 = arith.constant 0 : i32
      %dma_start3A_1289 = tpu.memref_slice %arg4[%add3A_1279, %dma_start3A_1287, %dma_start3A_1288] : memref<4096x50x128xf32, #tpu.memory_space<hbm>> -> memref<1x50x128xf32, #tpu.memory_space<hbm>>
      %dma_start3A_1290 = tpu.memref_squeeze %dma_start3A_1289 : memref<1x50x128xf32, #tpu.memory_space<hbm>> -> memref<50x128xf32, #tpu.memory_space<hbm>>
      %dma_start3A_1291 = arith.constant 0 : i32
      %dma_start3A_1292 = arith.constant 0 : i32
      %dma_start3A_1293 = tpu.memref_slice %arg7[%dma_start3A_1291, %dma_start3A_1292] : memref<200x128xf32, #tpu.memory_space<vmem>> -> memref<50x128xf32, #tpu.memory_space<vmem>>
      tpu.enqueue_dma source(%dma_start3A_1293 : memref<50x128xf32, #tpu.memory_space<vmem>>) target(%dma_start3A_1290 : memref<50x128xf32, #tpu.memory_space<hbm>>) target_semaphore(%arg15 : memref<!tpu.dma_semaphore, #tpu.memory_space<semaphore_mem>>)
      %mul3A_1294 = arith.constant 4 : i32
      %mul3A_1295 = arith.muli %add3A_1274, %mul3A_1294 : i32
      %add3A_1296 = arith.addi %mul3A_4, %mul3A_1295 : i32
      %add3A_1297 = arith.constant 1 : i32
      %add3A_1298 = arith.addi %add3A_1296, %add3A_1297 : i32
      %dma_start3A_1299 = arith.constant 50 : i32
      %dma_start3A_1300 = arith.constant 0 : i32
      %dma_start3A_1301 = tpu.memref_slice %arg7[%dma_start3A_1299, %dma_start3A_1300] : memref<200x128xf32, #tpu.memory_space<vmem>> -> memref<50x128xf32, #tpu.memory_space<vmem>>
      %dma_start3A_1302 = arith.constant 0 : i32
      %dma_start3A_1303 = arith.constant 0 : i32
      %dma_start3A_1304 = tpu.memref_slice %arg4[%add3A_1298, %dma_start3A_1302, %dma_start3A_1303] : memref<4096x50x128xf32, #tpu.memory_space<hbm>> -> memref<1x50x128xf32, #tpu.memory_space<hbm>>
      %dma_start3A_1305 = tpu.memref_squeeze %dma_start3A_1304 : memref<1x50x128xf32, #tpu.memory_space<hbm>> -> memref<50x128xf32, #tpu.memory_space<hbm>>
      %dma_start3A_1306 = arith.constant 0 : i32
      %dma_start3A_1307 = arith.constant 0 : i32
      %dma_start3A_1308 = tpu.memref_slice %arg4[%add3A_1298, %dma_start3A_1306, %dma_start3A_1307] : memref<4096x50x128xf32, #tpu.memory_space<hbm>> -> memref<1x50x128xf32, #tpu.memory_space<hbm>>
      %dma_start3A_1309 = tpu.memref_squeeze %dma_start3A_1308 : memref<1x50x128xf32, #tpu.memory_space<hbm>> -> memref<50x128xf32, #tpu.memory_space<hbm>>
      %dma_start3A_1310 = arith.constant 50 : i32
      %dma_start3A_1311 = arith.constant 0 : i32
      %dma_start3A_1312 = tpu.memref_slice %arg7[%dma_start3A_1310, %dma_start3A_1311] : memref<200x128xf32, #tpu.memory_space<vmem>> -> memref<50x128xf32, #tpu.memory_space<vmem>>
      tpu.enqueue_dma source(%dma_start3A_1312 : memref<50x128xf32, #tpu.memory_space<vmem>>) target(%dma_start3A_1309 : memref<50x128xf32, #tpu.memory_space<hbm>>) target_semaphore(%arg15 : memref<!tpu.dma_semaphore, #tpu.memory_space<semaphore_mem>>)
      %mul3A_1313 = arith.constant 4 : i32
      %mul3A_1314 = arith.muli %add3A_1274, %mul3A_1313 : i32
      %add3A_1315 = arith.addi %mul3A_4, %mul3A_1314 : i32
      %add3A_1316 = arith.constant 2 : i32
      %add3A_1317 = arith.addi %add3A_1315, %add3A_1316 : i32
      %dma_start3A_1318 = arith.constant 100 : i32
      %dma_start3A_1319 = arith.constant 0 : i32
      %dma_start3A_1320 = tpu.memref_slice %arg7[%dma_start3A_1318, %dma_start3A_1319] : memref<200x128xf32, #tpu.memory_space<vmem>> -> memref<50x128xf32, #tpu.memory_space<vmem>>
      %dma_start3A_1321 = arith.constant 0 : i32
      %dma_start3A_1322 = arith.constant 0 : i32
      %dma_start3A_1323 = tpu.memref_slice %arg4[%add3A_1317, %dma_start3A_1321, %dma_start3A_1322] : memref<4096x50x128xf32, #tpu.memory_space<hbm>> -> memref<1x50x128xf32, #tpu.memory_space<hbm>>
      %dma_start3A_1324 = tpu.memref_squeeze %dma_start3A_1323 : memref<1x50x128xf32, #tpu.memory_space<hbm>> -> memref<50x128xf32, #tpu.memory_space<hbm>>
      %dma_start3A_1325 = arith.constant 0 : i32
      %dma_start3A_1326 = arith.constant 0 : i32
      %dma_start3A_1327 = tpu.memref_slice %arg4[%add3A_1317, %dma_start3A_1325, %dma_start3A_1326] : memref<4096x50x128xf32, #tpu.memory_space<hbm>> -> memref<1x50x128xf32, #tpu.memory_space<hbm>>
      %dma_start3A_1328 = tpu.memref_squeeze %dma_start3A_1327 : memref<1x50x128xf32, #tpu.memory_space<hbm>> -> memref<50x128xf32, #tpu.memory_space<hbm>>
      %dma_start3A_1329 = arith.constant 100 : i32
      %dma_start3A_1330 = arith.constant 0 : i32
      %dma_start3A_1331 = tpu.memref_slice %arg7[%dma_start3A_1329, %dma_start3A_1330] : memref<200x128xf32, #tpu.memory_space<vmem>> -> memref<50x128xf32, #tpu.memory_space<vmem>>
      tpu.enqueue_dma source(%dma_start3A_1331 : memref<50x128xf32, #tpu.memory_space<vmem>>) target(%dma_start3A_1328 : memref<50x128xf32, #tpu.memory_space<hbm>>) target_semaphore(%arg15 : memref<!tpu.dma_semaphore, #tpu.memory_space<semaphore_mem>>)
      %mul3A_1332 = arith.constant 4 : i32
      %mul3A_1333 = arith.muli %add3A_1274, %mul3A_1332 : i32
      %add3A_1334 = arith.addi %mul3A_4, %mul3A_1333 : i32
      %add3A_1335 = arith.constant 3 : i32
      %add3A_1336 = arith.addi %add3A_1334, %add3A_1335 : i32
      %dma_start3A_1337 = arith.constant 150 : i32
      %dma_start3A_1338 = arith.constant 0 : i32
      %dma_start3A_1339 = tpu.memref_slice %arg7[%dma_start3A_1337, %dma_start3A_1338] : memref<200x128xf32, #tpu.memory_space<vmem>> -> memref<50x128xf32, #tpu.memory_space<vmem>>
      %dma_start3A_1340 = arith.constant 0 : i32
      %dma_start3A_1341 = arith.constant 0 : i32
      %dma_start3A_1342 = tpu.memref_slice %arg4[%add3A_1336, %dma_start3A_1340, %dma_start3A_1341] : memref<4096x50x128xf32, #tpu.memory_space<hbm>> -> memref<1x50x128xf32, #tpu.memory_space<hbm>>
      %dma_start3A_1343 = tpu.memref_squeeze %dma_start3A_1342 : memref<1x50x128xf32, #tpu.memory_space<hbm>> -> memref<50x128xf32, #tpu.memory_space<hbm>>
      %dma_start3A_1344 = arith.constant 0 : i32
      %dma_start3A_1345 = arith.constant 0 : i32
      %dma_start3A_1346 = tpu.memref_slice %arg4[%add3A_1336, %dma_start3A_1344, %dma_start3A_1345] : memref<4096x50x128xf32, #tpu.memory_space<hbm>> -> memref<1x50x128xf32, #tpu.memory_space<hbm>>
      %dma_start3A_1347 = tpu.memref_squeeze %dma_start3A_1346 : memref<1x50x128xf32, #tpu.memory_space<hbm>> -> memref<50x128xf32, #tpu.memory_space<hbm>>
      %dma_start3A_1348 = arith.constant 150 : i32
      %dma_start3A_1349 = arith.constant 0 : i32
      %dma_start3A_1350 = tpu.memref_slice %arg7[%dma_start3A_1348, %dma_start3A_1349] : memref<200x128xf32, #tpu.memory_space<vmem>> -> memref<50x128xf32, #tpu.memory_space<vmem>>
      tpu.enqueue_dma source(%dma_start3A_1350 : memref<50x128xf32, #tpu.memory_space<vmem>>) target(%dma_start3A_1347 : memref<50x128xf32, #tpu.memory_space<hbm>>) target_semaphore(%arg15 : memref<!tpu.dma_semaphore, #tpu.memory_space<semaphore_mem>>)
      %dma_wait3A_1351 = arith.constant 0 : i32
      %dma_wait3A_1352 = arith.constant 0 : i32
      %dma_wait3A_1353 = tpu.memref_slice %arg6[%dma_wait3A_1351, %dma_wait3A_1352] : memref<200x128xf32, #tpu.memory_space<vmem>> -> memref<50x128xf32, #tpu.memory_space<vmem>>
      %dma_wait3A_1354 = arith.constant 0 : i32
      %dma_wait3A_1355 = arith.constant 0 : i32
      %dma_wait3A_1356 = tpu.memref_slice %arg4[%mul3A_4, %dma_wait3A_1354, %dma_wait3A_1355] : memref<4096x50x128xf32, #tpu.memory_space<hbm>> -> memref<1x50x128xf32, #tpu.memory_space<hbm>>
      %dma_wait3A_1357 = tpu.memref_squeeze %dma_wait3A_1356 : memref<1x50x128xf32, #tpu.memory_space<hbm>> -> memref<50x128xf32, #tpu.memory_space<hbm>>
      %dma_wait3A_1358 = arith.constant 0 : i32
      %dma_wait3A_1359 = arith.constant 0 : i32
      %dma_wait3A_1360 = tpu.memref_slice %arg4[%mul3A_4, %dma_wait3A_1358, %dma_wait3A_1359] : memref<4096x50x128xf32, #tpu.memory_space<hbm>> -> memref<1x50x128xf32, #tpu.memory_space<hbm>>
      %dma_wait3A_1361 = tpu.memref_squeeze %dma_wait3A_1360 : memref<1x50x128xf32, #tpu.memory_space<hbm>> -> memref<50x128xf32, #tpu.memory_space<hbm>>
      %dma_wait3A_1362 = arith.constant 0 : i32
      %dma_wait3A_1363 = arith.constant 0 : i32
      %dma_wait3A_1364 = tpu.memref_slice %arg6[%dma_wait3A_1362, %dma_wait3A_1363] : memref<200x128xf32, #tpu.memory_space<vmem>> -> memref<50x128xf32, #tpu.memory_space<vmem>>
      tpu.wait_dma2 semaphore(%arg14 : memref<!tpu.dma_semaphore, #tpu.memory_space<semaphore_mem>>) src(%dma_wait3A_1364 : memref<50x128xf32, #tpu.memory_space<vmem>>) dst(%dma_wait3A_1361 : memref<50x128xf32, #tpu.memory_space<hbm>>)
      %dma_wait3A_1365 = arith.constant 50 : i32
      %dma_wait3A_1366 = arith.constant 0 : i32
      %dma_wait3A_1367 = tpu.memref_slice %arg6[%dma_wait3A_1365, %dma_wait3A_1366] : memref<200x128xf32, #tpu.memory_space<vmem>> -> memref<50x128xf32, #tpu.memory_space<vmem>>
      %dma_wait3A_1368 = arith.constant 0 : i32
      %dma_wait3A_1369 = arith.constant 0 : i32
      %dma_wait3A_1370 = tpu.memref_slice %arg4[%mul3A_4, %dma_wait3A_1368, %dma_wait3A_1369] : memref<4096x50x128xf32, #tpu.memory_space<hbm>> -> memref<1x50x128xf32, #tpu.memory_space<hbm>>
      %dma_wait3A_1371 = tpu.memref_squeeze %dma_wait3A_1370 : memref<1x50x128xf32, #tpu.memory_space<hbm>> -> memref<50x128xf32, #tpu.memory_space<hbm>>
      %dma_wait3A_1372 = arith.constant 0 : i32
      %dma_wait3A_1373 = arith.constant 0 : i32
      %dma_wait3A_1374 = tpu.memref_slice %arg4[%mul3A_4, %dma_wait3A_1372, %dma_wait3A_1373] : memref<4096x50x128xf32, #tpu.memory_space<hbm>> -> memref<1x50x128xf32, #tpu.memory_space<hbm>>
      %dma_wait3A_1375 = tpu.memref_squeeze %dma_wait3A_1374 : memref<1x50x128xf32, #tpu.memory_space<hbm>> -> memref<50x128xf32, #tpu.memory_space<hbm>>
      %dma_wait3A_1376 = arith.constant 50 : i32
      %dma_wait3A_1377 = arith.constant 0 : i32
      %dma_wait3A_1378 = tpu.memref_slice %arg6[%dma_wait3A_1376, %dma_wait3A_1377] : memref<200x128xf32, #tpu.memory_space<vmem>> -> memref<50x128xf32, #tpu.memory_space<vmem>>
      tpu.wait_dma2 semaphore(%arg14 : memref<!tpu.dma_semaphore, #tpu.memory_space<semaphore_mem>>) src(%dma_wait3A_1378 : memref<50x128xf32, #tpu.memory_space<vmem>>) dst(%dma_wait3A_1375 : memref<50x128xf32, #tpu.memory_space<hbm>>)
      %dma_wait3A_1379 = arith.constant 100 : i32
      %dma_wait3A_1380 = arith.constant 0 : i32
      %dma_wait3A_1381 = tpu.memref_slice %arg6[%dma_wait3A_1379, %dma_wait3A_1380] : memref<200x128xf32, #tpu.memory_space<vmem>> -> memref<50x128xf32, #tpu.memory_space<vmem>>
      %dma_wait3A_1382 = arith.constant 0 : i32
      %dma_wait3A_1383 = arith.constant 0 : i32
      %dma_wait3A_1384 = tpu.memref_slice %arg4[%mul3A_4, %dma_wait3A_1382, %dma_wait3A_1383] : memref<4096x50x128xf32, #tpu.memory_space<hbm>> -> memref<1x50x128xf32, #tpu.memory_space<hbm>>
      %dma_wait3A_1385 = tpu.memref_squeeze %dma_wait3A_1384 : memref<1x50x128xf32, #tpu.memory_space<hbm>> -> memref<50x128xf32, #tpu.memory_space<hbm>>
      %dma_wait3A_1386 = arith.constant 0 : i32
      %dma_wait3A_1387 = arith.constant 0 : i32
      %dma_wait3A_1388 = tpu.memref_slice %arg4[%mul3A_4, %dma_wait3A_1386, %dma_wait3A_1387] : memref<4096x50x128xf32, #tpu.memory_space<hbm>> -> memref<1x50x128xf32, #tpu.memory_space<hbm>>
      %dma_wait3A_1389 = tpu.memref_squeeze %dma_wait3A_1388 : memref<1x50x128xf32, #tpu.memory_space<hbm>> -> memref<50x128xf32, #tpu.memory_space<hbm>>
      %dma_wait3A_1390 = arith.constant 100 : i32
      %dma_wait3A_1391 = arith.constant 0 : i32
      %dma_wait3A_1392 = tpu.memref_slice %arg6[%dma_wait3A_1390, %dma_wait3A_1391] : memref<200x128xf32, #tpu.memory_space<vmem>> -> memref<50x128xf32, #tpu.memory_space<vmem>>
      tpu.wait_dma2 semaphore(%arg14 : memref<!tpu.dma_semaphore, #tpu.memory_space<semaphore_mem>>) src(%dma_wait3A_1392 : memref<50x128xf32, #tpu.memory_space<vmem>>) dst(%dma_wait3A_1389 : memref<50x128xf32, #tpu.memory_space<hbm>>)
      %dma_wait3A_1393 = arith.constant 150 : i32
      %dma_wait3A_1394 = arith.constant 0 : i32
      %dma_wait3A_1395 = tpu.memref_slice %arg6[%dma_wait3A_1393, %dma_wait3A_1394] : memref<200x128xf32, #tpu.memory_space<vmem>> -> memref<50x128xf32, #tpu.memory_space<vmem>>
      %dma_wait3A_1396 = arith.constant 0 : i32
      %dma_wait3A_1397 = arith.constant 0 : i32
      %dma_wait3A_1398 = tpu.memref_slice %arg4[%mul3A_4, %dma_wait3A_1396, %dma_wait3A_1397] : memref<4096x50x128xf32, #tpu.memory_space<hbm>> -> memref<1x50x128xf32, #tpu.memory_space<hbm>>
      %dma_wait3A_1399 = tpu.memref_squeeze %dma_wait3A_1398 : memref<1x50x128xf32, #tpu.memory_space<hbm>> -> memref<50x128xf32, #tpu.memory_space<hbm>>
      %dma_wait3A_1400 = arith.constant 0 : i32
      %dma_wait3A_1401 = arith.constant 0 : i32
      %dma_wait3A_1402 = tpu.memref_slice %arg4[%mul3A_4, %dma_wait3A_1400, %dma_wait3A_1401] : memref<4096x50x128xf32, #tpu.memory_space<hbm>> -> memref<1x50x128xf32, #tpu.memory_space<hbm>>
      %dma_wait3A_1403 = tpu.memref_squeeze %dma_wait3A_1402 : memref<1x50x128xf32, #tpu.memory_space<hbm>> -> memref<50x128xf32, #tpu.memory_space<hbm>>
      %dma_wait3A_1404 = arith.constant 150 : i32
      %dma_wait3A_1405 = arith.constant 0 : i32
      %dma_wait3A_1406 = tpu.memref_slice %arg6[%dma_wait3A_1404, %dma_wait3A_1405] : memref<200x128xf32, #tpu.memory_space<vmem>> -> memref<50x128xf32, #tpu.memory_space<vmem>>
      tpu.wait_dma2 semaphore(%arg14 : memref<!tpu.dma_semaphore, #tpu.memory_space<semaphore_mem>>) src(%dma_wait3A_1406 : memref<50x128xf32, #tpu.memory_space<vmem>>) dst(%dma_wait3A_1403 : memref<50x128xf32, #tpu.memory_space<hbm>>)
      %add3A_1407 = arith.constant 1 : i32
      %add3A_1408 = arith.addi %mul3A_1117, %add3A_1407 : i32
      %add3A_1409 = arith.constant 4 : i32
      %add3A_1410 = arith.addi %add3A_1408, %add3A_1409 : i32
      %sub3A_1411 = arith.constant 1 : i32
      %sub3A_1412 = arith.subi %add3A_1410, %sub3A_1411 : i32
      %mul3A_1413 = arith.constant 200 : i32
      %mul3A_1414 = arith.muli %sub3A_1412, %mul3A_1413 : i32
      %dma_start3A_1415 = tpu.memref_slice %arg5[%mul3A_1414] : memref<6400xi32, #tpu.memory_space<vmem>> -> memref<200xi32, #tpu.memory_space<vmem>>
      %dma_start3A_1416 = arith.constant 0 : i32
      %dma_start3A_1417 = arith.constant 0 : i32
      %dma_start3A_1418 = tpu.memref_slice %arg3[%dma_start3A_1416, %dma_start3A_1417] : memref<100000x128xf32, #tpu.memory_space<hbm>> -> memref<100000x128xf32, #tpu.memory_space<hbm>>
      tpu.enqueue_indirect_dma source(%dma_start3A_1418 : memref<100000x128xf32, #tpu.memory_space<hbm>>) target(%arg6 : memref<200x128xf32, #tpu.memory_space<vmem>>) offsets(%dma_start3A_1415 : memref<200xi32, #tpu.memory_space<vmem>>) semaphore(%arg10 : memref<!tpu.dma_semaphore, #tpu.memory_space<semaphore_mem>>)
      %dma_wait3A_1419 = arith.constant 0 : i32
      %dma_wait3A_1420 = tpu.memref_slice %arg5[%dma_wait3A_1419] : memref<6400xi32, #tpu.memory_space<vmem>> -> memref<200xi32, #tpu.memory_space<vmem>>
      %dma_wait3A_1421 = arith.constant 0 : i32
      %dma_wait3A_1422 = arith.constant 0 : i32
      %dma_wait3A_1423 = tpu.memref_slice %arg3[%dma_wait3A_1421, %dma_wait3A_1422] : memref<100000x128xf32, #tpu.memory_space<hbm>> -> memref<100000x128xf32, #tpu.memory_space<hbm>>
      tpu.wait_indirect_dma semaphore(%arg12 : memref<!tpu.dma_semaphore, #tpu.memory_space<semaphore_mem>>) src(%dma_wait3A_1423 : memref<100000x128xf32, #tpu.memory_space<hbm>>) dst(%arg8 : memref<200x128xf32, #tpu.memory_space<vmem>>)
      %add3A_1424 = arith.constant 2 : i32
      %add3A_1425 = arith.addi %mul3A_1117, %add3A_1424 : i32
      %mul3A_1426 = arith.constant 4 : i32
      %mul3A_1427 = arith.muli %add3A_1425, %mul3A_1426 : i32
      %add3A_1428 = arith.addi %mul3A_4, %mul3A_1427 : i32
      %add3A_1429 = arith.constant 0 : i32
      %add3A_1430 = arith.addi %add3A_1428, %add3A_1429 : i32
      %dma_start3A_1431 = arith.constant 0 : i32
      %dma_start3A_1432 = arith.constant 0 : i32
      %dma_start3A_1433 = tpu.memref_slice %arg8[%dma_start3A_1431, %dma_start3A_1432] : memref<200x128xf32, #tpu.memory_space<vmem>> -> memref<50x128xf32, #tpu.memory_space<vmem>>
      %dma_start3A_1434 = arith.constant 0 : i32
      %dma_start3A_1435 = arith.constant 0 : i32
      %dma_start3A_1436 = tpu.memref_slice %arg4[%add3A_1430, %dma_start3A_1434, %dma_start3A_1435] : memref<4096x50x128xf32, #tpu.memory_space<hbm>> -> memref<1x50x128xf32, #tpu.memory_space<hbm>>
      %dma_start3A_1437 = tpu.memref_squeeze %dma_start3A_1436 : memref<1x50x128xf32, #tpu.memory_space<hbm>> -> memref<50x128xf32, #tpu.memory_space<hbm>>
      %dma_start3A_1438 = arith.constant 0 : i32
      %dma_start3A_1439 = arith.constant 0 : i32
      %dma_start3A_1440 = tpu.memref_slice %arg4[%add3A_1430, %dma_start3A_1438, %dma_start3A_1439] : memref<4096x50x128xf32, #tpu.memory_space<hbm>> -> memref<1x50x128xf32, #tpu.memory_space<hbm>>
      %dma_start3A_1441 = tpu.memref_squeeze %dma_start3A_1440 : memref<1x50x128xf32, #tpu.memory_space<hbm>> -> memref<50x128xf32, #tpu.memory_space<hbm>>
      %dma_start3A_1442 = arith.constant 0 : i32
      %dma_start3A_1443 = arith.constant 0 : i32
      %dma_start3A_1444 = tpu.memref_slice %arg8[%dma_start3A_1442, %dma_start3A_1443] : memref<200x128xf32, #tpu.memory_space<vmem>> -> memref<50x128xf32, #tpu.memory_space<vmem>>
      tpu.enqueue_dma source(%dma_start3A_1444 : memref<50x128xf32, #tpu.memory_space<vmem>>) target(%dma_start3A_1441 : memref<50x128xf32, #tpu.memory_space<hbm>>) target_semaphore(%arg16 : memref<!tpu.dma_semaphore, #tpu.memory_space<semaphore_mem>>)
      %mul3A_1445 = arith.constant 4 : i32
      %mul3A_1446 = arith.muli %add3A_1425, %mul3A_1445 : i32
      %add3A_1447 = arith.addi %mul3A_4, %mul3A_1446 : i32
      %add3A_1448 = arith.constant 1 : i32
      %add3A_1449 = arith.addi %add3A_1447, %add3A_1448 : i32
      %dma_start3A_1450 = arith.constant 50 : i32
      %dma_start3A_1451 = arith.constant 0 : i32
      %dma_start3A_1452 = tpu.memref_slice %arg8[%dma_start3A_1450, %dma_start3A_1451] : memref<200x128xf32, #tpu.memory_space<vmem>> -> memref<50x128xf32, #tpu.memory_space<vmem>>
      %dma_start3A_1453 = arith.constant 0 : i32
      %dma_start3A_1454 = arith.constant 0 : i32
      %dma_start3A_1455 = tpu.memref_slice %arg4[%add3A_1449, %dma_start3A_1453, %dma_start3A_1454] : memref<4096x50x128xf32, #tpu.memory_space<hbm>> -> memref<1x50x128xf32, #tpu.memory_space<hbm>>
      %dma_start3A_1456 = tpu.memref_squeeze %dma_start3A_1455 : memref<1x50x128xf32, #tpu.memory_space<hbm>> -> memref<50x128xf32, #tpu.memory_space<hbm>>
      %dma_start3A_1457 = arith.constant 0 : i32
      %dma_start3A_1458 = arith.constant 0 : i32
      %dma_start3A_1459 = tpu.memref_slice %arg4[%add3A_1449, %dma_start3A_1457, %dma_start3A_1458] : memref<4096x50x128xf32, #tpu.memory_space<hbm>> -> memref<1x50x128xf32, #tpu.memory_space<hbm>>
      %dma_start3A_1460 = tpu.memref_squeeze %dma_start3A_1459 : memref<1x50x128xf32, #tpu.memory_space<hbm>> -> memref<50x128xf32, #tpu.memory_space<hbm>>
      %dma_start3A_1461 = arith.constant 50 : i32
      %dma_start3A_1462 = arith.constant 0 : i32
      %dma_start3A_1463 = tpu.memref_slice %arg8[%dma_start3A_1461, %dma_start3A_1462] : memref<200x128xf32, #tpu.memory_space<vmem>> -> memref<50x128xf32, #tpu.memory_space<vmem>>
      tpu.enqueue_dma source(%dma_start3A_1463 : memref<50x128xf32, #tpu.memory_space<vmem>>) target(%dma_start3A_1460 : memref<50x128xf32, #tpu.memory_space<hbm>>) target_semaphore(%arg16 : memref<!tpu.dma_semaphore, #tpu.memory_space<semaphore_mem>>)
      %mul3A_1464 = arith.constant 4 : i32
      %mul3A_1465 = arith.muli %add3A_1425, %mul3A_1464 : i32
      %add3A_1466 = arith.addi %mul3A_4, %mul3A_1465 : i32
      %add3A_1467 = arith.constant 2 : i32
      %add3A_1468 = arith.addi %add3A_1466, %add3A_1467 : i32
      %dma_start3A_1469 = arith.constant 100 : i32
      %dma_start3A_1470 = arith.constant 0 : i32
      %dma_start3A_1471 = tpu.memref_slice %arg8[%dma_start3A_1469, %dma_start3A_1470] : memref<200x128xf32, #tpu.memory_space<vmem>> -> memref<50x128xf32, #tpu.memory_space<vmem>>
      %dma_start3A_1472 = arith.constant 0 : i32
      %dma_start3A_1473 = arith.constant 0 : i32
      %dma_start3A_1474 = tpu.memref_slice %arg4[%add3A_1468, %dma_start3A_1472, %dma_start3A_1473] : memref<4096x50x128xf32, #tpu.memory_space<hbm>> -> memref<1x50x128xf32, #tpu.memory_space<hbm>>
      %dma_start3A_1475 = tpu.memref_squeeze %dma_start3A_1474 : memref<1x50x128xf32, #tpu.memory_space<hbm>> -> memref<50x128xf32, #tpu.memory_space<hbm>>
      %dma_start3A_1476 = arith.constant 0 : i32
      %dma_start3A_1477 = arith.constant 0 : i32
      %dma_start3A_1478 = tpu.memref_slice %arg4[%add3A_1468, %dma_start3A_1476, %dma_start3A_1477] : memref<4096x50x128xf32, #tpu.memory_space<hbm>> -> memref<1x50x128xf32, #tpu.memory_space<hbm>>
      %dma_start3A_1479 = tpu.memref_squeeze %dma_start3A_1478 : memref<1x50x128xf32, #tpu.memory_space<hbm>> -> memref<50x128xf32, #tpu.memory_space<hbm>>
      %dma_start3A_1480 = arith.constant 100 : i32
      %dma_start3A_1481 = arith.constant 0 : i32
      %dma_start3A_1482 = tpu.memref_slice %arg8[%dma_start3A_1480, %dma_start3A_1481] : memref<200x128xf32, #tpu.memory_space<vmem>> -> memref<50x128xf32, #tpu.memory_space<vmem>>
      tpu.enqueue_dma source(%dma_start3A_1482 : memref<50x128xf32, #tpu.memory_space<vmem>>) target(%dma_start3A_1479 : memref<50x128xf32, #tpu.memory_space<hbm>>) target_semaphore(%arg16 : memref<!tpu.dma_semaphore, #tpu.memory_space<semaphore_mem>>)
      %mul3A_1483 = arith.constant 4 : i32
      %mul3A_1484 = arith.muli %add3A_1425, %mul3A_1483 : i32
      %add3A_1485 = arith.addi %mul3A_4, %mul3A_1484 : i32
      %add3A_1486 = arith.constant 3 : i32
      %add3A_1487 = arith.addi %add3A_1485, %add3A_1486 : i32
      %dma_start3A_1488 = arith.constant 150 : i32
      %dma_start3A_1489 = arith.constant 0 : i32
      %dma_start3A_1490 = tpu.memref_slice %arg8[%dma_start3A_1488, %dma_start3A_1489] : memref<200x128xf32, #tpu.memory_space<vmem>> -> memref<50x128xf32, #tpu.memory_space<vmem>>
      %dma_start3A_1491 = arith.constant 0 : i32
      %dma_start3A_1492 = arith.constant 0 : i32
      %dma_start3A_1493 = tpu.memref_slice %arg4[%add3A_1487, %dma_start3A_1491, %dma_start3A_1492] : memref<4096x50x128xf32, #tpu.memory_space<hbm>> -> memref<1x50x128xf32, #tpu.memory_space<hbm>>
      %dma_start3A_1494 = tpu.memref_squeeze %dma_start3A_1493 : memref<1x50x128xf32, #tpu.memory_space<hbm>> -> memref<50x128xf32, #tpu.memory_space<hbm>>
      %dma_start3A_1495 = arith.constant 0 : i32
      %dma_start3A_1496 = arith.constant 0 : i32
      %dma_start3A_1497 = tpu.memref_slice %arg4[%add3A_1487, %dma_start3A_1495, %dma_start3A_1496] : memref<4096x50x128xf32, #tpu.memory_space<hbm>> -> memref<1x50x128xf32, #tpu.memory_space<hbm>>
      %dma_start3A_1498 = tpu.memref_squeeze %dma_start3A_1497 : memref<1x50x128xf32, #tpu.memory_space<hbm>> -> memref<50x128xf32, #tpu.memory_space<hbm>>
      %dma_start3A_1499 = arith.constant 150 : i32
      %dma_start3A_1500 = arith.constant 0 : i32
      %dma_start3A_1501 = tpu.memref_slice %arg8[%dma_start3A_1499, %dma_start3A_1500] : memref<200x128xf32, #tpu.memory_space<vmem>> -> memref<50x128xf32, #tpu.memory_space<vmem>>
      tpu.enqueue_dma source(%dma_start3A_1501 : memref<50x128xf32, #tpu.memory_space<vmem>>) target(%dma_start3A_1498 : memref<50x128xf32, #tpu.memory_space<hbm>>) target_semaphore(%arg16 : memref<!tpu.dma_semaphore, #tpu.memory_space<semaphore_mem>>)
      %dma_wait3A_1502 = arith.constant 0 : i32
      %dma_wait3A_1503 = arith.constant 0 : i32
      %dma_wait3A_1504 = tpu.memref_slice %arg7[%dma_wait3A_1502, %dma_wait3A_1503] : memref<200x128xf32, #tpu.memory_space<vmem>> -> memref<50x128xf32, #tpu.memory_space<vmem>>
      %dma_wait3A_1505 = arith.constant 0 : i32
      %dma_wait3A_1506 = arith.constant 0 : i32
      %dma_wait3A_1507 = tpu.memref_slice %arg4[%mul3A_4, %dma_wait3A_1505, %dma_wait3A_1506] : memref<4096x50x128xf32, #tpu.memory_space<hbm>> -> memref<1x50x128xf32, #tpu.memory_space<hbm>>
      %dma_wait3A_1508 = tpu.memref_squeeze %dma_wait3A_1507 : memref<1x50x128xf32, #tpu.memory_space<hbm>> -> memref<50x128xf32, #tpu.memory_space<hbm>>
      %dma_wait3A_1509 = arith.constant 0 : i32
      %dma_wait3A_1510 = arith.constant 0 : i32
      %dma_wait3A_1511 = tpu.memref_slice %arg4[%mul3A_4, %dma_wait3A_1509, %dma_wait3A_1510] : memref<4096x50x128xf32, #tpu.memory_space<hbm>> -> memref<1x50x128xf32, #tpu.memory_space<hbm>>
      %dma_wait3A_1512 = tpu.memref_squeeze %dma_wait3A_1511 : memref<1x50x128xf32, #tpu.memory_space<hbm>> -> memref<50x128xf32, #tpu.memory_space<hbm>>
      %dma_wait3A_1513 = arith.constant 0 : i32
      %dma_wait3A_1514 = arith.constant 0 : i32
      %dma_wait3A_1515 = tpu.memref_slice %arg7[%dma_wait3A_1513, %dma_wait3A_1514] : memref<200x128xf32, #tpu.memory_space<vmem>> -> memref<50x128xf32, #tpu.memory_space<vmem>>
      tpu.wait_dma2 semaphore(%arg15 : memref<!tpu.dma_semaphore, #tpu.memory_space<semaphore_mem>>) src(%dma_wait3A_1515 : memref<50x128xf32, #tpu.memory_space<vmem>>) dst(%dma_wait3A_1512 : memref<50x128xf32, #tpu.memory_space<hbm>>)
      %dma_wait3A_1516 = arith.constant 50 : i32
      %dma_wait3A_1517 = arith.constant 0 : i32
      %dma_wait3A_1518 = tpu.memref_slice %arg7[%dma_wait3A_1516, %dma_wait3A_1517] : memref<200x128xf32, #tpu.memory_space<vmem>> -> memref<50x128xf32, #tpu.memory_space<vmem>>
      %dma_wait3A_1519 = arith.constant 0 : i32
      %dma_wait3A_1520 = arith.constant 0 : i32
      %dma_wait3A_1521 = tpu.memref_slice %arg4[%mul3A_4, %dma_wait3A_1519, %dma_wait3A_1520] : memref<4096x50x128xf32, #tpu.memory_space<hbm>> -> memref<1x50x128xf32, #tpu.memory_space<hbm>>
      %dma_wait3A_1522 = tpu.memref_squeeze %dma_wait3A_1521 : memref<1x50x128xf32, #tpu.memory_space<hbm>> -> memref<50x128xf32, #tpu.memory_space<hbm>>
      %dma_wait3A_1523 = arith.constant 0 : i32
      %dma_wait3A_1524 = arith.constant 0 : i32
      %dma_wait3A_1525 = tpu.memref_slice %arg4[%mul3A_4, %dma_wait3A_1523, %dma_wait3A_1524] : memref<4096x50x128xf32, #tpu.memory_space<hbm>> -> memref<1x50x128xf32, #tpu.memory_space<hbm>>
      %dma_wait3A_1526 = tpu.memref_squeeze %dma_wait3A_1525 : memref<1x50x128xf32, #tpu.memory_space<hbm>> -> memref<50x128xf32, #tpu.memory_space<hbm>>
      %dma_wait3A_1527 = arith.constant 50 : i32
      %dma_wait3A_1528 = arith.constant 0 : i32
      %dma_wait3A_1529 = tpu.memref_slice %arg7[%dma_wait3A_1527, %dma_wait3A_1528] : memref<200x128xf32, #tpu.memory_space<vmem>> -> memref<50x128xf32, #tpu.memory_space<vmem>>
      tpu.wait_dma2 semaphore(%arg15 : memref<!tpu.dma_semaphore, #tpu.memory_space<semaphore_mem>>) src(%dma_wait3A_1529 : memref<50x128xf32, #tpu.memory_space<vmem>>) dst(%dma_wait3A_1526 : memref<50x128xf32, #tpu.memory_space<hbm>>)
      %dma_wait3A_1530 = arith.constant 100 : i32
      %dma_wait3A_1531 = arith.constant 0 : i32
      %dma_wait3A_1532 = tpu.memref_slice %arg7[%dma_wait3A_1530, %dma_wait3A_1531] : memref<200x128xf32, #tpu.memory_space<vmem>> -> memref<50x128xf32, #tpu.memory_space<vmem>>
      %dma_wait3A_1533 = arith.constant 0 : i32
      %dma_wait3A_1534 = arith.constant 0 : i32
      %dma_wait3A_1535 = tpu.memref_slice %arg4[%mul3A_4, %dma_wait3A_1533, %dma_wait3A_1534] : memref<4096x50x128xf32, #tpu.memory_space<hbm>> -> memref<1x50x128xf32, #tpu.memory_space<hbm>>
      %dma_wait3A_1536 = tpu.memref_squeeze %dma_wait3A_1535 : memref<1x50x128xf32, #tpu.memory_space<hbm>> -> memref<50x128xf32, #tpu.memory_space<hbm>>
      %dma_wait3A_1537 = arith.constant 0 : i32
      %dma_wait3A_1538 = arith.constant 0 : i32
      %dma_wait3A_1539 = tpu.memref_slice %arg4[%mul3A_4, %dma_wait3A_1537, %dma_wait3A_1538] : memref<4096x50x128xf32, #tpu.memory_space<hbm>> -> memref<1x50x128xf32, #tpu.memory_space<hbm>>
      %dma_wait3A_1540 = tpu.memref_squeeze %dma_wait3A_1539 : memref<1x50x128xf32, #tpu.memory_space<hbm>> -> memref<50x128xf32, #tpu.memory_space<hbm>>
      %dma_wait3A_1541 = arith.constant 100 : i32
      %dma_wait3A_1542 = arith.constant 0 : i32
      %dma_wait3A_1543 = tpu.memref_slice %arg7[%dma_wait3A_1541, %dma_wait3A_1542] : memref<200x128xf32, #tpu.memory_space<vmem>> -> memref<50x128xf32, #tpu.memory_space<vmem>>
      tpu.wait_dma2 semaphore(%arg15 : memref<!tpu.dma_semaphore, #tpu.memory_space<semaphore_mem>>) src(%dma_wait3A_1543 : memref<50x128xf32, #tpu.memory_space<vmem>>) dst(%dma_wait3A_1540 : memref<50x128xf32, #tpu.memory_space<hbm>>)
      %dma_wait3A_1544 = arith.constant 150 : i32
      %dma_wait3A_1545 = arith.constant 0 : i32
      %dma_wait3A_1546 = tpu.memref_slice %arg7[%dma_wait3A_1544, %dma_wait3A_1545] : memref<200x128xf32, #tpu.memory_space<vmem>> -> memref<50x128xf32, #tpu.memory_space<vmem>>
      %dma_wait3A_1547 = arith.constant 0 : i32
      %dma_wait3A_1548 = arith.constant 0 : i32
      %dma_wait3A_1549 = tpu.memref_slice %arg4[%mul3A_4, %dma_wait3A_1547, %dma_wait3A_1548] : memref<4096x50x128xf32, #tpu.memory_space<hbm>> -> memref<1x50x128xf32, #tpu.memory_space<hbm>>
      %dma_wait3A_1550 = tpu.memref_squeeze %dma_wait3A_1549 : memref<1x50x128xf32, #tpu.memory_space<hbm>> -> memref<50x128xf32, #tpu.memory_space<hbm>>
      %dma_wait3A_1551 = arith.constant 0 : i32
      %dma_wait3A_1552 = arith.constant 0 : i32
      %dma_wait3A_1553 = tpu.memref_slice %arg4[%mul3A_4, %dma_wait3A_1551, %dma_wait3A_1552] : memref<4096x50x128xf32, #tpu.memory_space<hbm>> -> memref<1x50x128xf32, #tpu.memory_space<hbm>>
      %dma_wait3A_1554 = tpu.memref_squeeze %dma_wait3A_1553 : memref<1x50x128xf32, #tpu.memory_space<hbm>> -> memref<50x128xf32, #tpu.memory_space<hbm>>
      %dma_wait3A_1555 = arith.constant 150 : i32
      %dma_wait3A_1556 = arith.constant 0 : i32
      %dma_wait3A_1557 = tpu.memref_slice %arg7[%dma_wait3A_1555, %dma_wait3A_1556] : memref<200x128xf32, #tpu.memory_space<vmem>> -> memref<50x128xf32, #tpu.memory_space<vmem>>
      tpu.wait_dma2 semaphore(%arg15 : memref<!tpu.dma_semaphore, #tpu.memory_space<semaphore_mem>>) src(%dma_wait3A_1557 : memref<50x128xf32, #tpu.memory_space<vmem>>) dst(%dma_wait3A_1554 : memref<50x128xf32, #tpu.memory_space<hbm>>)
      %add3A_1558 = arith.constant 2 : i32
      %add3A_1559 = arith.addi %mul3A_1117, %add3A_1558 : i32
      %add3A_1560 = arith.constant 4 : i32
      %add3A_1561 = arith.addi %add3A_1559, %add3A_1560 : i32
      %sub3A_1562 = arith.constant 1 : i32
      %sub3A_1563 = arith.subi %add3A_1561, %sub3A_1562 : i32
      %mul3A_1564 = arith.constant 200 : i32
      %mul3A_1565 = arith.muli %sub3A_1563, %mul3A_1564 : i32
      %dma_start3A_1566 = tpu.memref_slice %arg5[%mul3A_1565] : memref<6400xi32, #tpu.memory_space<vmem>> -> memref<200xi32, #tpu.memory_space<vmem>>
      %dma_start3A_1567 = arith.constant 0 : i32
      %dma_start3A_1568 = arith.constant 0 : i32
      %dma_start3A_1569 = tpu.memref_slice %arg3[%dma_start3A_1567, %dma_start3A_1568] : memref<100000x128xf32, #tpu.memory_space<hbm>> -> memref<100000x128xf32, #tpu.memory_space<hbm>>
      tpu.enqueue_indirect_dma source(%dma_start3A_1569 : memref<100000x128xf32, #tpu.memory_space<hbm>>) target(%arg7 : memref<200x128xf32, #tpu.memory_space<vmem>>) offsets(%dma_start3A_1566 : memref<200xi32, #tpu.memory_space<vmem>>) semaphore(%arg11 : memref<!tpu.dma_semaphore, #tpu.memory_space<semaphore_mem>>)
      %dma_wait3A_1570 = arith.constant 0 : i32
      %dma_wait3A_1571 = tpu.memref_slice %arg5[%dma_wait3A_1570] : memref<6400xi32, #tpu.memory_space<vmem>> -> memref<200xi32, #tpu.memory_space<vmem>>
      %dma_wait3A_1572 = arith.constant 0 : i32
      %dma_wait3A_1573 = arith.constant 0 : i32
      %dma_wait3A_1574 = tpu.memref_slice %arg3[%dma_wait3A_1572, %dma_wait3A_1573] : memref<100000x128xf32, #tpu.memory_space<hbm>> -> memref<100000x128xf32, #tpu.memory_space<hbm>>
      tpu.wait_indirect_dma semaphore(%arg13 : memref<!tpu.dma_semaphore, #tpu.memory_space<semaphore_mem>>) src(%dma_wait3A_1574 : memref<100000x128xf32, #tpu.memory_space<hbm>>) dst(%arg9 : memref<200x128xf32, #tpu.memory_space<vmem>>)
      %add3A_1575 = arith.constant 3 : i32
      %add3A_1576 = arith.addi %mul3A_1117, %add3A_1575 : i32
      %mul3A_1577 = arith.constant 4 : i32
      %mul3A_1578 = arith.muli %add3A_1576, %mul3A_1577 : i32
      %add3A_1579 = arith.addi %mul3A_4, %mul3A_1578 : i32
      %add3A_1580 = arith.constant 0 : i32
      %add3A_1581 = arith.addi %add3A_1579, %add3A_1580 : i32
      %dma_start3A_1582 = arith.constant 0 : i32
      %dma_start3A_1583 = arith.constant 0 : i32
      %dma_start3A_1584 = tpu.memref_slice %arg9[%dma_start3A_1582, %dma_start3A_1583] : memref<200x128xf32, #tpu.memory_space<vmem>> -> memref<50x128xf32, #tpu.memory_space<vmem>>
      %dma_start3A_1585 = arith.constant 0 : i32
      %dma_start3A_1586 = arith.constant 0 : i32
      %dma_start3A_1587 = tpu.memref_slice %arg4[%add3A_1581, %dma_start3A_1585, %dma_start3A_1586] : memref<4096x50x128xf32, #tpu.memory_space<hbm>> -> memref<1x50x128xf32, #tpu.memory_space<hbm>>
      %dma_start3A_1588 = tpu.memref_squeeze %dma_start3A_1587 : memref<1x50x128xf32, #tpu.memory_space<hbm>> -> memref<50x128xf32, #tpu.memory_space<hbm>>
      %dma_start3A_1589 = arith.constant 0 : i32
      %dma_start3A_1590 = arith.constant 0 : i32
      %dma_start3A_1591 = tpu.memref_slice %arg4[%add3A_1581, %dma_start3A_1589, %dma_start3A_1590] : memref<4096x50x128xf32, #tpu.memory_space<hbm>> -> memref<1x50x128xf32, #tpu.memory_space<hbm>>
      %dma_start3A_1592 = tpu.memref_squeeze %dma_start3A_1591 : memref<1x50x128xf32, #tpu.memory_space<hbm>> -> memref<50x128xf32, #tpu.memory_space<hbm>>
      %dma_start3A_1593 = arith.constant 0 : i32
      %dma_start3A_1594 = arith.constant 0 : i32
      %dma_start3A_1595 = tpu.memref_slice %arg9[%dma_start3A_1593, %dma_start3A_1594] : memref<200x128xf32, #tpu.memory_space<vmem>> -> memref<50x128xf32, #tpu.memory_space<vmem>>
      tpu.enqueue_dma source(%dma_start3A_1595 : memref<50x128xf32, #tpu.memory_space<vmem>>) target(%dma_start3A_1592 : memref<50x128xf32, #tpu.memory_space<hbm>>) target_semaphore(%arg17 : memref<!tpu.dma_semaphore, #tpu.memory_space<semaphore_mem>>)
      %mul3A_1596 = arith.constant 4 : i32
      %mul3A_1597 = arith.muli %add3A_1576, %mul3A_1596 : i32
      %add3A_1598 = arith.addi %mul3A_4, %mul3A_1597 : i32
      %add3A_1599 = arith.constant 1 : i32
      %add3A_1600 = arith.addi %add3A_1598, %add3A_1599 : i32
      %dma_start3A_1601 = arith.constant 50 : i32
      %dma_start3A_1602 = arith.constant 0 : i32
      %dma_start3A_1603 = tpu.memref_slice %arg9[%dma_start3A_1601, %dma_start3A_1602] : memref<200x128xf32, #tpu.memory_space<vmem>> -> memref<50x128xf32, #tpu.memory_space<vmem>>
      %dma_start3A_1604 = arith.constant 0 : i32
      %dma_start3A_1605 = arith.constant 0 : i32
      %dma_start3A_1606 = tpu.memref_slice %arg4[%add3A_1600, %dma_start3A_1604, %dma_start3A_1605] : memref<4096x50x128xf32, #tpu.memory_space<hbm>> -> memref<1x50x128xf32, #tpu.memory_space<hbm>>
      %dma_start3A_1607 = tpu.memref_squeeze %dma_start3A_1606 : memref<1x50x128xf32, #tpu.memory_space<hbm>> -> memref<50x128xf32, #tpu.memory_space<hbm>>
      %dma_start3A_1608 = arith.constant 0 : i32
      %dma_start3A_1609 = arith.constant 0 : i32
      %dma_start3A_1610 = tpu.memref_slice %arg4[%add3A_1600, %dma_start3A_1608, %dma_start3A_1609] : memref<4096x50x128xf32, #tpu.memory_space<hbm>> -> memref<1x50x128xf32, #tpu.memory_space<hbm>>
      %dma_start3A_1611 = tpu.memref_squeeze %dma_start3A_1610 : memref<1x50x128xf32, #tpu.memory_space<hbm>> -> memref<50x128xf32, #tpu.memory_space<hbm>>
      %dma_start3A_1612 = arith.constant 50 : i32
      %dma_start3A_1613 = arith.constant 0 : i32
      %dma_start3A_1614 = tpu.memref_slice %arg9[%dma_start3A_1612, %dma_start3A_1613] : memref<200x128xf32, #tpu.memory_space<vmem>> -> memref<50x128xf32, #tpu.memory_space<vmem>>
      tpu.enqueue_dma source(%dma_start3A_1614 : memref<50x128xf32, #tpu.memory_space<vmem>>) target(%dma_start3A_1611 : memref<50x128xf32, #tpu.memory_space<hbm>>) target_semaphore(%arg17 : memref<!tpu.dma_semaphore, #tpu.memory_space<semaphore_mem>>)
      %mul3A_1615 = arith.constant 4 : i32
      %mul3A_1616 = arith.muli %add3A_1576, %mul3A_1615 : i32
      %add3A_1617 = arith.addi %mul3A_4, %mul3A_1616 : i32
      %add3A_1618 = arith.constant 2 : i32
      %add3A_1619 = arith.addi %add3A_1617, %add3A_1618 : i32
      %dma_start3A_1620 = arith.constant 100 : i32
      %dma_start3A_1621 = arith.constant 0 : i32
      %dma_start3A_1622 = tpu.memref_slice %arg9[%dma_start3A_1620, %dma_start3A_1621] : memref<200x128xf32, #tpu.memory_space<vmem>> -> memref<50x128xf32, #tpu.memory_space<vmem>>
      %dma_start3A_1623 = arith.constant 0 : i32
      %dma_start3A_1624 = arith.constant 0 : i32
      %dma_start3A_1625 = tpu.memref_slice %arg4[%add3A_1619, %dma_start3A_1623, %dma_start3A_1624] : memref<4096x50x128xf32, #tpu.memory_space<hbm>> -> memref<1x50x128xf32, #tpu.memory_space<hbm>>
      %dma_start3A_1626 = tpu.memref_squeeze %dma_start3A_1625 : memref<1x50x128xf32, #tpu.memory_space<hbm>> -> memref<50x128xf32, #tpu.memory_space<hbm>>
      %dma_start3A_1627 = arith.constant 0 : i32
      %dma_start3A_1628 = arith.constant 0 : i32
      %dma_start3A_1629 = tpu.memref_slice %arg4[%add3A_1619, %dma_start3A_1627, %dma_start3A_1628] : memref<4096x50x128xf32, #tpu.memory_space<hbm>> -> memref<1x50x128xf32, #tpu.memory_space<hbm>>
      %dma_start3A_1630 = tpu.memref_squeeze %dma_start3A_1629 : memref<1x50x128xf32, #tpu.memory_space<hbm>> -> memref<50x128xf32, #tpu.memory_space<hbm>>
      %dma_start3A_1631 = arith.constant 100 : i32
      %dma_start3A_1632 = arith.constant 0 : i32
      %dma_start3A_1633 = tpu.memref_slice %arg9[%dma_start3A_1631, %dma_start3A_1632] : memref<200x128xf32, #tpu.memory_space<vmem>> -> memref<50x128xf32, #tpu.memory_space<vmem>>
      tpu.enqueue_dma source(%dma_start3A_1633 : memref<50x128xf32, #tpu.memory_space<vmem>>) target(%dma_start3A_1630 : memref<50x128xf32, #tpu.memory_space<hbm>>) target_semaphore(%arg17 : memref<!tpu.dma_semaphore, #tpu.memory_space<semaphore_mem>>)
      %mul3A_1634 = arith.constant 4 : i32
      %mul3A_1635 = arith.muli %add3A_1576, %mul3A_1634 : i32
      %add3A_1636 = arith.addi %mul3A_4, %mul3A_1635 : i32
      %add3A_1637 = arith.constant 3 : i32
      %add3A_1638 = arith.addi %add3A_1636, %add3A_1637 : i32
      %dma_start3A_1639 = arith.constant 150 : i32
      %dma_start3A_1640 = arith.constant 0 : i32
      %dma_start3A_1641 = tpu.memref_slice %arg9[%dma_start3A_1639, %dma_start3A_1640] : memref<200x128xf32, #tpu.memory_space<vmem>> -> memref<50x128xf32, #tpu.memory_space<vmem>>
      %dma_start3A_1642 = arith.constant 0 : i32
      %dma_start3A_1643 = arith.constant 0 : i32
      %dma_start3A_1644 = tpu.memref_slice %arg4[%add3A_1638, %dma_start3A_1642, %dma_start3A_1643] : memref<4096x50x128xf32, #tpu.memory_space<hbm>> -> memref<1x50x128xf32, #tpu.memory_space<hbm>>
      %dma_start3A_1645 = tpu.memref_squeeze %dma_start3A_1644 : memref<1x50x128xf32, #tpu.memory_space<hbm>> -> memref<50x128xf32, #tpu.memory_space<hbm>>
      %dma_start3A_1646 = arith.constant 0 : i32
      %dma_start3A_1647 = arith.constant 0 : i32
      %dma_start3A_1648 = tpu.memref_slice %arg4[%add3A_1638, %dma_start3A_1646, %dma_start3A_1647] : memref<4096x50x128xf32, #tpu.memory_space<hbm>> -> memref<1x50x128xf32, #tpu.memory_space<hbm>>
      %dma_start3A_1649 = tpu.memref_squeeze %dma_start3A_1648 : memref<1x50x128xf32, #tpu.memory_space<hbm>> -> memref<50x128xf32, #tpu.memory_space<hbm>>
      %dma_start3A_1650 = arith.constant 150 : i32
      %dma_start3A_1651 = arith.constant 0 : i32
      %dma_start3A_1652 = tpu.memref_slice %arg9[%dma_start3A_1650, %dma_start3A_1651] : memref<200x128xf32, #tpu.memory_space<vmem>> -> memref<50x128xf32, #tpu.memory_space<vmem>>
      tpu.enqueue_dma source(%dma_start3A_1652 : memref<50x128xf32, #tpu.memory_space<vmem>>) target(%dma_start3A_1649 : memref<50x128xf32, #tpu.memory_space<hbm>>) target_semaphore(%arg17 : memref<!tpu.dma_semaphore, #tpu.memory_space<semaphore_mem>>)
      %dma_wait3A_1653 = arith.constant 0 : i32
      %dma_wait3A_1654 = arith.constant 0 : i32
      %dma_wait3A_1655 = tpu.memref_slice %arg8[%dma_wait3A_1653, %dma_wait3A_1654] : memref<200x128xf32, #tpu.memory_space<vmem>> -> memref<50x128xf32, #tpu.memory_space<vmem>>
      %dma_wait3A_1656 = arith.constant 0 : i32
      %dma_wait3A_1657 = arith.constant 0 : i32
      %dma_wait3A_1658 = tpu.memref_slice %arg4[%mul3A_4, %dma_wait3A_1656, %dma_wait3A_1657] : memref<4096x50x128xf32, #tpu.memory_space<hbm>> -> memref<1x50x128xf32, #tpu.memory_space<hbm>>
      %dma_wait3A_1659 = tpu.memref_squeeze %dma_wait3A_1658 : memref<1x50x128xf32, #tpu.memory_space<hbm>> -> memref<50x128xf32, #tpu.memory_space<hbm>>
      %dma_wait3A_1660 = arith.constant 0 : i32
      %dma_wait3A_1661 = arith.constant 0 : i32
      %dma_wait3A_1662 = tpu.memref_slice %arg4[%mul3A_4, %dma_wait3A_1660, %dma_wait3A_1661] : memref<4096x50x128xf32, #tpu.memory_space<hbm>> -> memref<1x50x128xf32, #tpu.memory_space<hbm>>
      %dma_wait3A_1663 = tpu.memref_squeeze %dma_wait3A_1662 : memref<1x50x128xf32, #tpu.memory_space<hbm>> -> memref<50x128xf32, #tpu.memory_space<hbm>>
      %dma_wait3A_1664 = arith.constant 0 : i32
      %dma_wait3A_1665 = arith.constant 0 : i32
      %dma_wait3A_1666 = tpu.memref_slice %arg8[%dma_wait3A_1664, %dma_wait3A_1665] : memref<200x128xf32, #tpu.memory_space<vmem>> -> memref<50x128xf32, #tpu.memory_space<vmem>>
      tpu.wait_dma2 semaphore(%arg16 : memref<!tpu.dma_semaphore, #tpu.memory_space<semaphore_mem>>) src(%dma_wait3A_1666 : memref<50x128xf32, #tpu.memory_space<vmem>>) dst(%dma_wait3A_1663 : memref<50x128xf32, #tpu.memory_space<hbm>>)
      %dma_wait3A_1667 = arith.constant 50 : i32
      %dma_wait3A_1668 = arith.constant 0 : i32
      %dma_wait3A_1669 = tpu.memref_slice %arg8[%dma_wait3A_1667, %dma_wait3A_1668] : memref<200x128xf32, #tpu.memory_space<vmem>> -> memref<50x128xf32, #tpu.memory_space<vmem>>
      %dma_wait3A_1670 = arith.constant 0 : i32
      %dma_wait3A_1671 = arith.constant 0 : i32
      %dma_wait3A_1672 = tpu.memref_slice %arg4[%mul3A_4, %dma_wait3A_1670, %dma_wait3A_1671] : memref<4096x50x128xf32, #tpu.memory_space<hbm>> -> memref<1x50x128xf32, #tpu.memory_space<hbm>>
      %dma_wait3A_1673 = tpu.memref_squeeze %dma_wait3A_1672 : memref<1x50x128xf32, #tpu.memory_space<hbm>> -> memref<50x128xf32, #tpu.memory_space<hbm>>
      %dma_wait3A_1674 = arith.constant 0 : i32
      %dma_wait3A_1675 = arith.constant 0 : i32
      %dma_wait3A_1676 = tpu.memref_slice %arg4[%mul3A_4, %dma_wait3A_1674, %dma_wait3A_1675] : memref<4096x50x128xf32, #tpu.memory_space<hbm>> -> memref<1x50x128xf32, #tpu.memory_space<hbm>>
      %dma_wait3A_1677 = tpu.memref_squeeze %dma_wait3A_1676 : memref<1x50x128xf32, #tpu.memory_space<hbm>> -> memref<50x128xf32, #tpu.memory_space<hbm>>
      %dma_wait3A_1678 = arith.constant 50 : i32
      %dma_wait3A_1679 = arith.constant 0 : i32
      %dma_wait3A_1680 = tpu.memref_slice %arg8[%dma_wait3A_1678, %dma_wait3A_1679] : memref<200x128xf32, #tpu.memory_space<vmem>> -> memref<50x128xf32, #tpu.memory_space<vmem>>
      tpu.wait_dma2 semaphore(%arg16 : memref<!tpu.dma_semaphore, #tpu.memory_space<semaphore_mem>>) src(%dma_wait3A_1680 : memref<50x128xf32, #tpu.memory_space<vmem>>) dst(%dma_wait3A_1677 : memref<50x128xf32, #tpu.memory_space<hbm>>)
      %dma_wait3A_1681 = arith.constant 100 : i32
      %dma_wait3A_1682 = arith.constant 0 : i32
      %dma_wait3A_1683 = tpu.memref_slice %arg8[%dma_wait3A_1681, %dma_wait3A_1682] : memref<200x128xf32, #tpu.memory_space<vmem>> -> memref<50x128xf32, #tpu.memory_space<vmem>>
      %dma_wait3A_1684 = arith.constant 0 : i32
      %dma_wait3A_1685 = arith.constant 0 : i32
      %dma_wait3A_1686 = tpu.memref_slice %arg4[%mul3A_4, %dma_wait3A_1684, %dma_wait3A_1685] : memref<4096x50x128xf32, #tpu.memory_space<hbm>> -> memref<1x50x128xf32, #tpu.memory_space<hbm>>
      %dma_wait3A_1687 = tpu.memref_squeeze %dma_wait3A_1686 : memref<1x50x128xf32, #tpu.memory_space<hbm>> -> memref<50x128xf32, #tpu.memory_space<hbm>>
      %dma_wait3A_1688 = arith.constant 0 : i32
      %dma_wait3A_1689 = arith.constant 0 : i32
      %dma_wait3A_1690 = tpu.memref_slice %arg4[%mul3A_4, %dma_wait3A_1688, %dma_wait3A_1689] : memref<4096x50x128xf32, #tpu.memory_space<hbm>> -> memref<1x50x128xf32, #tpu.memory_space<hbm>>
      %dma_wait3A_1691 = tpu.memref_squeeze %dma_wait3A_1690 : memref<1x50x128xf32, #tpu.memory_space<hbm>> -> memref<50x128xf32, #tpu.memory_space<hbm>>
      %dma_wait3A_1692 = arith.constant 100 : i32
      %dma_wait3A_1693 = arith.constant 0 : i32
      %dma_wait3A_1694 = tpu.memref_slice %arg8[%dma_wait3A_1692, %dma_wait3A_1693] : memref<200x128xf32, #tpu.memory_space<vmem>> -> memref<50x128xf32, #tpu.memory_space<vmem>>
      tpu.wait_dma2 semaphore(%arg16 : memref<!tpu.dma_semaphore, #tpu.memory_space<semaphore_mem>>) src(%dma_wait3A_1694 : memref<50x128xf32, #tpu.memory_space<vmem>>) dst(%dma_wait3A_1691 : memref<50x128xf32, #tpu.memory_space<hbm>>)
      %dma_wait3A_1695 = arith.constant 150 : i32
      %dma_wait3A_1696 = arith.constant 0 : i32
      %dma_wait3A_1697 = tpu.memref_slice %arg8[%dma_wait3A_1695, %dma_wait3A_1696] : memref<200x128xf32, #tpu.memory_space<vmem>> -> memref<50x128xf32, #tpu.memory_space<vmem>>
      %dma_wait3A_1698 = arith.constant 0 : i32
      %dma_wait3A_1699 = arith.constant 0 : i32
      %dma_wait3A_1700 = tpu.memref_slice %arg4[%mul3A_4, %dma_wait3A_1698, %dma_wait3A_1699] : memref<4096x50x128xf32, #tpu.memory_space<hbm>> -> memref<1x50x128xf32, #tpu.memory_space<hbm>>
      %dma_wait3A_1701 = tpu.memref_squeeze %dma_wait3A_1700 : memref<1x50x128xf32, #tpu.memory_space<hbm>> -> memref<50x128xf32, #tpu.memory_space<hbm>>
      %dma_wait3A_1702 = arith.constant 0 : i32
      %dma_wait3A_1703 = arith.constant 0 : i32
      %dma_wait3A_1704 = tpu.memref_slice %arg4[%mul3A_4, %dma_wait3A_1702, %dma_wait3A_1703] : memref<4096x50x128xf32, #tpu.memory_space<hbm>> -> memref<1x50x128xf32, #tpu.memory_space<hbm>>
      %dma_wait3A_1705 = tpu.memref_squeeze %dma_wait3A_1704 : memref<1x50x128xf32, #tpu.memory_space<hbm>> -> memref<50x128xf32, #tpu.memory_space<hbm>>
      %dma_wait3A_1706 = arith.constant 150 : i32
      %dma_wait3A_1707 = arith.constant 0 : i32
      %dma_wait3A_1708 = tpu.memref_slice %arg8[%dma_wait3A_1706, %dma_wait3A_1707] : memref<200x128xf32, #tpu.memory_space<vmem>> -> memref<50x128xf32, #tpu.memory_space<vmem>>
      tpu.wait_dma2 semaphore(%arg16 : memref<!tpu.dma_semaphore, #tpu.memory_space<semaphore_mem>>) src(%dma_wait3A_1708 : memref<50x128xf32, #tpu.memory_space<vmem>>) dst(%dma_wait3A_1705 : memref<50x128xf32, #tpu.memory_space<hbm>>)
      %add3A_1709 = arith.constant 3 : i32
      %add3A_1710 = arith.addi %mul3A_1117, %add3A_1709 : i32
      %add3A_1711 = arith.constant 4 : i32
      %add3A_1712 = arith.addi %add3A_1710, %add3A_1711 : i32
      %sub3A_1713 = arith.constant 1 : i32
      %sub3A_1714 = arith.subi %add3A_1712, %sub3A_1713 : i32
      %mul3A_1715 = arith.constant 200 : i32
      %mul3A_1716 = arith.muli %sub3A_1714, %mul3A_1715 : i32
      %dma_start3A_1717 = tpu.memref_slice %arg5[%mul3A_1716] : memref<6400xi32, #tpu.memory_space<vmem>> -> memref<200xi32, #tpu.memory_space<vmem>>
      %dma_start3A_1718 = arith.constant 0 : i32
      %dma_start3A_1719 = arith.constant 0 : i32
      %dma_start3A_1720 = tpu.memref_slice %arg3[%dma_start3A_1718, %dma_start3A_1719] : memref<100000x128xf32, #tpu.memory_space<hbm>> -> memref<100000x128xf32, #tpu.memory_space<hbm>>
      tpu.enqueue_indirect_dma source(%dma_start3A_1720 : memref<100000x128xf32, #tpu.memory_space<hbm>>) target(%arg8 : memref<200x128xf32, #tpu.memory_space<vmem>>) offsets(%dma_start3A_1717 : memref<200xi32, #tpu.memory_space<vmem>>) semaphore(%arg12 : memref<!tpu.dma_semaphore, #tpu.memory_space<semaphore_mem>>)
    }
    %scan3A_517 = arith.constant 6 : i32
    %dma_wait3A_518 = arith.constant 0 : i32
    %dma_wait3A_519 = tpu.memref_slice %arg5[%dma_wait3A_518] : memref<6400xi32, #tpu.memory_space<vmem>> -> memref<200xi32, #tpu.memory_space<vmem>>
    %dma_wait3A_520 = arith.constant 0 : i32
    %dma_wait3A_521 = arith.constant 0 : i32
    %dma_wait3A_522 = tpu.memref_slice %arg3[%dma_wait3A_520, %dma_wait3A_521] : memref<100000x128xf32, #tpu.memory_space<hbm>> -> memref<100000x128xf32, #tpu.memory_space<hbm>>
    tpu.wait_indirect_dma semaphore(%arg10 : memref<!tpu.dma_semaphore, #tpu.memory_space<semaphore_mem>>) src(%dma_wait3A_522 : memref<100000x128xf32, #tpu.memory_space<hbm>>) dst(%arg6 : memref<200x128xf32, #tpu.memory_space<vmem>>)
    %add3A_523 = arith.constant 112 : i32
    %add3A_524 = arith.addi %mul3A_4, %add3A_523 : i32
    %add3A_525 = arith.constant 0 : i32
    %add3A_526 = arith.addi %add3A_524, %add3A_525 : i32
    %dma_start3A_527 = arith.constant 0 : i32
    %dma_start3A_528 = arith.constant 0 : i32
    %dma_start3A_529 = tpu.memref_slice %arg6[%dma_start3A_527, %dma_start3A_528] : memref<200x128xf32, #tpu.memory_space<vmem>> -> memref<50x128xf32, #tpu.memory_space<vmem>>
    %dma_start3A_530 = arith.constant 0 : i32
    %dma_start3A_531 = arith.constant 0 : i32
    %dma_start3A_532 = tpu.memref_slice %arg4[%add3A_526, %dma_start3A_530, %dma_start3A_531] : memref<4096x50x128xf32, #tpu.memory_space<hbm>> -> memref<1x50x128xf32, #tpu.memory_space<hbm>>
    %dma_start3A_533 = tpu.memref_squeeze %dma_start3A_532 : memref<1x50x128xf32, #tpu.memory_space<hbm>> -> memref<50x128xf32, #tpu.memory_space<hbm>>
    %dma_start3A_534 = arith.constant 0 : i32
    %dma_start3A_535 = arith.constant 0 : i32
    %dma_start3A_536 = tpu.memref_slice %arg4[%add3A_526, %dma_start3A_534, %dma_start3A_535] : memref<4096x50x128xf32, #tpu.memory_space<hbm>> -> memref<1x50x128xf32, #tpu.memory_space<hbm>>
    %dma_start3A_537 = tpu.memref_squeeze %dma_start3A_536 : memref<1x50x128xf32, #tpu.memory_space<hbm>> -> memref<50x128xf32, #tpu.memory_space<hbm>>
    %dma_start3A_538 = arith.constant 0 : i32
    %dma_start3A_539 = arith.constant 0 : i32
    %dma_start3A_540 = tpu.memref_slice %arg6[%dma_start3A_538, %dma_start3A_539] : memref<200x128xf32, #tpu.memory_space<vmem>> -> memref<50x128xf32, #tpu.memory_space<vmem>>
    tpu.enqueue_dma source(%dma_start3A_540 : memref<50x128xf32, #tpu.memory_space<vmem>>) target(%dma_start3A_537 : memref<50x128xf32, #tpu.memory_space<hbm>>) target_semaphore(%arg14 : memref<!tpu.dma_semaphore, #tpu.memory_space<semaphore_mem>>)
    %add3A_541 = arith.constant 112 : i32
    %add3A_542 = arith.addi %mul3A_4, %add3A_541 : i32
    %add3A_543 = arith.constant 1 : i32
    %add3A_544 = arith.addi %add3A_542, %add3A_543 : i32
    %dma_start3A_545 = arith.constant 50 : i32
    %dma_start3A_546 = arith.constant 0 : i32
    %dma_start3A_547 = tpu.memref_slice %arg6[%dma_start3A_545, %dma_start3A_546] : memref<200x128xf32, #tpu.memory_space<vmem>> -> memref<50x128xf32, #tpu.memory_space<vmem>>
    %dma_start3A_548 = arith.constant 0 : i32
    %dma_start3A_549 = arith.constant 0 : i32
    %dma_start3A_550 = tpu.memref_slice %arg4[%add3A_544, %dma_start3A_548, %dma_start3A_549] : memref<4096x50x128xf32, #tpu.memory_space<hbm>> -> memref<1x50x128xf32, #tpu.memory_space<hbm>>
    %dma_start3A_551 = tpu.memref_squeeze %dma_start3A_550 : memref<1x50x128xf32, #tpu.memory_space<hbm>> -> memref<50x128xf32, #tpu.memory_space<hbm>>
    %dma_start3A_552 = arith.constant 0 : i32
    %dma_start3A_553 = arith.constant 0 : i32
    %dma_start3A_554 = tpu.memref_slice %arg4[%add3A_544, %dma_start3A_552, %dma_start3A_553] : memref<4096x50x128xf32, #tpu.memory_space<hbm>> -> memref<1x50x128xf32, #tpu.memory_space<hbm>>
    %dma_start3A_555 = tpu.memref_squeeze %dma_start3A_554 : memref<1x50x128xf32, #tpu.memory_space<hbm>> -> memref<50x128xf32, #tpu.memory_space<hbm>>
    %dma_start3A_556 = arith.constant 50 : i32
    %dma_start3A_557 = arith.constant 0 : i32
    %dma_start3A_558 = tpu.memref_slice %arg6[%dma_start3A_556, %dma_start3A_557] : memref<200x128xf32, #tpu.memory_space<vmem>> -> memref<50x128xf32, #tpu.memory_space<vmem>>
    tpu.enqueue_dma source(%dma_start3A_558 : memref<50x128xf32, #tpu.memory_space<vmem>>) target(%dma_start3A_555 : memref<50x128xf32, #tpu.memory_space<hbm>>) target_semaphore(%arg14 : memref<!tpu.dma_semaphore, #tpu.memory_space<semaphore_mem>>)
    %add3A_559 = arith.constant 112 : i32
    %add3A_560 = arith.addi %mul3A_4, %add3A_559 : i32
    %add3A_561 = arith.constant 2 : i32
    %add3A_562 = arith.addi %add3A_560, %add3A_561 : i32
    %dma_start3A_563 = arith.constant 100 : i32
    %dma_start3A_564 = arith.constant 0 : i32
    %dma_start3A_565 = tpu.memref_slice %arg6[%dma_start3A_563, %dma_start3A_564] : memref<200x128xf32, #tpu.memory_space<vmem>> -> memref<50x128xf32, #tpu.memory_space<vmem>>
    %dma_start3A_566 = arith.constant 0 : i32
    %dma_start3A_567 = arith.constant 0 : i32
    %dma_start3A_568 = tpu.memref_slice %arg4[%add3A_562, %dma_start3A_566, %dma_start3A_567] : memref<4096x50x128xf32, #tpu.memory_space<hbm>> -> memref<1x50x128xf32, #tpu.memory_space<hbm>>
    %dma_start3A_569 = tpu.memref_squeeze %dma_start3A_568 : memref<1x50x128xf32, #tpu.memory_space<hbm>> -> memref<50x128xf32, #tpu.memory_space<hbm>>
    %dma_start3A_570 = arith.constant 0 : i32
    %dma_start3A_571 = arith.constant 0 : i32
    %dma_start3A_572 = tpu.memref_slice %arg4[%add3A_562, %dma_start3A_570, %dma_start3A_571] : memref<4096x50x128xf32, #tpu.memory_space<hbm>> -> memref<1x50x128xf32, #tpu.memory_space<hbm>>
    %dma_start3A_573 = tpu.memref_squeeze %dma_start3A_572 : memref<1x50x128xf32, #tpu.memory_space<hbm>> -> memref<50x128xf32, #tpu.memory_space<hbm>>
    %dma_start3A_574 = arith.constant 100 : i32
    %dma_start3A_575 = arith.constant 0 : i32
    %dma_start3A_576 = tpu.memref_slice %arg6[%dma_start3A_574, %dma_start3A_575] : memref<200x128xf32, #tpu.memory_space<vmem>> -> memref<50x128xf32, #tpu.memory_space<vmem>>
    tpu.enqueue_dma source(%dma_start3A_576 : memref<50x128xf32, #tpu.memory_space<vmem>>) target(%dma_start3A_573 : memref<50x128xf32, #tpu.memory_space<hbm>>) target_semaphore(%arg14 : memref<!tpu.dma_semaphore, #tpu.memory_space<semaphore_mem>>)
    %add3A_577 = arith.constant 112 : i32
    %add3A_578 = arith.addi %mul3A_4, %add3A_577 : i32
    %add3A_579 = arith.constant 3 : i32
    %add3A_580 = arith.addi %add3A_578, %add3A_579 : i32
    %dma_start3A_581 = arith.constant 150 : i32
    %dma_start3A_582 = arith.constant 0 : i32
    %dma_start3A_583 = tpu.memref_slice %arg6[%dma_start3A_581, %dma_start3A_582] : memref<200x128xf32, #tpu.memory_space<vmem>> -> memref<50x128xf32, #tpu.memory_space<vmem>>
    %dma_start3A_584 = arith.constant 0 : i32
    %dma_start3A_585 = arith.constant 0 : i32
    %dma_start3A_586 = tpu.memref_slice %arg4[%add3A_580, %dma_start3A_584, %dma_start3A_585] : memref<4096x50x128xf32, #tpu.memory_space<hbm>> -> memref<1x50x128xf32, #tpu.memory_space<hbm>>
    %dma_start3A_587 = tpu.memref_squeeze %dma_start3A_586 : memref<1x50x128xf32, #tpu.memory_space<hbm>> -> memref<50x128xf32, #tpu.memory_space<hbm>>
    %dma_start3A_588 = arith.constant 0 : i32
    %dma_start3A_589 = arith.constant 0 : i32
    %dma_start3A_590 = tpu.memref_slice %arg4[%add3A_580, %dma_start3A_588, %dma_start3A_589] : memref<4096x50x128xf32, #tpu.memory_space<hbm>> -> memref<1x50x128xf32, #tpu.memory_space<hbm>>
    %dma_start3A_591 = tpu.memref_squeeze %dma_start3A_590 : memref<1x50x128xf32, #tpu.memory_space<hbm>> -> memref<50x128xf32, #tpu.memory_space<hbm>>
    %dma_start3A_592 = arith.constant 150 : i32
    %dma_start3A_593 = arith.constant 0 : i32
    %dma_start3A_594 = tpu.memref_slice %arg6[%dma_start3A_592, %dma_start3A_593] : memref<200x128xf32, #tpu.memory_space<vmem>> -> memref<50x128xf32, #tpu.memory_space<vmem>>
    tpu.enqueue_dma source(%dma_start3A_594 : memref<50x128xf32, #tpu.memory_space<vmem>>) target(%dma_start3A_591 : memref<50x128xf32, #tpu.memory_space<hbm>>) target_semaphore(%arg14 : memref<!tpu.dma_semaphore, #tpu.memory_space<semaphore_mem>>)
    %dma_wait3A_595 = arith.constant 0 : i32
    %dma_wait3A_596 = arith.constant 0 : i32
    %dma_wait3A_597 = tpu.memref_slice %arg9[%dma_wait3A_595, %dma_wait3A_596] : memref<200x128xf32, #tpu.memory_space<vmem>> -> memref<50x128xf32, #tpu.memory_space<vmem>>
    %dma_wait3A_598 = arith.constant 0 : i32
    %dma_wait3A_599 = arith.constant 0 : i32
    %dma_wait3A_600 = tpu.memref_slice %arg4[%mul3A_4, %dma_wait3A_598, %dma_wait3A_599] : memref<4096x50x128xf32, #tpu.memory_space<hbm>> -> memref<1x50x128xf32, #tpu.memory_space<hbm>>
    %dma_wait3A_601 = tpu.memref_squeeze %dma_wait3A_600 : memref<1x50x128xf32, #tpu.memory_space<hbm>> -> memref<50x128xf32, #tpu.memory_space<hbm>>
    %dma_wait3A_602 = arith.constant 0 : i32
    %dma_wait3A_603 = arith.constant 0 : i32
    %dma_wait3A_604 = tpu.memref_slice %arg4[%mul3A_4, %dma_wait3A_602, %dma_wait3A_603] : memref<4096x50x128xf32, #tpu.memory_space<hbm>> -> memref<1x50x128xf32, #tpu.memory_space<hbm>>
    %dma_wait3A_605 = tpu.memref_squeeze %dma_wait3A_604 : memref<1x50x128xf32, #tpu.memory_space<hbm>> -> memref<50x128xf32, #tpu.memory_space<hbm>>
    %dma_wait3A_606 = arith.constant 0 : i32
    %dma_wait3A_607 = arith.constant 0 : i32
    %dma_wait3A_608 = tpu.memref_slice %arg9[%dma_wait3A_606, %dma_wait3A_607] : memref<200x128xf32, #tpu.memory_space<vmem>> -> memref<50x128xf32, #tpu.memory_space<vmem>>
    tpu.wait_dma2 semaphore(%arg17 : memref<!tpu.dma_semaphore, #tpu.memory_space<semaphore_mem>>) src(%dma_wait3A_608 : memref<50x128xf32, #tpu.memory_space<vmem>>) dst(%dma_wait3A_605 : memref<50x128xf32, #tpu.memory_space<hbm>>)
    %dma_wait3A_609 = arith.constant 50 : i32
    %dma_wait3A_610 = arith.constant 0 : i32
    %dma_wait3A_611 = tpu.memref_slice %arg9[%dma_wait3A_609, %dma_wait3A_610] : memref<200x128xf32, #tpu.memory_space<vmem>> -> memref<50x128xf32, #tpu.memory_space<vmem>>
    %dma_wait3A_612 = arith.constant 0 : i32
    %dma_wait3A_613 = arith.constant 0 : i32
    %dma_wait3A_614 = tpu.memref_slice %arg4[%mul3A_4, %dma_wait3A_612, %dma_wait3A_613] : memref<4096x50x128xf32, #tpu.memory_space<hbm>> -> memref<1x50x128xf32, #tpu.memory_space<hbm>>
    %dma_wait3A_615 = tpu.memref_squeeze %dma_wait3A_614 : memref<1x50x128xf32, #tpu.memory_space<hbm>> -> memref<50x128xf32, #tpu.memory_space<hbm>>
    %dma_wait3A_616 = arith.constant 0 : i32
    %dma_wait3A_617 = arith.constant 0 : i32
    %dma_wait3A_618 = tpu.memref_slice %arg4[%mul3A_4, %dma_wait3A_616, %dma_wait3A_617] : memref<4096x50x128xf32, #tpu.memory_space<hbm>> -> memref<1x50x128xf32, #tpu.memory_space<hbm>>
    %dma_wait3A_619 = tpu.memref_squeeze %dma_wait3A_618 : memref<1x50x128xf32, #tpu.memory_space<hbm>> -> memref<50x128xf32, #tpu.memory_space<hbm>>
    %dma_wait3A_620 = arith.constant 50 : i32
    %dma_wait3A_621 = arith.constant 0 : i32
    %dma_wait3A_622 = tpu.memref_slice %arg9[%dma_wait3A_620, %dma_wait3A_621] : memref<200x128xf32, #tpu.memory_space<vmem>> -> memref<50x128xf32, #tpu.memory_space<vmem>>
    tpu.wait_dma2 semaphore(%arg17 : memref<!tpu.dma_semaphore, #tpu.memory_space<semaphore_mem>>) src(%dma_wait3A_622 : memref<50x128xf32, #tpu.memory_space<vmem>>) dst(%dma_wait3A_619 : memref<50x128xf32, #tpu.memory_space<hbm>>)
    %dma_wait3A_623 = arith.constant 100 : i32
    %dma_wait3A_624 = arith.constant 0 : i32
    %dma_wait3A_625 = tpu.memref_slice %arg9[%dma_wait3A_623, %dma_wait3A_624] : memref<200x128xf32, #tpu.memory_space<vmem>> -> memref<50x128xf32, #tpu.memory_space<vmem>>
    %dma_wait3A_626 = arith.constant 0 : i32
    %dma_wait3A_627 = arith.constant 0 : i32
    %dma_wait3A_628 = tpu.memref_slice %arg4[%mul3A_4, %dma_wait3A_626, %dma_wait3A_627] : memref<4096x50x128xf32, #tpu.memory_space<hbm>> -> memref<1x50x128xf32, #tpu.memory_space<hbm>>
    %dma_wait3A_629 = tpu.memref_squeeze %dma_wait3A_628 : memref<1x50x128xf32, #tpu.memory_space<hbm>> -> memref<50x128xf32, #tpu.memory_space<hbm>>
    %dma_wait3A_630 = arith.constant 0 : i32
    %dma_wait3A_631 = arith.constant 0 : i32
    %dma_wait3A_632 = tpu.memref_slice %arg4[%mul3A_4, %dma_wait3A_630, %dma_wait3A_631] : memref<4096x50x128xf32, #tpu.memory_space<hbm>> -> memref<1x50x128xf32, #tpu.memory_space<hbm>>
    %dma_wait3A_633 = tpu.memref_squeeze %dma_wait3A_632 : memref<1x50x128xf32, #tpu.memory_space<hbm>> -> memref<50x128xf32, #tpu.memory_space<hbm>>
    %dma_wait3A_634 = arith.constant 100 : i32
    %dma_wait3A_635 = arith.constant 0 : i32
    %dma_wait3A_636 = tpu.memref_slice %arg9[%dma_wait3A_634, %dma_wait3A_635] : memref<200x128xf32, #tpu.memory_space<vmem>> -> memref<50x128xf32, #tpu.memory_space<vmem>>
    tpu.wait_dma2 semaphore(%arg17 : memref<!tpu.dma_semaphore, #tpu.memory_space<semaphore_mem>>) src(%dma_wait3A_636 : memref<50x128xf32, #tpu.memory_space<vmem>>) dst(%dma_wait3A_633 : memref<50x128xf32, #tpu.memory_space<hbm>>)
    %dma_wait3A_637 = arith.constant 150 : i32
    %dma_wait3A_638 = arith.constant 0 : i32
    %dma_wait3A_639 = tpu.memref_slice %arg9[%dma_wait3A_637, %dma_wait3A_638] : memref<200x128xf32, #tpu.memory_space<vmem>> -> memref<50x128xf32, #tpu.memory_space<vmem>>
    %dma_wait3A_640 = arith.constant 0 : i32
    %dma_wait3A_641 = arith.constant 0 : i32
    %dma_wait3A_642 = tpu.memref_slice %arg4[%mul3A_4, %dma_wait3A_640, %dma_wait3A_641] : memref<4096x50x128xf32, #tpu.memory_space<hbm>> -> memref<1x50x128xf32, #tpu.memory_space<hbm>>
    %dma_wait3A_643 = tpu.memref_squeeze %dma_wait3A_642 : memref<1x50x128xf32, #tpu.memory_space<hbm>> -> memref<50x128xf32, #tpu.memory_space<hbm>>
    %dma_wait3A_644 = arith.constant 0 : i32
    %dma_wait3A_645 = arith.constant 0 : i32
    %dma_wait3A_646 = tpu.memref_slice %arg4[%mul3A_4, %dma_wait3A_644, %dma_wait3A_645] : memref<4096x50x128xf32, #tpu.memory_space<hbm>> -> memref<1x50x128xf32, #tpu.memory_space<hbm>>
    %dma_wait3A_647 = tpu.memref_squeeze %dma_wait3A_646 : memref<1x50x128xf32, #tpu.memory_space<hbm>> -> memref<50x128xf32, #tpu.memory_space<hbm>>
    %dma_wait3A_648 = arith.constant 150 : i32
    %dma_wait3A_649 = arith.constant 0 : i32
    %dma_wait3A_650 = tpu.memref_slice %arg9[%dma_wait3A_648, %dma_wait3A_649] : memref<200x128xf32, #tpu.memory_space<vmem>> -> memref<50x128xf32, #tpu.memory_space<vmem>>
    tpu.wait_dma2 semaphore(%arg17 : memref<!tpu.dma_semaphore, #tpu.memory_space<semaphore_mem>>) src(%dma_wait3A_650 : memref<50x128xf32, #tpu.memory_space<vmem>>) dst(%dma_wait3A_647 : memref<50x128xf32, #tpu.memory_space<hbm>>)
    %dma_start3A_651 = arith.constant 6200 : i32
    %dma_start3A_652 = tpu.memref_slice %arg5[%dma_start3A_651] : memref<6400xi32, #tpu.memory_space<vmem>> -> memref<200xi32, #tpu.memory_space<vmem>>
    %dma_start3A_653 = arith.constant 0 : i32
    %dma_start3A_654 = arith.constant 0 : i32
    %dma_start3A_655 = tpu.memref_slice %arg3[%dma_start3A_653, %dma_start3A_654] : memref<100000x128xf32, #tpu.memory_space<hbm>> -> memref<100000x128xf32, #tpu.memory_space<hbm>>
    tpu.enqueue_indirect_dma source(%dma_start3A_655 : memref<100000x128xf32, #tpu.memory_space<hbm>>) target(%arg9 : memref<200x128xf32, #tpu.memory_space<vmem>>) offsets(%dma_start3A_652 : memref<200xi32, #tpu.memory_space<vmem>>) semaphore(%arg13 : memref<!tpu.dma_semaphore, #tpu.memory_space<semaphore_mem>>)
    %dma_wait3A_656 = arith.constant 0 : i32
    %dma_wait3A_657 = tpu.memref_slice %arg5[%dma_wait3A_656] : memref<6400xi32, #tpu.memory_space<vmem>> -> memref<200xi32, #tpu.memory_space<vmem>>
    %dma_wait3A_658 = arith.constant 0 : i32
    %dma_wait3A_659 = arith.constant 0 : i32
    %dma_wait3A_660 = tpu.memref_slice %arg3[%dma_wait3A_658, %dma_wait3A_659] : memref<100000x128xf32, #tpu.memory_space<hbm>> -> memref<100000x128xf32, #tpu.memory_space<hbm>>
    tpu.wait_indirect_dma semaphore(%arg11 : memref<!tpu.dma_semaphore, #tpu.memory_space<semaphore_mem>>) src(%dma_wait3A_660 : memref<100000x128xf32, #tpu.memory_space<hbm>>) dst(%arg7 : memref<200x128xf32, #tpu.memory_space<vmem>>)
    %add3A_661 = arith.constant 116 : i32
    %add3A_662 = arith.addi %mul3A_4, %add3A_661 : i32
    %add3A_663 = arith.constant 0 : i32
    %add3A_664 = arith.addi %add3A_662, %add3A_663 : i32
    %dma_start3A_665 = arith.constant 0 : i32
    %dma_start3A_666 = arith.constant 0 : i32
    %dma_start3A_667 = tpu.memref_slice %arg7[%dma_start3A_665, %dma_start3A_666] : memref<200x128xf32, #tpu.memory_space<vmem>> -> memref<50x128xf32, #tpu.memory_space<vmem>>
    %dma_start3A_668 = arith.constant 0 : i32
    %dma_start3A_669 = arith.constant 0 : i32
    %dma_start3A_670 = tpu.memref_slice %arg4[%add3A_664, %dma_start3A_668, %dma_start3A_669] : memref<4096x50x128xf32, #tpu.memory_space<hbm>> -> memref<1x50x128xf32, #tpu.memory_space<hbm>>
    %dma_start3A_671 = tpu.memref_squeeze %dma_start3A_670 : memref<1x50x128xf32, #tpu.memory_space<hbm>> -> memref<50x128xf32, #tpu.memory_space<hbm>>
    %dma_start3A_672 = arith.constant 0 : i32
    %dma_start3A_673 = arith.constant 0 : i32
    %dma_start3A_674 = tpu.memref_slice %arg4[%add3A_664, %dma_start3A_672, %dma_start3A_673] : memref<4096x50x128xf32, #tpu.memory_space<hbm>> -> memref<1x50x128xf32, #tpu.memory_space<hbm>>
    %dma_start3A_675 = tpu.memref_squeeze %dma_start3A_674 : memref<1x50x128xf32, #tpu.memory_space<hbm>> -> memref<50x128xf32, #tpu.memory_space<hbm>>
    %dma_start3A_676 = arith.constant 0 : i32
    %dma_start3A_677 = arith.constant 0 : i32
    %dma_start3A_678 = tpu.memref_slice %arg7[%dma_start3A_676, %dma_start3A_677] : memref<200x128xf32, #tpu.memory_space<vmem>> -> memref<50x128xf32, #tpu.memory_space<vmem>>
    tpu.enqueue_dma source(%dma_start3A_678 : memref<50x128xf32, #tpu.memory_space<vmem>>) target(%dma_start3A_675 : memref<50x128xf32, #tpu.memory_space<hbm>>) target_semaphore(%arg15 : memref<!tpu.dma_semaphore, #tpu.memory_space<semaphore_mem>>)
    %add3A_679 = arith.constant 116 : i32
    %add3A_680 = arith.addi %mul3A_4, %add3A_679 : i32
    %add3A_681 = arith.constant 1 : i32
    %add3A_682 = arith.addi %add3A_680, %add3A_681 : i32
    %dma_start3A_683 = arith.constant 50 : i32
    %dma_start3A_684 = arith.constant 0 : i32
    %dma_start3A_685 = tpu.memref_slice %arg7[%dma_start3A_683, %dma_start3A_684] : memref<200x128xf32, #tpu.memory_space<vmem>> -> memref<50x128xf32, #tpu.memory_space<vmem>>
    %dma_start3A_686 = arith.constant 0 : i32
    %dma_start3A_687 = arith.constant 0 : i32
    %dma_start3A_688 = tpu.memref_slice %arg4[%add3A_682, %dma_start3A_686, %dma_start3A_687] : memref<4096x50x128xf32, #tpu.memory_space<hbm>> -> memref<1x50x128xf32, #tpu.memory_space<hbm>>
    %dma_start3A_689 = tpu.memref_squeeze %dma_start3A_688 : memref<1x50x128xf32, #tpu.memory_space<hbm>> -> memref<50x128xf32, #tpu.memory_space<hbm>>
    %dma_start3A_690 = arith.constant 0 : i32
    %dma_start3A_691 = arith.constant 0 : i32
    %dma_start3A_692 = tpu.memref_slice %arg4[%add3A_682, %dma_start3A_690, %dma_start3A_691] : memref<4096x50x128xf32, #tpu.memory_space<hbm>> -> memref<1x50x128xf32, #tpu.memory_space<hbm>>
    %dma_start3A_693 = tpu.memref_squeeze %dma_start3A_692 : memref<1x50x128xf32, #tpu.memory_space<hbm>> -> memref<50x128xf32, #tpu.memory_space<hbm>>
    %dma_start3A_694 = arith.constant 50 : i32
    %dma_start3A_695 = arith.constant 0 : i32
    %dma_start3A_696 = tpu.memref_slice %arg7[%dma_start3A_694, %dma_start3A_695] : memref<200x128xf32, #tpu.memory_space<vmem>> -> memref<50x128xf32, #tpu.memory_space<vmem>>
    tpu.enqueue_dma source(%dma_start3A_696 : memref<50x128xf32, #tpu.memory_space<vmem>>) target(%dma_start3A_693 : memref<50x128xf32, #tpu.memory_space<hbm>>) target_semaphore(%arg15 : memref<!tpu.dma_semaphore, #tpu.memory_space<semaphore_mem>>)
    %add3A_697 = arith.constant 116 : i32
    %add3A_698 = arith.addi %mul3A_4, %add3A_697 : i32
    %add3A_699 = arith.constant 2 : i32
    %add3A_700 = arith.addi %add3A_698, %add3A_699 : i32
    %dma_start3A_701 = arith.constant 100 : i32
    %dma_start3A_702 = arith.constant 0 : i32
    %dma_start3A_703 = tpu.memref_slice %arg7[%dma_start3A_701, %dma_start3A_702] : memref<200x128xf32, #tpu.memory_space<vmem>> -> memref<50x128xf32, #tpu.memory_space<vmem>>
    %dma_start3A_704 = arith.constant 0 : i32
    %dma_start3A_705 = arith.constant 0 : i32
    %dma_start3A_706 = tpu.memref_slice %arg4[%add3A_700, %dma_start3A_704, %dma_start3A_705] : memref<4096x50x128xf32, #tpu.memory_space<hbm>> -> memref<1x50x128xf32, #tpu.memory_space<hbm>>
    %dma_start3A_707 = tpu.memref_squeeze %dma_start3A_706 : memref<1x50x128xf32, #tpu.memory_space<hbm>> -> memref<50x128xf32, #tpu.memory_space<hbm>>
    %dma_start3A_708 = arith.constant 0 : i32
    %dma_start3A_709 = arith.constant 0 : i32
    %dma_start3A_710 = tpu.memref_slice %arg4[%add3A_700, %dma_start3A_708, %dma_start3A_709] : memref<4096x50x128xf32, #tpu.memory_space<hbm>> -> memref<1x50x128xf32, #tpu.memory_space<hbm>>
    %dma_start3A_711 = tpu.memref_squeeze %dma_start3A_710 : memref<1x50x128xf32, #tpu.memory_space<hbm>> -> memref<50x128xf32, #tpu.memory_space<hbm>>
    %dma_start3A_712 = arith.constant 100 : i32
    %dma_start3A_713 = arith.constant 0 : i32
    %dma_start3A_714 = tpu.memref_slice %arg7[%dma_start3A_712, %dma_start3A_713] : memref<200x128xf32, #tpu.memory_space<vmem>> -> memref<50x128xf32, #tpu.memory_space<vmem>>
    tpu.enqueue_dma source(%dma_start3A_714 : memref<50x128xf32, #tpu.memory_space<vmem>>) target(%dma_start3A_711 : memref<50x128xf32, #tpu.memory_space<hbm>>) target_semaphore(%arg15 : memref<!tpu.dma_semaphore, #tpu.memory_space<semaphore_mem>>)
    %add3A_715 = arith.constant 116 : i32
    %add3A_716 = arith.addi %mul3A_4, %add3A_715 : i32
    %add3A_717 = arith.constant 3 : i32
    %add3A_718 = arith.addi %add3A_716, %add3A_717 : i32
    %dma_start3A_719 = arith.constant 150 : i32
    %dma_start3A_720 = arith.constant 0 : i32
    %dma_start3A_721 = tpu.memref_slice %arg7[%dma_start3A_719, %dma_start3A_720] : memref<200x128xf32, #tpu.memory_space<vmem>> -> memref<50x128xf32, #tpu.memory_space<vmem>>
    %dma_start3A_722 = arith.constant 0 : i32
    %dma_start3A_723 = arith.constant 0 : i32
    %dma_start3A_724 = tpu.memref_slice %arg4[%add3A_718, %dma_start3A_722, %dma_start3A_723] : memref<4096x50x128xf32, #tpu.memory_space<hbm>> -> memref<1x50x128xf32, #tpu.memory_space<hbm>>
    %dma_start3A_725 = tpu.memref_squeeze %dma_start3A_724 : memref<1x50x128xf32, #tpu.memory_space<hbm>> -> memref<50x128xf32, #tpu.memory_space<hbm>>
    %dma_start3A_726 = arith.constant 0 : i32
    %dma_start3A_727 = arith.constant 0 : i32
    %dma_start3A_728 = tpu.memref_slice %arg4[%add3A_718, %dma_start3A_726, %dma_start3A_727] : memref<4096x50x128xf32, #tpu.memory_space<hbm>> -> memref<1x50x128xf32, #tpu.memory_space<hbm>>
    %dma_start3A_729 = tpu.memref_squeeze %dma_start3A_728 : memref<1x50x128xf32, #tpu.memory_space<hbm>> -> memref<50x128xf32, #tpu.memory_space<hbm>>
    %dma_start3A_730 = arith.constant 150 : i32
    %dma_start3A_731 = arith.constant 0 : i32
    %dma_start3A_732 = tpu.memref_slice %arg7[%dma_start3A_730, %dma_start3A_731] : memref<200x128xf32, #tpu.memory_space<vmem>> -> memref<50x128xf32, #tpu.memory_space<vmem>>
    tpu.enqueue_dma source(%dma_start3A_732 : memref<50x128xf32, #tpu.memory_space<vmem>>) target(%dma_start3A_729 : memref<50x128xf32, #tpu.memory_space<hbm>>) target_semaphore(%arg15 : memref<!tpu.dma_semaphore, #tpu.memory_space<semaphore_mem>>)
    %dma_wait3A_733 = arith.constant 0 : i32
    %dma_wait3A_734 = arith.constant 0 : i32
    %dma_wait3A_735 = tpu.memref_slice %arg6[%dma_wait3A_733, %dma_wait3A_734] : memref<200x128xf32, #tpu.memory_space<vmem>> -> memref<50x128xf32, #tpu.memory_space<vmem>>
    %dma_wait3A_736 = arith.constant 0 : i32
    %dma_wait3A_737 = arith.constant 0 : i32
    %dma_wait3A_738 = tpu.memref_slice %arg4[%mul3A_4, %dma_wait3A_736, %dma_wait3A_737] : memref<4096x50x128xf32, #tpu.memory_space<hbm>> -> memref<1x50x128xf32, #tpu.memory_space<hbm>>
    %dma_wait3A_739 = tpu.memref_squeeze %dma_wait3A_738 : memref<1x50x128xf32, #tpu.memory_space<hbm>> -> memref<50x128xf32, #tpu.memory_space<hbm>>
    %dma_wait3A_740 = arith.constant 0 : i32
    %dma_wait3A_741 = arith.constant 0 : i32
    %dma_wait3A_742 = tpu.memref_slice %arg4[%mul3A_4, %dma_wait3A_740, %dma_wait3A_741] : memref<4096x50x128xf32, #tpu.memory_space<hbm>> -> memref<1x50x128xf32, #tpu.memory_space<hbm>>
    %dma_wait3A_743 = tpu.memref_squeeze %dma_wait3A_742 : memref<1x50x128xf32, #tpu.memory_space<hbm>> -> memref<50x128xf32, #tpu.memory_space<hbm>>
    %dma_wait3A_744 = arith.constant 0 : i32
    %dma_wait3A_745 = arith.constant 0 : i32
    %dma_wait3A_746 = tpu.memref_slice %arg6[%dma_wait3A_744, %dma_wait3A_745] : memref<200x128xf32, #tpu.memory_space<vmem>> -> memref<50x128xf32, #tpu.memory_space<vmem>>
    tpu.wait_dma2 semaphore(%arg14 : memref<!tpu.dma_semaphore, #tpu.memory_space<semaphore_mem>>) src(%dma_wait3A_746 : memref<50x128xf32, #tpu.memory_space<vmem>>) dst(%dma_wait3A_743 : memref<50x128xf32, #tpu.memory_space<hbm>>)
    %dma_wait3A_747 = arith.constant 50 : i32
    %dma_wait3A_748 = arith.constant 0 : i32
    %dma_wait3A_749 = tpu.memref_slice %arg6[%dma_wait3A_747, %dma_wait3A_748] : memref<200x128xf32, #tpu.memory_space<vmem>> -> memref<50x128xf32, #tpu.memory_space<vmem>>
    %dma_wait3A_750 = arith.constant 0 : i32
    %dma_wait3A_751 = arith.constant 0 : i32
    %dma_wait3A_752 = tpu.memref_slice %arg4[%mul3A_4, %dma_wait3A_750, %dma_wait3A_751] : memref<4096x50x128xf32, #tpu.memory_space<hbm>> -> memref<1x50x128xf32, #tpu.memory_space<hbm>>
    %dma_wait3A_753 = tpu.memref_squeeze %dma_wait3A_752 : memref<1x50x128xf32, #tpu.memory_space<hbm>> -> memref<50x128xf32, #tpu.memory_space<hbm>>
    %dma_wait3A_754 = arith.constant 0 : i32
    %dma_wait3A_755 = arith.constant 0 : i32
    %dma_wait3A_756 = tpu.memref_slice %arg4[%mul3A_4, %dma_wait3A_754, %dma_wait3A_755] : memref<4096x50x128xf32, #tpu.memory_space<hbm>> -> memref<1x50x128xf32, #tpu.memory_space<hbm>>
    %dma_wait3A_757 = tpu.memref_squeeze %dma_wait3A_756 : memref<1x50x128xf32, #tpu.memory_space<hbm>> -> memref<50x128xf32, #tpu.memory_space<hbm>>
    %dma_wait3A_758 = arith.constant 50 : i32
    %dma_wait3A_759 = arith.constant 0 : i32
    %dma_wait3A_760 = tpu.memref_slice %arg6[%dma_wait3A_758, %dma_wait3A_759] : memref<200x128xf32, #tpu.memory_space<vmem>> -> memref<50x128xf32, #tpu.memory_space<vmem>>
    tpu.wait_dma2 semaphore(%arg14 : memref<!tpu.dma_semaphore, #tpu.memory_space<semaphore_mem>>) src(%dma_wait3A_760 : memref<50x128xf32, #tpu.memory_space<vmem>>) dst(%dma_wait3A_757 : memref<50x128xf32, #tpu.memory_space<hbm>>)
    %dma_wait3A_761 = arith.constant 100 : i32
    %dma_wait3A_762 = arith.constant 0 : i32
    %dma_wait3A_763 = tpu.memref_slice %arg6[%dma_wait3A_761, %dma_wait3A_762] : memref<200x128xf32, #tpu.memory_space<vmem>> -> memref<50x128xf32, #tpu.memory_space<vmem>>
    %dma_wait3A_764 = arith.constant 0 : i32
    %dma_wait3A_765 = arith.constant 0 : i32
    %dma_wait3A_766 = tpu.memref_slice %arg4[%mul3A_4, %dma_wait3A_764, %dma_wait3A_765] : memref<4096x50x128xf32, #tpu.memory_space<hbm>> -> memref<1x50x128xf32, #tpu.memory_space<hbm>>
    %dma_wait3A_767 = tpu.memref_squeeze %dma_wait3A_766 : memref<1x50x128xf32, #tpu.memory_space<hbm>> -> memref<50x128xf32, #tpu.memory_space<hbm>>
    %dma_wait3A_768 = arith.constant 0 : i32
    %dma_wait3A_769 = arith.constant 0 : i32
    %dma_wait3A_770 = tpu.memref_slice %arg4[%mul3A_4, %dma_wait3A_768, %dma_wait3A_769] : memref<4096x50x128xf32, #tpu.memory_space<hbm>> -> memref<1x50x128xf32, #tpu.memory_space<hbm>>
    %dma_wait3A_771 = tpu.memref_squeeze %dma_wait3A_770 : memref<1x50x128xf32, #tpu.memory_space<hbm>> -> memref<50x128xf32, #tpu.memory_space<hbm>>
    %dma_wait3A_772 = arith.constant 100 : i32
    %dma_wait3A_773 = arith.constant 0 : i32
    %dma_wait3A_774 = tpu.memref_slice %arg6[%dma_wait3A_772, %dma_wait3A_773] : memref<200x128xf32, #tpu.memory_space<vmem>> -> memref<50x128xf32, #tpu.memory_space<vmem>>
    tpu.wait_dma2 semaphore(%arg14 : memref<!tpu.dma_semaphore, #tpu.memory_space<semaphore_mem>>) src(%dma_wait3A_774 : memref<50x128xf32, #tpu.memory_space<vmem>>) dst(%dma_wait3A_771 : memref<50x128xf32, #tpu.memory_space<hbm>>)
    %dma_wait3A_775 = arith.constant 150 : i32
    %dma_wait3A_776 = arith.constant 0 : i32
    %dma_wait3A_777 = tpu.memref_slice %arg6[%dma_wait3A_775, %dma_wait3A_776] : memref<200x128xf32, #tpu.memory_space<vmem>> -> memref<50x128xf32, #tpu.memory_space<vmem>>
    %dma_wait3A_778 = arith.constant 0 : i32
    %dma_wait3A_779 = arith.constant 0 : i32
    %dma_wait3A_780 = tpu.memref_slice %arg4[%mul3A_4, %dma_wait3A_778, %dma_wait3A_779] : memref<4096x50x128xf32, #tpu.memory_space<hbm>> -> memref<1x50x128xf32, #tpu.memory_space<hbm>>
    %dma_wait3A_781 = tpu.memref_squeeze %dma_wait3A_780 : memref<1x50x128xf32, #tpu.memory_space<hbm>> -> memref<50x128xf32, #tpu.memory_space<hbm>>
    %dma_wait3A_782 = arith.constant 0 : i32
    %dma_wait3A_783 = arith.constant 0 : i32
    %dma_wait3A_784 = tpu.memref_slice %arg4[%mul3A_4, %dma_wait3A_782, %dma_wait3A_783] : memref<4096x50x128xf32, #tpu.memory_space<hbm>> -> memref<1x50x128xf32, #tpu.memory_space<hbm>>
    %dma_wait3A_785 = tpu.memref_squeeze %dma_wait3A_784 : memref<1x50x128xf32, #tpu.memory_space<hbm>> -> memref<50x128xf32, #tpu.memory_space<hbm>>
    %dma_wait3A_786 = arith.constant 150 : i32
    %dma_wait3A_787 = arith.constant 0 : i32
    %dma_wait3A_788 = tpu.memref_slice %arg6[%dma_wait3A_786, %dma_wait3A_787] : memref<200x128xf32, #tpu.memory_space<vmem>> -> memref<50x128xf32, #tpu.memory_space<vmem>>
    tpu.wait_dma2 semaphore(%arg14 : memref<!tpu.dma_semaphore, #tpu.memory_space<semaphore_mem>>) src(%dma_wait3A_788 : memref<50x128xf32, #tpu.memory_space<vmem>>) dst(%dma_wait3A_785 : memref<50x128xf32, #tpu.memory_space<hbm>>)
    %dma_wait3A_789 = arith.constant 0 : i32
    %dma_wait3A_790 = tpu.memref_slice %arg5[%dma_wait3A_789] : memref<6400xi32, #tpu.memory_space<vmem>> -> memref<200xi32, #tpu.memory_space<vmem>>
    %dma_wait3A_791 = arith.constant 0 : i32
    %dma_wait3A_792 = arith.constant 0 : i32
    %dma_wait3A_793 = tpu.memref_slice %arg3[%dma_wait3A_791, %dma_wait3A_792] : memref<100000x128xf32, #tpu.memory_space<hbm>> -> memref<100000x128xf32, #tpu.memory_space<hbm>>
    tpu.wait_indirect_dma semaphore(%arg12 : memref<!tpu.dma_semaphore, #tpu.memory_space<semaphore_mem>>) src(%dma_wait3A_793 : memref<100000x128xf32, #tpu.memory_space<hbm>>) dst(%arg8 : memref<200x128xf32, #tpu.memory_space<vmem>>)
    %add3A_794 = arith.constant 120 : i32
    %add3A_795 = arith.addi %mul3A_4, %add3A_794 : i32
    %add3A_796 = arith.constant 0 : i32
    %add3A_797 = arith.addi %add3A_795, %add3A_796 : i32
    %dma_start3A_798 = arith.constant 0 : i32
    %dma_start3A_799 = arith.constant 0 : i32
    %dma_start3A_800 = tpu.memref_slice %arg8[%dma_start3A_798, %dma_start3A_799] : memref<200x128xf32, #tpu.memory_space<vmem>> -> memref<50x128xf32, #tpu.memory_space<vmem>>
    %dma_start3A_801 = arith.constant 0 : i32
    %dma_start3A_802 = arith.constant 0 : i32
    %dma_start3A_803 = tpu.memref_slice %arg4[%add3A_797, %dma_start3A_801, %dma_start3A_802] : memref<4096x50x128xf32, #tpu.memory_space<hbm>> -> memref<1x50x128xf32, #tpu.memory_space<hbm>>
    %dma_start3A_804 = tpu.memref_squeeze %dma_start3A_803 : memref<1x50x128xf32, #tpu.memory_space<hbm>> -> memref<50x128xf32, #tpu.memory_space<hbm>>
    %dma_start3A_805 = arith.constant 0 : i32
    %dma_start3A_806 = arith.constant 0 : i32
    %dma_start3A_807 = tpu.memref_slice %arg4[%add3A_797, %dma_start3A_805, %dma_start3A_806] : memref<4096x50x128xf32, #tpu.memory_space<hbm>> -> memref<1x50x128xf32, #tpu.memory_space<hbm>>
    %dma_start3A_808 = tpu.memref_squeeze %dma_start3A_807 : memref<1x50x128xf32, #tpu.memory_space<hbm>> -> memref<50x128xf32, #tpu.memory_space<hbm>>
    %dma_start3A_809 = arith.constant 0 : i32
    %dma_start3A_810 = arith.constant 0 : i32
    %dma_start3A_811 = tpu.memref_slice %arg8[%dma_start3A_809, %dma_start3A_810] : memref<200x128xf32, #tpu.memory_space<vmem>> -> memref<50x128xf32, #tpu.memory_space<vmem>>
    tpu.enqueue_dma source(%dma_start3A_811 : memref<50x128xf32, #tpu.memory_space<vmem>>) target(%dma_start3A_808 : memref<50x128xf32, #tpu.memory_space<hbm>>) target_semaphore(%arg16 : memref<!tpu.dma_semaphore, #tpu.memory_space<semaphore_mem>>)
    %add3A_812 = arith.constant 120 : i32
    %add3A_813 = arith.addi %mul3A_4, %add3A_812 : i32
    %add3A_814 = arith.constant 1 : i32
    %add3A_815 = arith.addi %add3A_813, %add3A_814 : i32
    %dma_start3A_816 = arith.constant 50 : i32
    %dma_start3A_817 = arith.constant 0 : i32
    %dma_start3A_818 = tpu.memref_slice %arg8[%dma_start3A_816, %dma_start3A_817] : memref<200x128xf32, #tpu.memory_space<vmem>> -> memref<50x128xf32, #tpu.memory_space<vmem>>
    %dma_start3A_819 = arith.constant 0 : i32
    %dma_start3A_820 = arith.constant 0 : i32
    %dma_start3A_821 = tpu.memref_slice %arg4[%add3A_815, %dma_start3A_819, %dma_start3A_820] : memref<4096x50x128xf32, #tpu.memory_space<hbm>> -> memref<1x50x128xf32, #tpu.memory_space<hbm>>
    %dma_start3A_822 = tpu.memref_squeeze %dma_start3A_821 : memref<1x50x128xf32, #tpu.memory_space<hbm>> -> memref<50x128xf32, #tpu.memory_space<hbm>>
    %dma_start3A_823 = arith.constant 0 : i32
    %dma_start3A_824 = arith.constant 0 : i32
    %dma_start3A_825 = tpu.memref_slice %arg4[%add3A_815, %dma_start3A_823, %dma_start3A_824] : memref<4096x50x128xf32, #tpu.memory_space<hbm>> -> memref<1x50x128xf32, #tpu.memory_space<hbm>>
    %dma_start3A_826 = tpu.memref_squeeze %dma_start3A_825 : memref<1x50x128xf32, #tpu.memory_space<hbm>> -> memref<50x128xf32, #tpu.memory_space<hbm>>
    %dma_start3A_827 = arith.constant 50 : i32
    %dma_start3A_828 = arith.constant 0 : i32
    %dma_start3A_829 = tpu.memref_slice %arg8[%dma_start3A_827, %dma_start3A_828] : memref<200x128xf32, #tpu.memory_space<vmem>> -> memref<50x128xf32, #tpu.memory_space<vmem>>
    tpu.enqueue_dma source(%dma_start3A_829 : memref<50x128xf32, #tpu.memory_space<vmem>>) target(%dma_start3A_826 : memref<50x128xf32, #tpu.memory_space<hbm>>) target_semaphore(%arg16 : memref<!tpu.dma_semaphore, #tpu.memory_space<semaphore_mem>>)
    %add3A_830 = arith.constant 120 : i32
    %add3A_831 = arith.addi %mul3A_4, %add3A_830 : i32
    %add3A_832 = arith.constant 2 : i32
    %add3A_833 = arith.addi %add3A_831, %add3A_832 : i32
    %dma_start3A_834 = arith.constant 100 : i32
    %dma_start3A_835 = arith.constant 0 : i32
    %dma_start3A_836 = tpu.memref_slice %arg8[%dma_start3A_834, %dma_start3A_835] : memref<200x128xf32, #tpu.memory_space<vmem>> -> memref<50x128xf32, #tpu.memory_space<vmem>>
    %dma_start3A_837 = arith.constant 0 : i32
    %dma_start3A_838 = arith.constant 0 : i32
    %dma_start3A_839 = tpu.memref_slice %arg4[%add3A_833, %dma_start3A_837, %dma_start3A_838] : memref<4096x50x128xf32, #tpu.memory_space<hbm>> -> memref<1x50x128xf32, #tpu.memory_space<hbm>>
    %dma_start3A_840 = tpu.memref_squeeze %dma_start3A_839 : memref<1x50x128xf32, #tpu.memory_space<hbm>> -> memref<50x128xf32, #tpu.memory_space<hbm>>
    %dma_start3A_841 = arith.constant 0 : i32
    %dma_start3A_842 = arith.constant 0 : i32
    %dma_start3A_843 = tpu.memref_slice %arg4[%add3A_833, %dma_start3A_841, %dma_start3A_842] : memref<4096x50x128xf32, #tpu.memory_space<hbm>> -> memref<1x50x128xf32, #tpu.memory_space<hbm>>
    %dma_start3A_844 = tpu.memref_squeeze %dma_start3A_843 : memref<1x50x128xf32, #tpu.memory_space<hbm>> -> memref<50x128xf32, #tpu.memory_space<hbm>>
    %dma_start3A_845 = arith.constant 100 : i32
    %dma_start3A_846 = arith.constant 0 : i32
    %dma_start3A_847 = tpu.memref_slice %arg8[%dma_start3A_845, %dma_start3A_846] : memref<200x128xf32, #tpu.memory_space<vmem>> -> memref<50x128xf32, #tpu.memory_space<vmem>>
    tpu.enqueue_dma source(%dma_start3A_847 : memref<50x128xf32, #tpu.memory_space<vmem>>) target(%dma_start3A_844 : memref<50x128xf32, #tpu.memory_space<hbm>>) target_semaphore(%arg16 : memref<!tpu.dma_semaphore, #tpu.memory_space<semaphore_mem>>)
    %add3A_848 = arith.constant 120 : i32
    %add3A_849 = arith.addi %mul3A_4, %add3A_848 : i32
    %add3A_850 = arith.constant 3 : i32
    %add3A_851 = arith.addi %add3A_849, %add3A_850 : i32
    %dma_start3A_852 = arith.constant 150 : i32
    %dma_start3A_853 = arith.constant 0 : i32
    %dma_start3A_854 = tpu.memref_slice %arg8[%dma_start3A_852, %dma_start3A_853] : memref<200x128xf32, #tpu.memory_space<vmem>> -> memref<50x128xf32, #tpu.memory_space<vmem>>
    %dma_start3A_855 = arith.constant 0 : i32
    %dma_start3A_856 = arith.constant 0 : i32
    %dma_start3A_857 = tpu.memref_slice %arg4[%add3A_851, %dma_start3A_855, %dma_start3A_856] : memref<4096x50x128xf32, #tpu.memory_space<hbm>> -> memref<1x50x128xf32, #tpu.memory_space<hbm>>
    %dma_start3A_858 = tpu.memref_squeeze %dma_start3A_857 : memref<1x50x128xf32, #tpu.memory_space<hbm>> -> memref<50x128xf32, #tpu.memory_space<hbm>>
    %dma_start3A_859 = arith.constant 0 : i32
    %dma_start3A_860 = arith.constant 0 : i32
    %dma_start3A_861 = tpu.memref_slice %arg4[%add3A_851, %dma_start3A_859, %dma_start3A_860] : memref<4096x50x128xf32, #tpu.memory_space<hbm>> -> memref<1x50x128xf32, #tpu.memory_space<hbm>>
    %dma_start3A_862 = tpu.memref_squeeze %dma_start3A_861 : memref<1x50x128xf32, #tpu.memory_space<hbm>> -> memref<50x128xf32, #tpu.memory_space<hbm>>
    %dma_start3A_863 = arith.constant 150 : i32
    %dma_start3A_864 = arith.constant 0 : i32
    %dma_start3A_865 = tpu.memref_slice %arg8[%dma_start3A_863, %dma_start3A_864] : memref<200x128xf32, #tpu.memory_space<vmem>> -> memref<50x128xf32, #tpu.memory_space<vmem>>
    tpu.enqueue_dma source(%dma_start3A_865 : memref<50x128xf32, #tpu.memory_space<vmem>>) target(%dma_start3A_862 : memref<50x128xf32, #tpu.memory_space<hbm>>) target_semaphore(%arg16 : memref<!tpu.dma_semaphore, #tpu.memory_space<semaphore_mem>>)
    %dma_wait3A_866 = arith.constant 0 : i32
    %dma_wait3A_867 = arith.constant 0 : i32
    %dma_wait3A_868 = tpu.memref_slice %arg7[%dma_wait3A_866, %dma_wait3A_867] : memref<200x128xf32, #tpu.memory_space<vmem>> -> memref<50x128xf32, #tpu.memory_space<vmem>>
    %dma_wait3A_869 = arith.constant 0 : i32
    %dma_wait3A_870 = arith.constant 0 : i32
    %dma_wait3A_871 = tpu.memref_slice %arg4[%mul3A_4, %dma_wait3A_869, %dma_wait3A_870] : memref<4096x50x128xf32, #tpu.memory_space<hbm>> -> memref<1x50x128xf32, #tpu.memory_space<hbm>>
    %dma_wait3A_872 = tpu.memref_squeeze %dma_wait3A_871 : memref<1x50x128xf32, #tpu.memory_space<hbm>> -> memref<50x128xf32, #tpu.memory_space<hbm>>
    %dma_wait3A_873 = arith.constant 0 : i32
    %dma_wait3A_874 = arith.constant 0 : i32
    %dma_wait3A_875 = tpu.memref_slice %arg4[%mul3A_4, %dma_wait3A_873, %dma_wait3A_874] : memref<4096x50x128xf32, #tpu.memory_space<hbm>> -> memref<1x50x128xf32, #tpu.memory_space<hbm>>
    %dma_wait3A_876 = tpu.memref_squeeze %dma_wait3A_875 : memref<1x50x128xf32, #tpu.memory_space<hbm>> -> memref<50x128xf32, #tpu.memory_space<hbm>>
    %dma_wait3A_877 = arith.constant 0 : i32
    %dma_wait3A_878 = arith.constant 0 : i32
    %dma_wait3A_879 = tpu.memref_slice %arg7[%dma_wait3A_877, %dma_wait3A_878] : memref<200x128xf32, #tpu.memory_space<vmem>> -> memref<50x128xf32, #tpu.memory_space<vmem>>
    tpu.wait_dma2 semaphore(%arg15 : memref<!tpu.dma_semaphore, #tpu.memory_space<semaphore_mem>>) src(%dma_wait3A_879 : memref<50x128xf32, #tpu.memory_space<vmem>>) dst(%dma_wait3A_876 : memref<50x128xf32, #tpu.memory_space<hbm>>)
    %dma_wait3A_880 = arith.constant 50 : i32
    %dma_wait3A_881 = arith.constant 0 : i32
    %dma_wait3A_882 = tpu.memref_slice %arg7[%dma_wait3A_880, %dma_wait3A_881] : memref<200x128xf32, #tpu.memory_space<vmem>> -> memref<50x128xf32, #tpu.memory_space<vmem>>
    %dma_wait3A_883 = arith.constant 0 : i32
    %dma_wait3A_884 = arith.constant 0 : i32
    %dma_wait3A_885 = tpu.memref_slice %arg4[%mul3A_4, %dma_wait3A_883, %dma_wait3A_884] : memref<4096x50x128xf32, #tpu.memory_space<hbm>> -> memref<1x50x128xf32, #tpu.memory_space<hbm>>
    %dma_wait3A_886 = tpu.memref_squeeze %dma_wait3A_885 : memref<1x50x128xf32, #tpu.memory_space<hbm>> -> memref<50x128xf32, #tpu.memory_space<hbm>>
    %dma_wait3A_887 = arith.constant 0 : i32
    %dma_wait3A_888 = arith.constant 0 : i32
    %dma_wait3A_889 = tpu.memref_slice %arg4[%mul3A_4, %dma_wait3A_887, %dma_wait3A_888] : memref<4096x50x128xf32, #tpu.memory_space<hbm>> -> memref<1x50x128xf32, #tpu.memory_space<hbm>>
    %dma_wait3A_890 = tpu.memref_squeeze %dma_wait3A_889 : memref<1x50x128xf32, #tpu.memory_space<hbm>> -> memref<50x128xf32, #tpu.memory_space<hbm>>
    %dma_wait3A_891 = arith.constant 50 : i32
    %dma_wait3A_892 = arith.constant 0 : i32
    %dma_wait3A_893 = tpu.memref_slice %arg7[%dma_wait3A_891, %dma_wait3A_892] : memref<200x128xf32, #tpu.memory_space<vmem>> -> memref<50x128xf32, #tpu.memory_space<vmem>>
    tpu.wait_dma2 semaphore(%arg15 : memref<!tpu.dma_semaphore, #tpu.memory_space<semaphore_mem>>) src(%dma_wait3A_893 : memref<50x128xf32, #tpu.memory_space<vmem>>) dst(%dma_wait3A_890 : memref<50x128xf32, #tpu.memory_space<hbm>>)
    %dma_wait3A_894 = arith.constant 100 : i32
    %dma_wait3A_895 = arith.constant 0 : i32
    %dma_wait3A_896 = tpu.memref_slice %arg7[%dma_wait3A_894, %dma_wait3A_895] : memref<200x128xf32, #tpu.memory_space<vmem>> -> memref<50x128xf32, #tpu.memory_space<vmem>>
    %dma_wait3A_897 = arith.constant 0 : i32
    %dma_wait3A_898 = arith.constant 0 : i32
    %dma_wait3A_899 = tpu.memref_slice %arg4[%mul3A_4, %dma_wait3A_897, %dma_wait3A_898] : memref<4096x50x128xf32, #tpu.memory_space<hbm>> -> memref<1x50x128xf32, #tpu.memory_space<hbm>>
    %dma_wait3A_900 = tpu.memref_squeeze %dma_wait3A_899 : memref<1x50x128xf32, #tpu.memory_space<hbm>> -> memref<50x128xf32, #tpu.memory_space<hbm>>
    %dma_wait3A_901 = arith.constant 0 : i32
    %dma_wait3A_902 = arith.constant 0 : i32
    %dma_wait3A_903 = tpu.memref_slice %arg4[%mul3A_4, %dma_wait3A_901, %dma_wait3A_902] : memref<4096x50x128xf32, #tpu.memory_space<hbm>> -> memref<1x50x128xf32, #tpu.memory_space<hbm>>
    %dma_wait3A_904 = tpu.memref_squeeze %dma_wait3A_903 : memref<1x50x128xf32, #tpu.memory_space<hbm>> -> memref<50x128xf32, #tpu.memory_space<hbm>>
    %dma_wait3A_905 = arith.constant 100 : i32
    %dma_wait3A_906 = arith.constant 0 : i32
    %dma_wait3A_907 = tpu.memref_slice %arg7[%dma_wait3A_905, %dma_wait3A_906] : memref<200x128xf32, #tpu.memory_space<vmem>> -> memref<50x128xf32, #tpu.memory_space<vmem>>
    tpu.wait_dma2 semaphore(%arg15 : memref<!tpu.dma_semaphore, #tpu.memory_space<semaphore_mem>>) src(%dma_wait3A_907 : memref<50x128xf32, #tpu.memory_space<vmem>>) dst(%dma_wait3A_904 : memref<50x128xf32, #tpu.memory_space<hbm>>)
    %dma_wait3A_908 = arith.constant 150 : i32
    %dma_wait3A_909 = arith.constant 0 : i32
    %dma_wait3A_910 = tpu.memref_slice %arg7[%dma_wait3A_908, %dma_wait3A_909] : memref<200x128xf32, #tpu.memory_space<vmem>> -> memref<50x128xf32, #tpu.memory_space<vmem>>
    %dma_wait3A_911 = arith.constant 0 : i32
    %dma_wait3A_912 = arith.constant 0 : i32
    %dma_wait3A_913 = tpu.memref_slice %arg4[%mul3A_4, %dma_wait3A_911, %dma_wait3A_912] : memref<4096x50x128xf32, #tpu.memory_space<hbm>> -> memref<1x50x128xf32, #tpu.memory_space<hbm>>
    %dma_wait3A_914 = tpu.memref_squeeze %dma_wait3A_913 : memref<1x50x128xf32, #tpu.memory_space<hbm>> -> memref<50x128xf32, #tpu.memory_space<hbm>>
    %dma_wait3A_915 = arith.constant 0 : i32
    %dma_wait3A_916 = arith.constant 0 : i32
    %dma_wait3A_917 = tpu.memref_slice %arg4[%mul3A_4, %dma_wait3A_915, %dma_wait3A_916] : memref<4096x50x128xf32, #tpu.memory_space<hbm>> -> memref<1x50x128xf32, #tpu.memory_space<hbm>>
    %dma_wait3A_918 = tpu.memref_squeeze %dma_wait3A_917 : memref<1x50x128xf32, #tpu.memory_space<hbm>> -> memref<50x128xf32, #tpu.memory_space<hbm>>
    %dma_wait3A_919 = arith.constant 150 : i32
    %dma_wait3A_920 = arith.constant 0 : i32
    %dma_wait3A_921 = tpu.memref_slice %arg7[%dma_wait3A_919, %dma_wait3A_920] : memref<200x128xf32, #tpu.memory_space<vmem>> -> memref<50x128xf32, #tpu.memory_space<vmem>>
    tpu.wait_dma2 semaphore(%arg15 : memref<!tpu.dma_semaphore, #tpu.memory_space<semaphore_mem>>) src(%dma_wait3A_921 : memref<50x128xf32, #tpu.memory_space<vmem>>) dst(%dma_wait3A_918 : memref<50x128xf32, #tpu.memory_space<hbm>>)
    %dma_wait3A_922 = arith.constant 0 : i32
    %dma_wait3A_923 = tpu.memref_slice %arg5[%dma_wait3A_922] : memref<6400xi32, #tpu.memory_space<vmem>> -> memref<200xi32, #tpu.memory_space<vmem>>
    %dma_wait3A_924 = arith.constant 0 : i32
    %dma_wait3A_925 = arith.constant 0 : i32
    %dma_wait3A_926 = tpu.memref_slice %arg3[%dma_wait3A_924, %dma_wait3A_925] : memref<100000x128xf32, #tpu.memory_space<hbm>> -> memref<100000x128xf32, #tpu.memory_space<hbm>>
    tpu.wait_indirect_dma semaphore(%arg13 : memref<!tpu.dma_semaphore, #tpu.memory_space<semaphore_mem>>) src(%dma_wait3A_926 : memref<100000x128xf32, #tpu.memory_space<hbm>>) dst(%arg9 : memref<200x128xf32, #tpu.memory_space<vmem>>)
    %add3A_927 = arith.constant 124 : i32
    %add3A_928 = arith.addi %mul3A_4, %add3A_927 : i32
    %add3A_929 = arith.constant 0 : i32
    %add3A_930 = arith.addi %add3A_928, %add3A_929 : i32
    %dma_start3A_931 = arith.constant 0 : i32
    %dma_start3A_932 = arith.constant 0 : i32
    %dma_start3A_933 = tpu.memref_slice %arg9[%dma_start3A_931, %dma_start3A_932] : memref<200x128xf32, #tpu.memory_space<vmem>> -> memref<50x128xf32, #tpu.memory_space<vmem>>
    %dma_start3A_934 = arith.constant 0 : i32
    %dma_start3A_935 = arith.constant 0 : i32
    %dma_start3A_936 = tpu.memref_slice %arg4[%add3A_930, %dma_start3A_934, %dma_start3A_935] : memref<4096x50x128xf32, #tpu.memory_space<hbm>> -> memref<1x50x128xf32, #tpu.memory_space<hbm>>
    %dma_start3A_937 = tpu.memref_squeeze %dma_start3A_936 : memref<1x50x128xf32, #tpu.memory_space<hbm>> -> memref<50x128xf32, #tpu.memory_space<hbm>>
    %dma_start3A_938 = arith.constant 0 : i32
    %dma_start3A_939 = arith.constant 0 : i32
    %dma_start3A_940 = tpu.memref_slice %arg4[%add3A_930, %dma_start3A_938, %dma_start3A_939] : memref<4096x50x128xf32, #tpu.memory_space<hbm>> -> memref<1x50x128xf32, #tpu.memory_space<hbm>>
    %dma_start3A_941 = tpu.memref_squeeze %dma_start3A_940 : memref<1x50x128xf32, #tpu.memory_space<hbm>> -> memref<50x128xf32, #tpu.memory_space<hbm>>
    %dma_start3A_942 = arith.constant 0 : i32
    %dma_start3A_943 = arith.constant 0 : i32
    %dma_start3A_944 = tpu.memref_slice %arg9[%dma_start3A_942, %dma_start3A_943] : memref<200x128xf32, #tpu.memory_space<vmem>> -> memref<50x128xf32, #tpu.memory_space<vmem>>
    tpu.enqueue_dma source(%dma_start3A_944 : memref<50x128xf32, #tpu.memory_space<vmem>>) target(%dma_start3A_941 : memref<50x128xf32, #tpu.memory_space<hbm>>) target_semaphore(%arg17 : memref<!tpu.dma_semaphore, #tpu.memory_space<semaphore_mem>>)
    %add3A_945 = arith.constant 124 : i32
    %add3A_946 = arith.addi %mul3A_4, %add3A_945 : i32
    %add3A_947 = arith.constant 1 : i32
    %add3A_948 = arith.addi %add3A_946, %add3A_947 : i32
    %dma_start3A_949 = arith.constant 50 : i32
    %dma_start3A_950 = arith.constant 0 : i32
    %dma_start3A_951 = tpu.memref_slice %arg9[%dma_start3A_949, %dma_start3A_950] : memref<200x128xf32, #tpu.memory_space<vmem>> -> memref<50x128xf32, #tpu.memory_space<vmem>>
    %dma_start3A_952 = arith.constant 0 : i32
    %dma_start3A_953 = arith.constant 0 : i32
    %dma_start3A_954 = tpu.memref_slice %arg4[%add3A_948, %dma_start3A_952, %dma_start3A_953] : memref<4096x50x128xf32, #tpu.memory_space<hbm>> -> memref<1x50x128xf32, #tpu.memory_space<hbm>>
    %dma_start3A_955 = tpu.memref_squeeze %dma_start3A_954 : memref<1x50x128xf32, #tpu.memory_space<hbm>> -> memref<50x128xf32, #tpu.memory_space<hbm>>
    %dma_start3A_956 = arith.constant 0 : i32
    %dma_start3A_957 = arith.constant 0 : i32
    %dma_start3A_958 = tpu.memref_slice %arg4[%add3A_948, %dma_start3A_956, %dma_start3A_957] : memref<4096x50x128xf32, #tpu.memory_space<hbm>> -> memref<1x50x128xf32, #tpu.memory_space<hbm>>
    %dma_start3A_959 = tpu.memref_squeeze %dma_start3A_958 : memref<1x50x128xf32, #tpu.memory_space<hbm>> -> memref<50x128xf32, #tpu.memory_space<hbm>>
    %dma_start3A_960 = arith.constant 50 : i32
    %dma_start3A_961 = arith.constant 0 : i32
    %dma_start3A_962 = tpu.memref_slice %arg9[%dma_start3A_960, %dma_start3A_961] : memref<200x128xf32, #tpu.memory_space<vmem>> -> memref<50x128xf32, #tpu.memory_space<vmem>>
    tpu.enqueue_dma source(%dma_start3A_962 : memref<50x128xf32, #tpu.memory_space<vmem>>) target(%dma_start3A_959 : memref<50x128xf32, #tpu.memory_space<hbm>>) target_semaphore(%arg17 : memref<!tpu.dma_semaphore, #tpu.memory_space<semaphore_mem>>)
    %add3A_963 = arith.constant 124 : i32
    %add3A_964 = arith.addi %mul3A_4, %add3A_963 : i32
    %add3A_965 = arith.constant 2 : i32
    %add3A_966 = arith.addi %add3A_964, %add3A_965 : i32
    %dma_start3A_967 = arith.constant 100 : i32
    %dma_start3A_968 = arith.constant 0 : i32
    %dma_start3A_969 = tpu.memref_slice %arg9[%dma_start3A_967, %dma_start3A_968] : memref<200x128xf32, #tpu.memory_space<vmem>> -> memref<50x128xf32, #tpu.memory_space<vmem>>
    %dma_start3A_970 = arith.constant 0 : i32
    %dma_start3A_971 = arith.constant 0 : i32
    %dma_start3A_972 = tpu.memref_slice %arg4[%add3A_966, %dma_start3A_970, %dma_start3A_971] : memref<4096x50x128xf32, #tpu.memory_space<hbm>> -> memref<1x50x128xf32, #tpu.memory_space<hbm>>
    %dma_start3A_973 = tpu.memref_squeeze %dma_start3A_972 : memref<1x50x128xf32, #tpu.memory_space<hbm>> -> memref<50x128xf32, #tpu.memory_space<hbm>>
    %dma_start3A_974 = arith.constant 0 : i32
    %dma_start3A_975 = arith.constant 0 : i32
    %dma_start3A_976 = tpu.memref_slice %arg4[%add3A_966, %dma_start3A_974, %dma_start3A_975] : memref<4096x50x128xf32, #tpu.memory_space<hbm>> -> memref<1x50x128xf32, #tpu.memory_space<hbm>>
    %dma_start3A_977 = tpu.memref_squeeze %dma_start3A_976 : memref<1x50x128xf32, #tpu.memory_space<hbm>> -> memref<50x128xf32, #tpu.memory_space<hbm>>
    %dma_start3A_978 = arith.constant 100 : i32
    %dma_start3A_979 = arith.constant 0 : i32
    %dma_start3A_980 = tpu.memref_slice %arg9[%dma_start3A_978, %dma_start3A_979] : memref<200x128xf32, #tpu.memory_space<vmem>> -> memref<50x128xf32, #tpu.memory_space<vmem>>
    tpu.enqueue_dma source(%dma_start3A_980 : memref<50x128xf32, #tpu.memory_space<vmem>>) target(%dma_start3A_977 : memref<50x128xf32, #tpu.memory_space<hbm>>) target_semaphore(%arg17 : memref<!tpu.dma_semaphore, #tpu.memory_space<semaphore_mem>>)
    %add3A_981 = arith.constant 124 : i32
    %add3A_982 = arith.addi %mul3A_4, %add3A_981 : i32
    %add3A_983 = arith.constant 3 : i32
    %add3A_984 = arith.addi %add3A_982, %add3A_983 : i32
    %dma_start3A_985 = arith.constant 150 : i32
    %dma_start3A_986 = arith.constant 0 : i32
    %dma_start3A_987 = tpu.memref_slice %arg9[%dma_start3A_985, %dma_start3A_986] : memref<200x128xf32, #tpu.memory_space<vmem>> -> memref<50x128xf32, #tpu.memory_space<vmem>>
    %dma_start3A_988 = arith.constant 0 : i32
    %dma_start3A_989 = arith.constant 0 : i32
    %dma_start3A_990 = tpu.memref_slice %arg4[%add3A_984, %dma_start3A_988, %dma_start3A_989] : memref<4096x50x128xf32, #tpu.memory_space<hbm>> -> memref<1x50x128xf32, #tpu.memory_space<hbm>>
    %dma_start3A_991 = tpu.memref_squeeze %dma_start3A_990 : memref<1x50x128xf32, #tpu.memory_space<hbm>> -> memref<50x128xf32, #tpu.memory_space<hbm>>
    %dma_start3A_992 = arith.constant 0 : i32
    %dma_start3A_993 = arith.constant 0 : i32
    %dma_start3A_994 = tpu.memref_slice %arg4[%add3A_984, %dma_start3A_992, %dma_start3A_993] : memref<4096x50x128xf32, #tpu.memory_space<hbm>> -> memref<1x50x128xf32, #tpu.memory_space<hbm>>
    %dma_start3A_995 = tpu.memref_squeeze %dma_start3A_994 : memref<1x50x128xf32, #tpu.memory_space<hbm>> -> memref<50x128xf32, #tpu.memory_space<hbm>>
    %dma_start3A_996 = arith.constant 150 : i32
    %dma_start3A_997 = arith.constant 0 : i32
    %dma_start3A_998 = tpu.memref_slice %arg9[%dma_start3A_996, %dma_start3A_997] : memref<200x128xf32, #tpu.memory_space<vmem>> -> memref<50x128xf32, #tpu.memory_space<vmem>>
    tpu.enqueue_dma source(%dma_start3A_998 : memref<50x128xf32, #tpu.memory_space<vmem>>) target(%dma_start3A_995 : memref<50x128xf32, #tpu.memory_space<hbm>>) target_semaphore(%arg17 : memref<!tpu.dma_semaphore, #tpu.memory_space<semaphore_mem>>)
    %dma_wait3A_999 = arith.constant 0 : i32
    %dma_wait3A_1000 = arith.constant 0 : i32
    %dma_wait3A_1001 = tpu.memref_slice %arg8[%dma_wait3A_999, %dma_wait3A_1000] : memref<200x128xf32, #tpu.memory_space<vmem>> -> memref<50x128xf32, #tpu.memory_space<vmem>>
    %dma_wait3A_1002 = arith.constant 0 : i32
    %dma_wait3A_1003 = arith.constant 0 : i32
    %dma_wait3A_1004 = tpu.memref_slice %arg4[%mul3A_4, %dma_wait3A_1002, %dma_wait3A_1003] : memref<4096x50x128xf32, #tpu.memory_space<hbm>> -> memref<1x50x128xf32, #tpu.memory_space<hbm>>
    %dma_wait3A_1005 = tpu.memref_squeeze %dma_wait3A_1004 : memref<1x50x128xf32, #tpu.memory_space<hbm>> -> memref<50x128xf32, #tpu.memory_space<hbm>>
    %dma_wait3A_1006 = arith.constant 0 : i32
    %dma_wait3A_1007 = arith.constant 0 : i32
    %dma_wait3A_1008 = tpu.memref_slice %arg4[%mul3A_4, %dma_wait3A_1006, %dma_wait3A_1007] : memref<4096x50x128xf32, #tpu.memory_space<hbm>> -> memref<1x50x128xf32, #tpu.memory_space<hbm>>
    %dma_wait3A_1009 = tpu.memref_squeeze %dma_wait3A_1008 : memref<1x50x128xf32, #tpu.memory_space<hbm>> -> memref<50x128xf32, #tpu.memory_space<hbm>>
    %dma_wait3A_1010 = arith.constant 0 : i32
    %dma_wait3A_1011 = arith.constant 0 : i32
    %dma_wait3A_1012 = tpu.memref_slice %arg8[%dma_wait3A_1010, %dma_wait3A_1011] : memref<200x128xf32, #tpu.memory_space<vmem>> -> memref<50x128xf32, #tpu.memory_space<vmem>>
    tpu.wait_dma2 semaphore(%arg16 : memref<!tpu.dma_semaphore, #tpu.memory_space<semaphore_mem>>) src(%dma_wait3A_1012 : memref<50x128xf32, #tpu.memory_space<vmem>>) dst(%dma_wait3A_1009 : memref<50x128xf32, #tpu.memory_space<hbm>>)
    %dma_wait3A_1013 = arith.constant 50 : i32
    %dma_wait3A_1014 = arith.constant 0 : i32
    %dma_wait3A_1015 = tpu.memref_slice %arg8[%dma_wait3A_1013, %dma_wait3A_1014] : memref<200x128xf32, #tpu.memory_space<vmem>> -> memref<50x128xf32, #tpu.memory_space<vmem>>
    %dma_wait3A_1016 = arith.constant 0 : i32
    %dma_wait3A_1017 = arith.constant 0 : i32
    %dma_wait3A_1018 = tpu.memref_slice %arg4[%mul3A_4, %dma_wait3A_1016, %dma_wait3A_1017] : memref<4096x50x128xf32, #tpu.memory_space<hbm>> -> memref<1x50x128xf32, #tpu.memory_space<hbm>>
    %dma_wait3A_1019 = tpu.memref_squeeze %dma_wait3A_1018 : memref<1x50x128xf32, #tpu.memory_space<hbm>> -> memref<50x128xf32, #tpu.memory_space<hbm>>
    %dma_wait3A_1020 = arith.constant 0 : i32
    %dma_wait3A_1021 = arith.constant 0 : i32
    %dma_wait3A_1022 = tpu.memref_slice %arg4[%mul3A_4, %dma_wait3A_1020, %dma_wait3A_1021] : memref<4096x50x128xf32, #tpu.memory_space<hbm>> -> memref<1x50x128xf32, #tpu.memory_space<hbm>>
    %dma_wait3A_1023 = tpu.memref_squeeze %dma_wait3A_1022 : memref<1x50x128xf32, #tpu.memory_space<hbm>> -> memref<50x128xf32, #tpu.memory_space<hbm>>
    %dma_wait3A_1024 = arith.constant 50 : i32
    %dma_wait3A_1025 = arith.constant 0 : i32
    %dma_wait3A_1026 = tpu.memref_slice %arg8[%dma_wait3A_1024, %dma_wait3A_1025] : memref<200x128xf32, #tpu.memory_space<vmem>> -> memref<50x128xf32, #tpu.memory_space<vmem>>
    tpu.wait_dma2 semaphore(%arg16 : memref<!tpu.dma_semaphore, #tpu.memory_space<semaphore_mem>>) src(%dma_wait3A_1026 : memref<50x128xf32, #tpu.memory_space<vmem>>) dst(%dma_wait3A_1023 : memref<50x128xf32, #tpu.memory_space<hbm>>)
    %dma_wait3A_1027 = arith.constant 100 : i32
    %dma_wait3A_1028 = arith.constant 0 : i32
    %dma_wait3A_1029 = tpu.memref_slice %arg8[%dma_wait3A_1027, %dma_wait3A_1028] : memref<200x128xf32, #tpu.memory_space<vmem>> -> memref<50x128xf32, #tpu.memory_space<vmem>>
    %dma_wait3A_1030 = arith.constant 0 : i32
    %dma_wait3A_1031 = arith.constant 0 : i32
    %dma_wait3A_1032 = tpu.memref_slice %arg4[%mul3A_4, %dma_wait3A_1030, %dma_wait3A_1031] : memref<4096x50x128xf32, #tpu.memory_space<hbm>> -> memref<1x50x128xf32, #tpu.memory_space<hbm>>
    %dma_wait3A_1033 = tpu.memref_squeeze %dma_wait3A_1032 : memref<1x50x128xf32, #tpu.memory_space<hbm>> -> memref<50x128xf32, #tpu.memory_space<hbm>>
    %dma_wait3A_1034 = arith.constant 0 : i32
    %dma_wait3A_1035 = arith.constant 0 : i32
    %dma_wait3A_1036 = tpu.memref_slice %arg4[%mul3A_4, %dma_wait3A_1034, %dma_wait3A_1035] : memref<4096x50x128xf32, #tpu.memory_space<hbm>> -> memref<1x50x128xf32, #tpu.memory_space<hbm>>
    %dma_wait3A_1037 = tpu.memref_squeeze %dma_wait3A_1036 : memref<1x50x128xf32, #tpu.memory_space<hbm>> -> memref<50x128xf32, #tpu.memory_space<hbm>>
    %dma_wait3A_1038 = arith.constant 100 : i32
    %dma_wait3A_1039 = arith.constant 0 : i32
    %dma_wait3A_1040 = tpu.memref_slice %arg8[%dma_wait3A_1038, %dma_wait3A_1039] : memref<200x128xf32, #tpu.memory_space<vmem>> -> memref<50x128xf32, #tpu.memory_space<vmem>>
    tpu.wait_dma2 semaphore(%arg16 : memref<!tpu.dma_semaphore, #tpu.memory_space<semaphore_mem>>) src(%dma_wait3A_1040 : memref<50x128xf32, #tpu.memory_space<vmem>>) dst(%dma_wait3A_1037 : memref<50x128xf32, #tpu.memory_space<hbm>>)
    %dma_wait3A_1041 = arith.constant 150 : i32
    %dma_wait3A_1042 = arith.constant 0 : i32
    %dma_wait3A_1043 = tpu.memref_slice %arg8[%dma_wait3A_1041, %dma_wait3A_1042] : memref<200x128xf32, #tpu.memory_space<vmem>> -> memref<50x128xf32, #tpu.memory_space<vmem>>
    %dma_wait3A_1044 = arith.constant 0 : i32
    %dma_wait3A_1045 = arith.constant 0 : i32
    %dma_wait3A_1046 = tpu.memref_slice %arg4[%mul3A_4, %dma_wait3A_1044, %dma_wait3A_1045] : memref<4096x50x128xf32, #tpu.memory_space<hbm>> -> memref<1x50x128xf32, #tpu.memory_space<hbm>>
    %dma_wait3A_1047 = tpu.memref_squeeze %dma_wait3A_1046 : memref<1x50x128xf32, #tpu.memory_space<hbm>> -> memref<50x128xf32, #tpu.memory_space<hbm>>
    %dma_wait3A_1048 = arith.constant 0 : i32
    %dma_wait3A_1049 = arith.constant 0 : i32
    %dma_wait3A_1050 = tpu.memref_slice %arg4[%mul3A_4, %dma_wait3A_1048, %dma_wait3A_1049] : memref<4096x50x128xf32, #tpu.memory_space<hbm>> -> memref<1x50x128xf32, #tpu.memory_space<hbm>>
    %dma_wait3A_1051 = tpu.memref_squeeze %dma_wait3A_1050 : memref<1x50x128xf32, #tpu.memory_space<hbm>> -> memref<50x128xf32, #tpu.memory_space<hbm>>
    %dma_wait3A_1052 = arith.constant 150 : i32
    %dma_wait3A_1053 = arith.constant 0 : i32
    %dma_wait3A_1054 = tpu.memref_slice %arg8[%dma_wait3A_1052, %dma_wait3A_1053] : memref<200x128xf32, #tpu.memory_space<vmem>> -> memref<50x128xf32, #tpu.memory_space<vmem>>
    tpu.wait_dma2 semaphore(%arg16 : memref<!tpu.dma_semaphore, #tpu.memory_space<semaphore_mem>>) src(%dma_wait3A_1054 : memref<50x128xf32, #tpu.memory_space<vmem>>) dst(%dma_wait3A_1051 : memref<50x128xf32, #tpu.memory_space<hbm>>)
    %dma_wait3A_1055 = arith.constant 0 : i32
    %dma_wait3A_1056 = arith.constant 0 : i32
    %dma_wait3A_1057 = tpu.memref_slice %arg9[%dma_wait3A_1055, %dma_wait3A_1056] : memref<200x128xf32, #tpu.memory_space<vmem>> -> memref<50x128xf32, #tpu.memory_space<vmem>>
    %dma_wait3A_1058 = arith.constant 0 : i32
    %dma_wait3A_1059 = arith.constant 0 : i32
    %dma_wait3A_1060 = tpu.memref_slice %arg4[%mul3A_4, %dma_wait3A_1058, %dma_wait3A_1059] : memref<4096x50x128xf32, #tpu.memory_space<hbm>> -> memref<1x50x128xf32, #tpu.memory_space<hbm>>
    %dma_wait3A_1061 = tpu.memref_squeeze %dma_wait3A_1060 : memref<1x50x128xf32, #tpu.memory_space<hbm>> -> memref<50x128xf32, #tpu.memory_space<hbm>>
    %dma_wait3A_1062 = arith.constant 0 : i32
    %dma_wait3A_1063 = arith.constant 0 : i32
    %dma_wait3A_1064 = tpu.memref_slice %arg4[%mul3A_4, %dma_wait3A_1062, %dma_wait3A_1063] : memref<4096x50x128xf32, #tpu.memory_space<hbm>> -> memref<1x50x128xf32, #tpu.memory_space<hbm>>
    %dma_wait3A_1065 = tpu.memref_squeeze %dma_wait3A_1064 : memref<1x50x128xf32, #tpu.memory_space<hbm>> -> memref<50x128xf32, #tpu.memory_space<hbm>>
    %dma_wait3A_1066 = arith.constant 0 : i32
    %dma_wait3A_1067 = arith.constant 0 : i32
    %dma_wait3A_1068 = tpu.memref_slice %arg9[%dma_wait3A_1066, %dma_wait3A_1067] : memref<200x128xf32, #tpu.memory_space<vmem>> -> memref<50x128xf32, #tpu.memory_space<vmem>>
    tpu.wait_dma2 semaphore(%arg17 : memref<!tpu.dma_semaphore, #tpu.memory_space<semaphore_mem>>) src(%dma_wait3A_1068 : memref<50x128xf32, #tpu.memory_space<vmem>>) dst(%dma_wait3A_1065 : memref<50x128xf32, #tpu.memory_space<hbm>>)
    %dma_wait3A_1069 = arith.constant 50 : i32
    %dma_wait3A_1070 = arith.constant 0 : i32
    %dma_wait3A_1071 = tpu.memref_slice %arg9[%dma_wait3A_1069, %dma_wait3A_1070] : memref<200x128xf32, #tpu.memory_space<vmem>> -> memref<50x128xf32, #tpu.memory_space<vmem>>
    %dma_wait3A_1072 = arith.constant 0 : i32
    %dma_wait3A_1073 = arith.constant 0 : i32
    %dma_wait3A_1074 = tpu.memref_slice %arg4[%mul3A_4, %dma_wait3A_1072, %dma_wait3A_1073] : memref<4096x50x128xf32, #tpu.memory_space<hbm>> -> memref<1x50x128xf32, #tpu.memory_space<hbm>>
    %dma_wait3A_1075 = tpu.memref_squeeze %dma_wait3A_1074 : memref<1x50x128xf32, #tpu.memory_space<hbm>> -> memref<50x128xf32, #tpu.memory_space<hbm>>
    %dma_wait3A_1076 = arith.constant 0 : i32
    %dma_wait3A_1077 = arith.constant 0 : i32
    %dma_wait3A_1078 = tpu.memref_slice %arg4[%mul3A_4, %dma_wait3A_1076, %dma_wait3A_1077] : memref<4096x50x128xf32, #tpu.memory_space<hbm>> -> memref<1x50x128xf32, #tpu.memory_space<hbm>>
    %dma_wait3A_1079 = tpu.memref_squeeze %dma_wait3A_1078 : memref<1x50x128xf32, #tpu.memory_space<hbm>> -> memref<50x128xf32, #tpu.memory_space<hbm>>
    %dma_wait3A_1080 = arith.constant 50 : i32
    %dma_wait3A_1081 = arith.constant 0 : i32
    %dma_wait3A_1082 = tpu.memref_slice %arg9[%dma_wait3A_1080, %dma_wait3A_1081] : memref<200x128xf32, #tpu.memory_space<vmem>> -> memref<50x128xf32, #tpu.memory_space<vmem>>
    tpu.wait_dma2 semaphore(%arg17 : memref<!tpu.dma_semaphore, #tpu.memory_space<semaphore_mem>>) src(%dma_wait3A_1082 : memref<50x128xf32, #tpu.memory_space<vmem>>) dst(%dma_wait3A_1079 : memref<50x128xf32, #tpu.memory_space<hbm>>)
    %dma_wait3A_1083 = arith.constant 100 : i32
    %dma_wait3A_1084 = arith.constant 0 : i32
    %dma_wait3A_1085 = tpu.memref_slice %arg9[%dma_wait3A_1083, %dma_wait3A_1084] : memref<200x128xf32, #tpu.memory_space<vmem>> -> memref<50x128xf32, #tpu.memory_space<vmem>>
    %dma_wait3A_1086 = arith.constant 0 : i32
    %dma_wait3A_1087 = arith.constant 0 : i32
    %dma_wait3A_1088 = tpu.memref_slice %arg4[%mul3A_4, %dma_wait3A_1086, %dma_wait3A_1087] : memref<4096x50x128xf32, #tpu.memory_space<hbm>> -> memref<1x50x128xf32, #tpu.memory_space<hbm>>
    %dma_wait3A_1089 = tpu.memref_squeeze %dma_wait3A_1088 : memref<1x50x128xf32, #tpu.memory_space<hbm>> -> memref<50x128xf32, #tpu.memory_space<hbm>>
    %dma_wait3A_1090 = arith.constant 0 : i32
    %dma_wait3A_1091 = arith.constant 0 : i32
    %dma_wait3A_1092 = tpu.memref_slice %arg4[%mul3A_4, %dma_wait3A_1090, %dma_wait3A_1091] : memref<4096x50x128xf32, #tpu.memory_space<hbm>> -> memref<1x50x128xf32, #tpu.memory_space<hbm>>
    %dma_wait3A_1093 = tpu.memref_squeeze %dma_wait3A_1092 : memref<1x50x128xf32, #tpu.memory_space<hbm>> -> memref<50x128xf32, #tpu.memory_space<hbm>>
    %dma_wait3A_1094 = arith.constant 100 : i32
    %dma_wait3A_1095 = arith.constant 0 : i32
    %dma_wait3A_1096 = tpu.memref_slice %arg9[%dma_wait3A_1094, %dma_wait3A_1095] : memref<200x128xf32, #tpu.memory_space<vmem>> -> memref<50x128xf32, #tpu.memory_space<vmem>>
    tpu.wait_dma2 semaphore(%arg17 : memref<!tpu.dma_semaphore, #tpu.memory_space<semaphore_mem>>) src(%dma_wait3A_1096 : memref<50x128xf32, #tpu.memory_space<vmem>>) dst(%dma_wait3A_1093 : memref<50x128xf32, #tpu.memory_space<hbm>>)
    %dma_wait3A_1097 = arith.constant 150 : i32
    %dma_wait3A_1098 = arith.constant 0 : i32
    %dma_wait3A_1099 = tpu.memref_slice %arg9[%dma_wait3A_1097, %dma_wait3A_1098] : memref<200x128xf32, #tpu.memory_space<vmem>> -> memref<50x128xf32, #tpu.memory_space<vmem>>
    %dma_wait3A_1100 = arith.constant 0 : i32
    %dma_wait3A_1101 = arith.constant 0 : i32
    %dma_wait3A_1102 = tpu.memref_slice %arg4[%mul3A_4, %dma_wait3A_1100, %dma_wait3A_1101] : memref<4096x50x128xf32, #tpu.memory_space<hbm>> -> memref<1x50x128xf32, #tpu.memory_space<hbm>>
    %dma_wait3A_1103 = tpu.memref_squeeze %dma_wait3A_1102 : memref<1x50x128xf32, #tpu.memory_space<hbm>> -> memref<50x128xf32, #tpu.memory_space<hbm>>
    %dma_wait3A_1104 = arith.constant 0 : i32
    %dma_wait3A_1105 = arith.constant 0 : i32
    %dma_wait3A_1106 = tpu.memref_slice %arg4[%mul3A_4, %dma_wait3A_1104, %dma_wait3A_1105] : memref<4096x50x128xf32, #tpu.memory_space<hbm>> -> memref<1x50x128xf32, #tpu.memory_space<hbm>>
    %dma_wait3A_1107 = tpu.memref_squeeze %dma_wait3A_1106 : memref<1x50x128xf32, #tpu.memory_space<hbm>> -> memref<50x128xf32, #tpu.memory_space<hbm>>
    %dma_wait3A_1108 = arith.constant 150 : i32
    %dma_wait3A_1109 = arith.constant 0 : i32
    %dma_wait3A_1110 = tpu.memref_slice %arg9[%dma_wait3A_1108, %dma_wait3A_1109] : memref<200x128xf32, #tpu.memory_space<vmem>> -> memref<50x128xf32, #tpu.memory_space<vmem>>
    tpu.wait_dma2 semaphore(%arg17 : memref<!tpu.dma_semaphore, #tpu.memory_space<semaphore_mem>>) src(%dma_wait3A_1110 : memref<50x128xf32, #tpu.memory_space<vmem>>) dst(%dma_wait3A_1107 : memref<50x128xf32, #tpu.memory_space<hbm>>)
    return
  }
}

</mosaic_0001>

<sc_bundles>
// kernel: kernel.3.cloned.1.call-start
scs
__scs_entry_jumppad:
0x0: {  	(pc) =	sbr.rel $0x88, $3  }
0x1: {  	(tag) =	ssettag $0x0;
	lr =	simm.s32 $0x1  }
0x2: {  	[smem:$0x3F9F] =	sst lr;
	_ =	strace $0xD0000000  }
0x3: {  	_ = 	snop  }
0x4: {  	_ = 	snop  }
0x5: {  	_ = 	snop  }
0x6: {  	_ = 	snop  }
0x7: {  	_ = 	snop  }
__scs_overlays_trampoline_lowered:
0x8: {  	[smem:$0x3FAE] =	sst s0  }
0x9: {  	[smem:$0x3FAF] =	sst s1  }
0xa: {  	[smem:$0x3FB0] =	sst s2  }
0xb: {  	[smem:$0x3FB1] =	sst s3  }
0xc: {  	[smem:$0x3FB2] =	sst s4  }
0xd: {  	[smem:$0x3FB3] =	sst s5  }
0xe: {  	[smem:$0x3FB4] =	sst s6  }
0xf: {  	[smem:$0x3FB5] =	sst s7  }
0x10: {  	[smem:$0x3FB6] =	sst s8  }
0x11: {  	[smem:$0x3FB7] =	sst s9;
	s0 =	simm.s32 @!p0 $0x0  }
0x12: {  	s1 =	sld [smem:$0x3F9D];
	s0 =	simm.s32 @p0 $0x1  }
0x13: {  	[smem:$0x3FB8] =	sst s0;
	s0 =	simm.s32 @!p1 $0x0  }
0x14: {  	s2 =	sld [smem:$0x3F9C];
	s0 =	simm.s32 @p1 $0x1  }
0x15: {  	[smem:$0x3FB9] =	sst s0;
	s0 =	simm.s32 @!p2 $0x0  }
0x16: {  	s3 =	sld [smem:$0x3FDB];
	s0 =	simm.s32 @p2 $0x1  }
0x17: {  	s4 =	simm.s32 $0x1BF5;
	[smem:$0x3FBB] =	sst s0  }
0x18: {  	s0 =	sld [smem:$0x3F9E];
	_ =	swait.ge [sflag:s4], $0x0  }
0x19: {  	s7 =	sld [smem:$0x3F9F]  }
0x1a: {  	s8 =	sadd.s32 $0xFFFFE003, lr  }
0x1b: {  	s9 =	sadd.s32 $0xFFFFFEF7, lr;
	s5 =	simm.s32 $0xFFFFFFFF;
	p2 =	slt.u32 s8, $0xFFFFF086  }
0x1c: {  	p1 =	slt.u32 s9, $0xF7A;
	s5 =	simm.s32 @!p2 $0x0  }
0x1d: {  	s5 =	simm.s32 @p1 $0x1;
	p0 =	seq.s32 s7, s2  }
0x1e: {  	s7 =	smul.u32 @!p0 $0xF7A, s2;
	p2 =	seq.s32 @!p0 s5, $0x0  }
0x1f: {  	s9 =	smul.u32 $0xF7A, s1;
	s8 =	simm.s32 @!p0 $0x1BF5;
	p2 =	por !p2, p0  }
0x20: {  	[sflag:s8] =	ssyncset.s32 @!p0 $0xFFFFF086;
	s6 =	sadd.s32 @!p0 s3, s7;
	s7 =	simm.s32 @!p0 $0x108  }
0x21: {  	s3 =	sadd.s32 s3, s9;
	s6 =	sadd.s32 @!p0 $0x88, s6;
	s7 =	simm.s32 @p2 $0x1082  }
0x22: {  	[simem:s7], [sflag:s8] =	dma.local @!p0 [hbm:s6], $0xF7A  }
0x23: {  	s9 =	sor.u32 $0xD0000000, s2;
	s6 =	simm.s32 $0x108;
	_ =	swait.ge @!p0 [sflag:s8], $0x0  }
0x24: {  	s3 =	sadd.s32 $0x88, s3;
	s6 =	simm.s32 @!p1 $0x1082;
	[sflag:s4] =	ssyncset.s32 $0xFFFFF086  }
0x25: {  	[simem:s6], [sflag:s4] =	dma.local [hbm:s3], $0xF7A  }
0x26: {  	[smem:$0x3F9F] =	sst s1;
	(tag) =	ssettag s2;
	_ =	strace s9  }
0x27: {  	s1 =	sld [smem:$0x3FAF]  }
0x28: {  	s2 =	sld [smem:$0x3FB0]  }
0x29: {  	s4 =	sld [smem:$0x3FB2]  }
0x2a: {  	p0 =	seq.s32 s5, $0x0;
	s5 =	sld [smem:$0x3FB3]  }
0x2b: {  	s6 =	sld [smem:$0x3FB4]  }
0x2c: {  	s7 =	sld [smem:$0x3FB5]  }
0x2d: {  	s3 =	simm.s32 $0x108;
	s8 =	sld [smem:$0x3FB6]  }
0x2e: {  	s3 =	simm.s32 @!p0 $0x1082;
	s9 =	sld [smem:$0x3FB7]  }
0x2f: {  	lr =	sadd.s32 s0, s3;
	s0 =	sld [smem:$0x3FAE]  }
0x30: {  	s3 =	sld [smem:$0x3FB1]  }
0x31: {  	[smem:$0x3FBA] =	sst s10  }
0x32: {  	s10 =	sld [smem:$0x3FB8];
	_ =	sdelay $0x3  }
0x33: {  	p0 =	seq.s32 s10, $0x1;
	s10 =	sld [smem:$0x3FBA];
	_ =	sdelay $0x3  }
0x34: {  	[smem:$0x3FBA] =	sst s10  }
0x35: {  	s10 =	sld [smem:$0x3FB9];
	_ =	sdelay $0x3  }
0x36: {  	p1 =	seq.s32 s10, $0x1;
	s10 =	sld [smem:$0x3FBA];
	_ =	sdelay $0x3  }
0x37: {  	[smem:$0x3FBA] =	sst s10  }
0x38: {  	s10 =	sld [smem:$0x3FBB]  }
0x39: {  	_ = 	snop;
	(pc) =	sbr.ind lr, $3  }
0x3a: {  	_ = 	snop  }
0x3b: {  	_ = 	snop  }
0x3c: {  	p2 =	seq.s32 s10, $0x1;
	s10 =	sld [smem:$0x3FBA]  }
0x3d: {  	_ =	shalt  }
0x3e: {  	_ =	shalt  }
0x3f: {  	_ =	shalt  }
0x40: {  	_ =	shalt  }
0x41: {  	_ =	shalt  }
0x42: {  	_ =	shalt  }
0x43: {  	_ =	shalt  }
0x44: {  	_ =	shalt  }
0x45: {  	_ =	shalt  }
0x46: {  	_ =	shalt  }
0x47: {  	_ =	shalt  }
0x48: {  	_ =	shalt  }
0x49: {  	_ =	shalt  }
0x4a: {  	_ =	shalt  }
0x4b: {  	_ =	shalt  }
0x4c: {  	_ =	shalt  }
0x4d: {  	_ =	shalt  }
0x4e: {  	_ =	shalt  }
0x4f: {  	_ =	shalt  }
0x50: {  	_ =	shalt  }
0x51: {  	_ =	shalt  }
0x52: {  	_ =	shalt  }
0x53: {  	_ =	shalt  }
0x54: {  	_ =	shalt  }
0x55: {  	_ =	shalt  }
0x56: {  	_ =	shalt  }
0x57: {  	_ =	shalt  }
0x58: {  	_ =	shalt  }
0x59: {  	_ =	shalt  }
0x5a: {  	_ =	shalt  }
0x5b: {  	_ =	shalt  }
0x5c: {  	_ =	shalt  }
0x5d: {  	_ =	shalt  }
0x5e: {  	_ =	shalt  }
0x5f: {  	_ =	shalt  }
0x60: {  	_ =	shalt  }
0x61: {  	_ =	shalt  }
0x62: {  	_ =	shalt  }
0x63: {  	_ =	shalt  }
0x64: {  	_ =	shalt  }
0x65: {  	_ =	shalt  }
0x66: {  	_ =	shalt  }
0x67: {  	_ =	shalt  }
0x68: {  	_ =	shalt  }
0x69: {  	_ =	shalt  }
0x6a: {  	_ =	shalt  }
0x6b: {  	_ =	shalt  }
0x6c: {  	_ =	shalt  }
0x6d: {  	_ =	shalt  }
0x6e: {  	_ =	shalt  }
0x6f: {  	_ =	shalt  }
0x70: {  	_ =	shalt  }
0x71: {  	_ =	shalt  }
0x72: {  	_ =	shalt  }
0x73: {  	_ =	shalt  }
0x74: {  	_ =	shalt  }
0x75: {  	_ =	shalt  }
0x76: {  	_ =	shalt  }
0x77: {  	_ =	shalt  }
0x78: {  	_ =	shalt  }
0x79: {  	_ =	shalt  }
0x7a: {  	_ =	shalt  }
0x7b: {  	_ =	shalt  }
0x7c: {  	_ =	shalt  }
0x7d: {  	_ =	shalt  }
0x7e: {  	_ =	shalt  }
0x7f: {  	_ =	shalt  }
0x80: {  	_ =	shalt  }
0x81: {  	_ =	shalt  }
0x82: {  	_ =	shalt  }
0x83: {  	_ =	shalt  }
0x84: {  	_ =	shalt  }
0x85: {  	_ =	shalt  }
0x86: {  	_ =	shalt  }
0x87: {  	_ =	shalt  }
.Lfunc_end0:
.L_simem_size_0:
called_computation_lowered:
.L_overlay_start_0:
0x88: {  	s2 =	sld [smem:$0x3FD9]  }
0x89: {  	s3 =	sld [smem:$0x3FFE];
	_ =	sdelay $0x1  }
0x8a: {  	s1 =	srdreg.scid  }
0x8b: {  	s0 =	sand.u32 $0x1, s1  }
0x8c: {  	s17 =	sshll.u32 s0, $0xA;
	s2 =	sadd.s32 s3, s2  }
0x8d: {  	s2 =	sadd.s32 s2, s17  }
0x8e: {  	[smem:$0x3FC6] =	sst s2  }
0x8f: {  	_ = 	snop  }
0x90: {  	s2 =	sld [smem:$0x3FC8]  }
0x91: {  	s18 =	sld [smem:$0x3FD0];
	(tm) =	ssettm $0x1  }
0x92: {  	s4 =	sld [smem:$0x3FFB];
	_ =	sdelay $0x3  }
0x93: {  	_ =	strace s4  }
0x94: {  	s4 =	sld [smem:$0x3FFC];
	_ =	sdelay $0x3  }
0x95: {  	_ =	strace s4  }
0x96: {  	s4 =	sld [smem:$0x3FFD];
	_ =	sdelay $0x3  }
0x97: {  	_ =	strace s4  }
0x98: {  	_ =	strace $0x8FFFFFFF  }
0x99: {  	s19 =	sld [smem:$0x3FDB];
	_ =	sdelay $0x1  }
0x9a: {  	s5 =	simm.s32 $_scs_section_size  }
0x9b: {  	s6 =	simm.s32 $_size__tile_overlayer_lowered;
	s7 =	simm.s32 $_tile_overlayer_lowered  }
0x9c: {  	s22 =	simm.s32 $0x1BFF;
	s21 =	sshll.u32 s7, $0x1;
	s4 =	sadd.s32 s5, s19  }
0x9d: {  	s8 =	simm.s32 $0x0;
	s20 =	sshll.u32 s6, $0x1;
	s6 =	sadd.s32 s21, s4  }
0x9e: {  	[timem:s8], [sflag:s22] =	dma.local [hbm:s6], s20  }
0x9f: {  	_ =	swait.ge [sflag:s22], s20  }
0xa0: {  	s5 =	ssub.s32 $0x0, s20;
	[sflag:s22] =	ssyncset.done $0x0  }
0xa1: {  	[sflag:s22] =	ssyncadd.s32 s5;
	_ =	sdelay $0x1  }
0xa2: {  	s23 =	simm.s32 $0x1B8B  }
0xa3: {  	_ =	swait.ge [sflag:s23], $0x1  }
0xa4: {  	[sflag:s23] =	ssyncset.done $0x0  }
0xa5: {  	s25 =	simm.s32 $0x1B8E;
	s24 =	sld [smem:$0x3FFE];
	[sflag:s23] =	ssyncadd.s32 $0xFFFFFFFF  }
0xa6: {  	s26 =	simm.s32 $execute0_lowered;
	[smem:$0x3FD2] =	sst s25  }
0xa7: {  	s6 =	sshll.u32 s26, $0x1;
	_ =	strace $0x80000046;
	[dreg:$0x1] =	wrdreg $0xFFFFFFFF  }
0xa8: {  	s28 =	simm.s32 $_size_execute0_lowered;
	s4 =	sadd.s32 s4, s6;
	[dreg:$0x0] =	wrdreg $0x0  }
0xa9: {  	s6 =	sshll.u32 s28, $0x1;
	[dreg:$0x2] =	wrdreg s4  }
0xaa: {  	[dreg:$0x3] =	wrdreg s6  }
0xab: {  	[dreg:$0x4] =	wrdreg $0xC0  }
0xac: {  	_ =	task [dreg:s8], $0x5FFFF  }
0xad: {  	[dreg:$0x1] =	wrdreg $0xFFFFFFFF  }
0xae: {  	[dreg:$0x0] =	wrdreg $0x60  }
0xaf: {  	[dreg:$0x2] =	wrdreg s18  }
0xb0: {  	[dreg:$0x3] =	wrdreg s2  }
0xb1: {  	[dreg:$0x4] =	wrdreg s24  }
0xb2: {  	[dreg:$0x5] =	wrdreg $0x9  }
0xb3: {  	_ =	task.clear_ibuf [dreg:s8], $0x6FFFF;
	_ =	strace $0x90000046  }
0xb4: {  	s29 =	simm.s32 $0x9;
	_ =	strace $0x80000048  }
0xb5: {  	_ =	swait.ge [sflag:s29], $0x1  }
0xb6: {  	[sflag:s29] =	ssyncadd.s32 $0xFFFFFFFF  }
0xb7: {  	_ =	strace $0x90000048  }
0xb8: {  	_ =	sfence  }
0xb9: {  	s30 =	sld [smem:$0x0];
	_ =	sdelay $0x2  }
0xba: {  	s31 =	sshll.u32 s1, $0xD;
	s1 =	sshrl.u32 s1, $0x2  }
0xbb: {  	s3 =	sand.u32 $0x4000, s31;
	s1 =	sadd.s32 s1, s30  }
0xbc: {  	s0 =	sor.u32 s3, s0;
	s1 =	sshll.u32 s1, $0x11  }
0xbd: {  	s0 =	sor.u32 s1, s0  }
0xbe: {  	s0 =	sadd.s32 $0x8F2B, s0  }
0xbf: {  	[sflag:s0] =	ssyncadd.remote.s32 $0x1  }
0xc0: {  	_ =	sfence.sel $0xFFFF  }
0xc1: {  	[dreg:$0x0] =	wrdreg $0xFFFFFFFF;
	(pc) =	sbr.abs _section_cstart, $3  }
0xc2: {  	[dreg:$0x1] =	wrdreg $0xFFFFFFFF  }
0xc3: {  	_ =	task.clear_ibuf [dreg:s8], $0x2FFFF;
	_ =	strace $0x9FFFFFFF  }
0xc4: {  	(tm) =	ssettm $0x7FFFFFFF  }
0xc5: {  	_ =	shalt  }
tec
execute0_lowered:
.L_overlay_start_1:
0x0: {  	(tag) =	ssettag $0x1  }
0x1: {  	s4 =	rddreg [dreg:$0x0]  }
0x2: {  	s2 =	rddreg [dreg:$0x1];
	s11 =	stileid.u32  }
0x3: {  	s0 =	srdreg.scid;
	s21 =	smul.u32 $0x1C0000, s11  }
0x4: {  	s1 =	rddreg [dreg:$0x2];
	s5 =	sand.u32 $0x1, s0;
	s28 =	smul.u32 $0x38000, s11  }
0x5: {  	s3 =	simm.s32 $0x0;
	s13 =	sshll.u32 s11, $0x1;
	s24 =	smul.u32 $0xE0000, s5  }
0x6: {  	s0 =	sor.u32 s5, s13;
	s7 =	ssub.s32 $0x2, s5;
	s5 =	smul.u32 $0x1C000, s5  }
0x7: {  	[smem:$0x7FF] =	sst s3;
	s1 =	sadd.s32 $0x400, s1;
	s6 =	smul.u32 $0x1C000, s0  }
0x8: {  	_ =	strace $0x80000047;
	s10 =	smul.u32 $0x320, s0;
	s11 =	sadd.s32 s28, s1  }
0x9: {  	s8 =	smul.u32 $0xE0000, s0;
	s9 =	sshrl.u32 s7, $0x1;
	s5 =	sadd.s32 s5, s11  }
0xa: {  	s0 =	ssub.s32 s7, s9;
	s4 =	sadd.s32 s4, s10;
	[dreg:$0x4] =	wrdreg s5  }
0xb: {  	s0 =	smax.u32 s0, $0x1;
	[dreg:$0xf] =	wrdreg s4  }
0xc: {  	s9 =	sadd.s32 s1, s6;
	[smem:$0x7F1] =	sst s0  }
0xd: {  	s15 =	sadd.s32 $0x380, s9;
	[dreg:$0xe] =	wrdreg s9  }
0xe: {  	s14 =	sshrl.u32 s8, $0x3;
	s16 =	sadd.s32 $0x700, s9;
	[dreg:$0x10] =	wrdreg s15  }
0xf: {  	s4 =	sadd.s32 s1, s14;
	s17 =	sadd.s32 $0xA80, s9;
	[dreg:$0x11] =	wrdreg s16  }
0x10: {  	[dreg:$0x12] =	wrdreg s17;
	s18 =	sadd.s32 $0x18800, s4  }
0x11: {  	s19 =	sadd.s32 $0x18B80, s4;
	[dreg:$0x13] =	wrdreg s18  }
0x12: {  	s20 =	sadd.s32 $0x18F00, s4;
	[dreg:$0x14] =	wrdreg s19  }
0x13: {  	s22 =	sadd.s32 $0x19280, s4;
	[dreg:$0x15] =	wrdreg s20  }
0x14: {  	s23 =	sadd.s32 $0x19600, s4;
	[dreg:$0x16] =	wrdreg s22  }
0x15: {  	s25 =	sadd.s32 $0x19980, s4;
	[dreg:$0x17] =	wrdreg s23  }
0x16: {  	s30 =	simm.s32 $0x6;
	s26 =	sadd.s32 $0x19D00, s4;
	[dreg:$0x18] =	wrdreg s25  }
0x17: {  	s31 =	simm.s32 $0x4;
	s29 =	sadd.s32 $0x1A080, s4;
	[dreg:$0x19] =	wrdreg s26  }
0x18: {  	s6 =	sadd.s32 s24, s21;
	s10 =	sadd.s32 $0x1A400, s4;
	[dreg:$0x1a] =	wrdreg s29  }
0x19: {  	s12 =	sadd.s32 $0x2F400, s6;
	s13 =	sadd.s32 $0x1A780, s4;
	[dreg:$0x1b] =	wrdreg s10  }
0x1a: {  	s14 =	sshrl.u32 s12, $0x3;
	s12 =	sadd.s32 $0x1AE80, s4;
	[dreg:$0x1c] =	wrdreg s13  }
0x1b: {  	s0 =	simm.s32 $0x0;
	s15 =	sadd.s32 s14, s1;
	[dreg:$0x1e] =	wrdreg s12  }
0x1c: {  	s16 =	sadd.s32 $0x2D800, s6;
	s26 =	sadd.s32 $0x1AB00, s4;
	[dreg:$0x5] =	wrdreg s15  }
0x1d: {  	s17 =	sshrl.u32 s16, $0x3;
	s13 =	sadd.s32 $0x1B200, s4;
	[dreg:$0x1d] =	wrdreg s26  }
0x1e: {  	s18 =	sadd.s32 $0x28400, s6;
	s14 =	sadd.s32 $0x1B580, s4;
	[dreg:$0x1f] =	wrdreg s13  }
0x1f: {  	s19 =	sadd.s32 $0x26800, s6;
	s16 =	sadd.s32 $0x1BC80, s4;
	[smem:$0x7EE] =	sst s14  }
0x20: {  	s23 =	sadd.s32 $0x24C00, s6;
	s5 =	sadd.s32 s17, s1;
	[smem:$0x7F0] =	sst s16  }
0x21: {  	s25 =	sadd.s32 $0x21400, s6;
	s15 =	sadd.s32 $0x1B900, s4;
	[dreg:$0x6] =	wrdreg s5  }
0x22: {  	s29 =	sadd.s32 $0x36400, s6;
	s17 =	sadd.s32 $0xE00, s9;
	[smem:$0x7EF] =	sst s15  }
0x23: {  	s7 =	sshrl.u32 s18, $0x3;
	s18 =	sadd.s32 $0x1180, s9;
	[smem:$0x7F2] =	sst s17  }
0x24: {  	s21 =	sshrl.u32 s19, $0x3;
	s19 =	sadd.s32 $0x1500, s9;
	[smem:$0x7F3] =	sst s18  }
0x25: {  	s24 =	sshrl.u32 s23, $0x3;
	s23 =	sadd.s32 $0x2300, s9;
	[smem:$0x7F4] =	sst s19  }
0x26: {  	s10 =	sadd.s32 $0x34800, s6;
	s26 =	sadd.s32 $0x2D80, s9;
	[smem:$0x7F8] =	sst s23  }
0x27: {  	s8 =	sshrl.u32 s29, $0x3;
	s29 =	sadd.s32 $0x3480, s9;
	[smem:$0x7FB] =	sst s26  }
0x28: {  	s6 =	sadd.s32 $0x32C00, s6;
	s20 =	sadd.s32 s7, s1;
	[smem:$0x7FD] =	sst s29  }
0x29: {  	s12 =	simm.s32 $0x1900;
	s22 =	sadd.s32 s21, s1;
	[dreg:$0x7] =	wrdreg s20  }
0x2a: {  	s6 =	sshrl.u32 s6, $0x3;
	s5 =	sadd.s32 s24, s1;
	[dreg:$0x8] =	wrdreg s22  }
0x2b: {  	s13 =	simm.s32 $0x7D00;
	s21 =	sadd.s32 $0x1C00, s9;
	[dreg:$0x9] =	wrdreg s5  }
0x2c: {  	s14 =	simm.s32 $0xE100;
	s24 =	sadd.s32 $0x2680, s9;
	[smem:$0x7F6] =	sst s21  }
0x2d: {  	s7 =	sshrl.u32 s25, $0x3;
	s25 =	sadd.s32 $0x2A00, s9;
	[smem:$0x7F9] =	sst s24  }
0x2e: {  	s15 =	simm.s32 $0x1;
	s28 =	sadd.s32 s7, s1;
	[smem:$0x7FA] =	sst s25  }
0x2f: {  	s19 =	simm.s32 $0x14500;
	s5 =	sadd.s32 s8, s1;
	[dreg:$0xa] =	wrdreg s28  }
0x30: {  	s7 =	sshrl.u32 s10, $0x3;
	s20 =	sadd.s32 $0x1880, s9;
	[dreg:$0xb] =	wrdreg s5  }
0x31: {  	s22 =	sadd.s32 $0x1F80, s9;
	s24 =	simm.s32 $0x5;
	[smem:$0x7F5] =	sst s20  }
0x32: {  	s25 =	simm.s32 $0x3;
	s11 =	sadd.s32 s7, s1;
	[smem:$0x7F7] =	sst s22  }
0x33: {  	s1 =	sadd.s32 s6, s1;
	s28 =	sadd.s32 $0x3100, s9;
	[dreg:$0xc] =	wrdreg s11  }
0x34: {  	s20 =	simm.s32 $0x2;
	s6 =	simm.s32 $0x7;
	[dreg:$0xd] =	wrdreg s1  }
0x35: {  	s7 =	simm.s32 $0x8;
	[smem:$0x7FC] =	sst s28;
	s11 =	simm.s32 $0xC8  }
.LBB2_1:
0x36: {  	[smem:$0x7ED] =	sst s0  }
0x37: {  	s4 =	rddreg [dreg:$0xf];
	s29 =	simm.s32 $0x9  }
0x38: {  	[tilespmem:s3], [sflag:$0x9] =	stream.linear.gather [hbm4b:s4+s3], $0x1900, $0x38;
	[tilespmem:$0x1A900] =	vst v63  }
0x39: {  	_ =	swait.ge [sflag:s29], $0x1900  }
0x3a: {  	[sflag:s29] =	ssyncset.done $0x0  }
0x3b: {  	[sflag:s29] =	ssyncadd.s32 $0xFFFFE700  }
0x3c: {  	[tilespmem:s12], [sflag:$0x1] =	stream.indirect.gather [hbm4b:s2+s11], $0x80, s3, s11, $0xb8;
	[tilespmem:$0x1A900] =	vst v63  }
0x3d: {  	_ = 	snop  }
0x3e: {  	[tilespmem:s13], [sflag:$0x2] =	stream.indirect.gather [hbm4b:s2+s11], $0x80, s11, s11, $0xb8;
	[tilespmem:$0x1A900] =	vst v63  }
0x3f: {  	s0 =	simm.s32 $0x190  }
0x40: {  	[tilespmem:s14], [sflag:$0x3] =	stream.indirect.gather [hbm4b:s2+s11], $0x80, s0, s11, $0xb8;
	[tilespmem:$0x1A900] =	vst v63  }
0x41: {  	_ =	swait.ge [sflag:s15], $0x6400  }
0x42: {  	[sflag:s15] =	ssyncset.done $0x0  }
0x43: {  	s1 =	rddreg [dreg:$0xe];
	[sflag:s15] =	ssyncadd.s32 $0xFFFF9C00  }
0x44: {  	[hbm4b:s1+s3] =	stream.linear.scatter [tilespmem:s12], [sflag:$0x5], $0x1900, $0x38;
	[tilespmem:$0x1A900] =	vst v63  }
0x45: {  	s10 =	simm.s32 $0x3200;
	s5 =	rddreg [dreg:$0x10]  }
0x46: {  	[hbm4b:s5+s3] =	stream.linear.scatter [tilespmem:s10], [sflag:$0x5], $0x1900, $0x38;
	[tilespmem:$0x1A900] =	vst v63  }
0x47: {  	s16 =	simm.s32 $0x4B00;
	s8 =	rddreg [dreg:$0x11]  }
0x48: {  	[hbm4b:s8+s3] =	stream.linear.scatter [tilespmem:s16], [sflag:$0x5], $0x1900, $0x38;
	[tilespmem:$0x1A900] =	vst v63  }
0x49: {  	s17 =	simm.s32 $0x6400;
	s9 =	rddreg [dreg:$0x12]  }
0x4a: {  	[hbm4b:s9+s3] =	stream.linear.scatter [tilespmem:s17], [sflag:$0x5], $0x1900, $0x38;
	[tilespmem:$0x1A900] =	vst v63  }
0x4b: {  	s18 =	simm.s32 $0x258  }
0x4c: {  	[tilespmem:s19], [sflag:$0x4] =	stream.indirect.gather [hbm4b:s2+s11], $0x80, s18, s11, $0xb8;
	[tilespmem:$0x1A900] =	vst v63  }
0x4d: {  	_ =	swait.ge [sflag:s20], $0x6400  }
0x4e: {  	s21 =	sld [smem:$0x7F2]  }
0x4f: {  	[sflag:s20] =	ssyncset.done $0x0  }
0x50: {  	s22 =	sld [smem:$0x7F3];
	[sflag:s20] =	ssyncadd.s32 $0xFFFF9C00  }
0x51: {  	[hbm4b:s21+s3] =	stream.linear.scatter [tilespmem:s13], [sflag:$0x6], $0x1900, $0x38;
	[tilespmem:$0x1A900] =	vst v63  }
0x52: {  	s18 =	simm.s32 $0x9600;
	s23 =	sld [smem:$0x7F4]  }
0x53: {  	[hbm4b:s22+s3] =	stream.linear.scatter [tilespmem:s18], [sflag:$0x6], $0x1900, $0x38;
	[tilespmem:$0x1A900] =	vst v63  }
0x54: {  	s26 =	sld [smem:$0x7F5];
	s21 =	simm.s32 $0xAF00  }
0x55: {  	[hbm4b:s23+s3] =	stream.linear.scatter [tilespmem:s21], [sflag:$0x6], $0x1900, $0x38;
	[tilespmem:$0x1A900] =	vst v63  }
0x56: {  	s29 =	simm.s32 $0xC800  }
0x57: {  	[hbm4b:s26+s3] =	stream.linear.scatter [tilespmem:s29], [sflag:$0x6], $0x1900, $0x38;
	[tilespmem:$0x1A900] =	vst v63  }
0x58: {  	_ =	swait.ge [sflag:s24], $0x1900  }
0x59: {  	[sflag:s24] =	ssyncset.done $0x0  }
0x5a: {  	[sflag:s24] =	ssyncadd.s32 $0xFFFFE700  }
0x5b: {  	_ =	swait.ge [sflag:s24], $0x1900  }
0x5c: {  	[sflag:s24] =	ssyncset.done $0x0  }
0x5d: {  	[sflag:s24] =	ssyncadd.s32 $0xFFFFE700  }
0x5e: {  	_ =	swait.ge [sflag:s24], $0x1900  }
0x5f: {  	[sflag:s24] =	ssyncset.done $0x0  }
0x60: {  	[sflag:s24] =	ssyncadd.s32 $0xFFFFE700  }
0x61: {  	_ =	swait.ge [sflag:s24], $0x1900  }
0x62: {  	[sflag:s24] =	ssyncset.done $0x0  }
0x63: {  	s1 =	simm.s32 $0x320;
	[sflag:s24] =	ssyncadd.s32 $0xFFFFE700  }
0x64: {  	[tilespmem:s12], [sflag:$0x1] =	stream.indirect.gather [hbm4b:s2+s11], $0x80, s1, s11, $0xb8;
	[tilespmem:$0x1A900] =	vst v63  }
0x65: {  	_ =	swait.ge [sflag:s25], $0x6400  }
0x66: {  	s0 =	sld [smem:$0x7F6]  }
0x67: {  	[sflag:s25] =	ssyncset.done $0x0  }
0x68: {  	s1 =	sld [smem:$0x7F7];
	[sflag:s25] =	ssyncadd.s32 $0xFFFF9C00  }
0x69: {  	[hbm4b:s0+s3] =	stream.linear.scatter [tilespmem:s14], [sflag:$0x7], $0x1900, $0x38;
	[tilespmem:$0x1A900] =	vst v63  }
0x6a: {  	s5 =	simm.s32 $0xFA00;
	s8 =	sld [smem:$0x7F8]  }
0x6b: {  	[hbm4b:s1+s3] =	stream.linear.scatter [tilespmem:s5], [sflag:$0x7], $0x1900, $0x38;
	[tilespmem:$0x1A900] =	vst v63  }
0x6c: {  	s22 =	simm.s32 $0x11300;
	s9 =	sld [smem:$0x7F9]  }
0x6d: {  	[hbm4b:s8+s3] =	stream.linear.scatter [tilespmem:s22], [sflag:$0x7], $0x1900, $0x38;
	[tilespmem:$0x1A900] =	vst v63  }
0x6e: {  	s23 =	simm.s32 $0x12C00  }
0x6f: {  	[hbm4b:s9+s3] =	stream.linear.scatter [tilespmem:s23], [sflag:$0x7], $0x1900, $0x38;
	[tilespmem:$0x1A900] =	vst v63  }
0x70: {  	_ =	swait.ge [sflag:s30], $0x1900  }
0x71: {  	[sflag:s30] =	ssyncset.done $0x0  }
0x72: {  	[sflag:s30] =	ssyncadd.s32 $0xFFFFE700  }
0x73: {  	_ =	swait.ge [sflag:s30], $0x1900  }
0x74: {  	[sflag:s30] =	ssyncset.done $0x0  }
0x75: {  	[sflag:s30] =	ssyncadd.s32 $0xFFFFE700  }
0x76: {  	_ =	swait.ge [sflag:s30], $0x1900  }
0x77: {  	[sflag:s30] =	ssyncset.done $0x0  }
0x78: {  	[sflag:s30] =	ssyncadd.s32 $0xFFFFE700  }
0x79: {  	_ =	swait.ge [sflag:s30], $0x1900  }
0x7a: {  	[sflag:s30] =	ssyncset.done $0x0  }
0x7b: {  	s26 =	simm.s32 $0x3E8;
	[sflag:s30] =	ssyncadd.s32 $0xFFFFE700  }
0x7c: {  	[tilespmem:s13], [sflag:$0x2] =	stream.indirect.gather [hbm4b:s2+s11], $0x80, s26, s11, $0xb8;
	[tilespmem:$0x1A900] =	vst v63  }
0x7d: {  	_ =	swait.ge [sflag:s31], $0x6400  }
0x7e: {  	s29 =	sld [smem:$0x7FA]  }
0x7f: {  	[sflag:s31] =	ssyncset.done $0x0  }
0x80: {  	s0 =	sld [smem:$0x7FB];
	[sflag:s31] =	ssyncadd.s32 $0xFFFF9C00  }
0x81: {  	[hbm4b:s29+s3] =	stream.linear.scatter [tilespmem:s19], [sflag:$0x8], $0x1900, $0x38;
	[tilespmem:$0x1A900] =	vst v63  }
0x82: {  	s26 =	simm.s32 $0x15E00;
	s1 =	sld [smem:$0x7FC]  }
0x83: {  	[hbm4b:s0+s3] =	stream.linear.scatter [tilespmem:s26], [sflag:$0x8], $0x1900, $0x38;
	[tilespmem:$0x1A900] =	vst v63  }
0x84: {  	s28 =	simm.s32 $0x17700;
	s8 =	sld [smem:$0x7FD]  }
0x85: {  	[hbm4b:s1+s3] =	stream.linear.scatter [tilespmem:s28], [sflag:$0x8], $0x1900, $0x38;
	[tilespmem:$0x1A900] =	vst v63  }
0x86: {  	s29 =	simm.s32 $0x19000  }
0x87: {  	[hbm4b:s8+s3] =	stream.linear.scatter [tilespmem:s29], [sflag:$0x8], $0x1900, $0x38;
	[tilespmem:$0x1A900] =	vst v63  }
0x88: {  	_ =	swait.ge [sflag:s6], $0x1900  }
0x89: {  	[sflag:s6] =	ssyncset.done $0x0  }
0x8a: {  	[sflag:s6] =	ssyncadd.s32 $0xFFFFE700  }
0x8b: {  	_ =	swait.ge [sflag:s6], $0x1900  }
0x8c: {  	[sflag:s6] =	ssyncset.done $0x0  }
0x8d: {  	[sflag:s6] =	ssyncadd.s32 $0xFFFFE700  }
0x8e: {  	_ =	swait.ge [sflag:s6], $0x1900  }
0x8f: {  	[sflag:s6] =	ssyncset.done $0x0  }
0x90: {  	[sflag:s6] =	ssyncadd.s32 $0xFFFFE700  }
0x91: {  	_ =	swait.ge [sflag:s6], $0x1900  }
0x92: {  	[sflag:s6] =	ssyncset.done $0x0  }
0x93: {  	s9 =	simm.s32 $0x4B0;
	[sflag:s6] =	ssyncadd.s32 $0xFFFFE700  }
0x94: {  	[tilespmem:s14], [sflag:$0x3] =	stream.indirect.gather [hbm4b:s2+s11], $0x80, s9, s11, $0xb8;
	[tilespmem:$0x1A900] =	vst v63  }
0x95: {  	_ =	swait.ge [sflag:s15], $0x6400  }
0x96: {  	s0 =	rddreg [dreg:$0x4]  }
0x97: {  	[sflag:s15] =	ssyncset.done $0x0;
	s4 =	sadd.s32 $0x0, s0  }
0x98: {  	[sflag:s15] =	ssyncadd.s32 $0xFFFF9C00;
	s8 =	sadd.s32 $0x3800, s4  }
0x99: {  	[hbm4b:s8+s3] =	stream.linear.scatter [tilespmem:s12], [sflag:$0x5], $0x1900, $0x38;
	[tilespmem:$0x1A900] =	vst v63  }
0x9a: {  	s1 =	sadd.s32 $0x3B80, s4  }
0x9b: {  	[hbm4b:s1+s3] =	stream.linear.scatter [tilespmem:s10], [sflag:$0x5], $0x1900, $0x38;
	[tilespmem:$0x1A900] =	vst v63  }
0x9c: {  	s9 =	rddreg [dreg:$0xa];
	s0 =	sadd.s32 $0x3F00, s4  }
0x9d: {  	[hbm4b:s0+s3] =	stream.linear.scatter [tilespmem:s16], [sflag:$0x5], $0x1900, $0x38;
	[tilespmem:$0x1A900] =	vst v63  }
0x9e: {  	s1 =	sadd.s32 $0x0, s9  }
0x9f: {  	[hbm4b:s1+s3] =	stream.linear.scatter [tilespmem:s17], [sflag:$0x5], $0x1900, $0x38;
	[tilespmem:$0x1A900] =	vst v63  }
0xa0: {  	_ =	swait.ge [sflag:s7], $0x1900  }
0xa1: {  	[sflag:s7] =	ssyncset.done $0x0  }
0xa2: {  	[sflag:s7] =	ssyncadd.s32 $0xFFFFE700  }
0xa3: {  	_ =	swait.ge [sflag:s7], $0x1900  }
0xa4: {  	[sflag:s7] =	ssyncset.done $0x0  }
0xa5: {  	[sflag:s7] =	ssyncadd.s32 $0xFFFFE700  }
0xa6: {  	_ =	swait.ge [sflag:s7], $0x1900  }
0xa7: {  	[sflag:s7] =	ssyncset.done $0x0  }
0xa8: {  	[sflag:s7] =	ssyncadd.s32 $0xFFFFE700  }
0xa9: {  	_ =	swait.ge [sflag:s7], $0x1900  }
0xaa: {  	[sflag:s7] =	ssyncset.done $0x0  }
0xab: {  	s9 =	simm.s32 $0x578;
	[sflag:s7] =	ssyncadd.s32 $0xFFFFE700  }
0xac: {  	[tilespmem:s19], [sflag:$0x4] =	stream.indirect.gather [hbm4b:s2+s11], $0x80, s9, s11, $0xb8;
	[tilespmem:$0x1A900] =	vst v63  }
0xad: {  	_ =	swait.ge [sflag:s20], $0x6400  }
0xae: {  	[sflag:s20] =	ssyncset.done $0x0  }
0xaf: {  	s16 =	sadd.s32 $0x4600, s4;
	s10 =	rddreg [dreg:$0x9];
	[sflag:s20] =	ssyncadd.s32 $0xFFFF9C00  }
0xb0: {  	[hbm4b:s16+s3] =	stream.linear.scatter [tilespmem:s13], [sflag:$0x6], $0x1900, $0x38;
	[tilespmem:$0x1A900] =	vst v63  }
0xb1: {  	s17 =	rddreg [dreg:$0x8];
	s8 =	sadd.s32 $0x0, s10  }
0xb2: {  	[hbm4b:s8+s3] =	stream.linear.scatter [tilespmem:s18], [sflag:$0x6], $0x1900, $0x38;
	[tilespmem:$0x1A900] =	vst v63  }
0xb3: {  	s9 =	sadd.s32 $0x0, s17;
	s18 =	rddreg [dreg:$0x7]  }
0xb4: {  	[hbm4b:s9+s3] =	stream.linear.scatter [tilespmem:s21], [sflag:$0x6], $0x1900, $0x38;
	[tilespmem:$0x1A900] =	vst v63  }
0xb5: {  	s8 =	sadd.s32 $0x0, s18;
	s21 =	simm.s32 $0xC800  }
0xb6: {  	[hbm4b:s8+s3] =	stream.linear.scatter [tilespmem:s21], [sflag:$0x6], $0x1900, $0x38;
	[tilespmem:$0x1A900] =	vst v63  }
0xb7: {  	_ =	swait.ge [sflag:s24], $0x1900  }
0xb8: {  	[sflag:s24] =	ssyncset.done $0x0  }
0xb9: {  	[sflag:s24] =	ssyncadd.s32 $0xFFFFE700  }
0xba: {  	_ =	swait.ge [sflag:s24], $0x1900  }
0xbb: {  	[sflag:s24] =	ssyncset.done $0x0  }
0xbc: {  	[sflag:s24] =	ssyncadd.s32 $0xFFFFE700  }
0xbd: {  	_ =	swait.ge [sflag:s24], $0x1900  }
0xbe: {  	[sflag:s24] =	ssyncset.done $0x0  }
0xbf: {  	[sflag:s24] =	ssyncadd.s32 $0xFFFFE700  }
0xc0: {  	_ =	swait.ge [sflag:s24], $0x1900  }
0xc1: {  	[sflag:s24] =	ssyncset.done $0x0  }
0xc2: {  	s9 =	simm.s32 $0x640;
	[sflag:s24] =	ssyncadd.s32 $0xFFFFE700  }
0xc3: {  	[tilespmem:s12], [sflag:$0x1] =	stream.indirect.gather [hbm4b:s2+s11], $0x80, s9, s11, $0xb8;
	[tilespmem:$0x1A900] =	vst v63  }
0xc4: {  	_ =	swait.ge [sflag:s25], $0x6400  }
0xc5: {  	[sflag:s25] =	ssyncset.done $0x0  }
0xc6: {  	s10 =	sadd.s32 $0x5400, s4;
	[sflag:s25] =	ssyncadd.s32 $0xFFFF9C00  }
0xc7: {  	[hbm4b:s10+s3] =	stream.linear.scatter [tilespmem:s14], [sflag:$0x7], $0x1900, $0x38;
	[tilespmem:$0x1A900] =	vst v63  }
0xc8: {  	s17 =	sadd.s32 $0x5780, s4;
	s16 =	rddreg [dreg:$0x6]  }
0xc9: {  	[hbm4b:s17+s3] =	stream.linear.scatter [tilespmem:s5], [sflag:$0x7], $0x1900, $0x38;
	[tilespmem:$0x1A900] =	vst v63  }
0xca: {  	s18 =	rddreg [dreg:$0x5];
	s8 =	sadd.s32 $0x0, s16  }
0xcb: {  	[hbm4b:s8+s3] =	stream.linear.scatter [tilespmem:s22], [sflag:$0x7], $0x1900, $0x38;
	[tilespmem:$0x1A900] =	vst v63  }
0xcc: {  	s21 =	sadd.s32 $0x0, s18  }
0xcd: {  	[hbm4b:s21+s3] =	stream.linear.scatter [tilespmem:s23], [sflag:$0x7], $0x1900, $0x38;
	[tilespmem:$0x1A900] =	vst v63  }
0xce: {  	_ =	swait.ge [sflag:s30], $0x1900  }
0xcf: {  	[sflag:s30] =	ssyncset.done $0x0  }
0xd0: {  	[sflag:s30] =	ssyncadd.s32 $0xFFFFE700  }
0xd1: {  	_ =	swait.ge [sflag:s30], $0x1900  }
0xd2: {  	[sflag:s30] =	ssyncset.done $0x0  }
0xd3: {  	[sflag:s30] =	ssyncadd.s32 $0xFFFFE700  }
0xd4: {  	_ =	swait.ge [sflag:s30], $0x1900  }
0xd5: {  	[sflag:s30] =	ssyncset.done $0x0  }
0xd6: {  	[sflag:s30] =	ssyncadd.s32 $0xFFFFE700  }
0xd7: {  	_ =	swait.ge [sflag:s30], $0x1900  }
0xd8: {  	[sflag:s30] =	ssyncset.done $0x0  }
0xd9: {  	s23 =	simm.s32 $0x708;
	[sflag:s30] =	ssyncadd.s32 $0xFFFFE700  }
0xda: {  	[tilespmem:s13], [sflag:$0x2] =	stream.indirect.gather [hbm4b:s2+s11], $0x80, s23, s11, $0xb8;
	[tilespmem:$0x1A900] =	vst v63  }
0xdb: {  	_ =	swait.ge [sflag:s31], $0x6400  }
0xdc: {  	[sflag:s31] =	ssyncset.done $0x0  }
0xdd: {  	s4 =	sadd.s32 $0x6200, s4;
	s9 =	rddreg [dreg:$0xd];
	[sflag:s31] =	ssyncadd.s32 $0xFFFF9C00  }
0xde: {  	[hbm4b:s4+s3] =	stream.linear.scatter [tilespmem:s19], [sflag:$0x8], $0x1900, $0x38;
	[tilespmem:$0x1A900] =	vst v63  }
0xdf: {  	s10 =	rddreg [dreg:$0xc];
	s16 =	sadd.s32 $0x0, s9  }
0xe0: {  	[hbm4b:s16+s3] =	stream.linear.scatter [tilespmem:s26], [sflag:$0x8], $0x1900, $0x38;
	[tilespmem:$0x1A900] =	vst v63  }
0xe1: {  	s17 =	rddreg [dreg:$0xb];
	s18 =	sadd.s32 $0x0, s10  }
0xe2: {  	[hbm4b:s18+s3] =	stream.linear.scatter [tilespmem:s28], [sflag:$0x8], $0x1900, $0x38;
	[tilespmem:$0x1A900] =	vst v63  }
0xe3: {  	s21 =	sadd.s32 $0x0, s17  }
0xe4: {  	[hbm4b:s21+s3] =	stream.linear.scatter [tilespmem:s29], [sflag:$0x8], $0x1900, $0x38;
	[tilespmem:$0x1A900] =	vst v63  }
0xe5: {  	_ =	swait.ge [sflag:s6], $0x1900  }
0xe6: {  	[sflag:s6] =	ssyncset.done $0x0  }
0xe7: {  	[sflag:s6] =	ssyncadd.s32 $0xFFFFE700  }
0xe8: {  	_ =	swait.ge [sflag:s6], $0x1900  }
0xe9: {  	[sflag:s6] =	ssyncset.done $0x0  }
0xea: {  	[sflag:s6] =	ssyncadd.s32 $0xFFFFE700  }
0xeb: {  	_ =	swait.ge [sflag:s6], $0x1900  }
0xec: {  	s0 =	simm.s32 $0xFA00;
	s1 =	simm.s32 $0xC800;
	[sflag:s6] =	ssyncset.done $0x0  }
0xed: {  	s5 =	simm.s32 $0x11300;
	s22 =	simm.s32 $0x12C00;
	[sflag:s6] =	ssyncadd.s32 $0xFFFFE700  }
0xee: {  	s23 =	simm.s32 $0x15E00;
	s9 =	simm.s32 $0x7D0;
	_ =	swait.ge [sflag:s6], $0x1900  }
0xef: {  	s10 =	simm.s32 $0xAF0;
	s4 =	simm.s32 $0x3800;
	[sflag:s6] =	ssyncset.done $0x0  }
0xf0: {  	s26 =	simm.s32 $0x17700;
	s28 =	simm.s32 $0x19000;
	[sflag:s6] =	ssyncadd.s32 $0xFFFFE700  }
.LBB2_2:
0xf1: {  	[tilespmem:s14], [sflag:$0x3] =	stream.indirect.gather [hbm4b:s2+s11], $0x80, s9, s11, $0xb8;
	[tilespmem:$0x1A900] =	vst v63  }
0xf2: {  	_ =	swait.ge [sflag:s15], $0x6400  }
0xf3: {  	s8 =	smov.u32 s4;
	s16 =	rddreg [dreg:$0x4]  }
0xf4: {  	[sflag:s15] =	ssyncset.done $0x0;
	s16 =	sadd.s32 s8, s16  }
0xf5: {  	[sflag:s15] =	ssyncadd.s32 $0xFFFF9C00;
	s17 =	sadd.s32 $0x3800, s16  }
0xf6: {  	[hbm4b:s17+s3] =	stream.linear.scatter [tilespmem:s12], [sflag:$0x5], $0x1900, $0x38;
	[tilespmem:$0x1A900] =	vst v63  }
0xf7: {  	s21 =	simm.s32 $0x3200;
	s29 =	sadd.s32 $0x3B80, s16  }
0xf8: {  	[hbm4b:s29+s3] =	stream.linear.scatter [tilespmem:s21], [sflag:$0x5], $0x1900, $0x38;
	[tilespmem:$0x1A900] =	vst v63  }
0xf9: {  	s18 =	rddreg [dreg:$0xa];
	s21 =	sadd.s32 $0x3F00, s16;
	s29 =	simm.s32 $0x4B00  }
0xfa: {  	[hbm4b:s21+s3] =	stream.linear.scatter [tilespmem:s29], [sflag:$0x5], $0x1900, $0x38;
	[tilespmem:$0x1A900] =	vst v63  }
0xfb: {  	s21 =	sadd.s32 s8, s18;
	s29 =	simm.s32 $0x6400  }
0xfc: {  	[hbm4b:s21+s3] =	stream.linear.scatter [tilespmem:s29], [sflag:$0x5], $0x1900, $0x38;
	[tilespmem:$0x1A900] =	vst v63  }
0xfd: {  	_ =	swait.ge [sflag:s7], $0x1900  }
0xfe: {  	[sflag:s7] =	ssyncset.done $0x0  }
0xff: {  	[sflag:s7] =	ssyncadd.s32 $0xFFFFE700  }
0x100: {  	_ =	swait.ge [sflag:s7], $0x1900  }
0x101: {  	[sflag:s7] =	ssyncset.done $0x0  }
0x102: {  	[sflag:s7] =	ssyncadd.s32 $0xFFFFE700  }
0x103: {  	_ =	swait.ge [sflag:s7], $0x1900  }
0x104: {  	[sflag:s7] =	ssyncset.done $0x0  }
0x105: {  	[sflag:s7] =	ssyncadd.s32 $0xFFFFE700  }
0x106: {  	_ =	swait.ge [sflag:s7], $0x1900  }
0x107: {  	[sflag:s7] =	ssyncset.done $0x0  }
0x108: {  	s21 =	sadd.s32 $0xFFFFFDA8, s10;
	[sflag:s7] =	ssyncadd.s32 $0xFFFFE700  }
0x109: {  	[tilespmem:s19], [sflag:$0x4] =	stream.indirect.gather [hbm4b:s2+s11], $0x80, s21, s11, $0xb8;
	[tilespmem:$0x1A900] =	vst v63  }
0x10a: {  	_ =	swait.ge [sflag:s20], $0x6400  }
0x10b: {  	[sflag:s20] =	ssyncset.done $0x0  }
0x10c: {  	s29 =	sadd.s32 $0x4600, s16;
	s17 =	rddreg [dreg:$0x9];
	[sflag:s20] =	ssyncadd.s32 $0xFFFF9C00  }
0x10d: {  	[hbm4b:s29+s3] =	stream.linear.scatter [tilespmem:s13], [sflag:$0x6], $0x1900, $0x38;
	[tilespmem:$0x1A900] =	vst v63  }
0x10e: {  	s21 =	rddreg [dreg:$0x8];
	s17 =	sadd.s32 s8, s17;
	s29 =	simm.s32 $0x9600  }
0x10f: {  	[hbm4b:s17+s3] =	stream.linear.scatter [tilespmem:s29], [sflag:$0x6], $0x1900, $0x38;
	[tilespmem:$0x1A900] =	vst v63  }
0x110: {  	s18 =	rddreg [dreg:$0x7];
	s21 =	sadd.s32 s8, s21;
	s29 =	simm.s32 $0xAF00  }
0x111: {  	[hbm4b:s21+s3] =	stream.linear.scatter [tilespmem:s29], [sflag:$0x6], $0x1900, $0x38;
	[tilespmem:$0x1A900] =	vst v63  }
0x112: {  	s18 =	sadd.s32 s8, s18  }
0x113: {  	[hbm4b:s18+s3] =	stream.linear.scatter [tilespmem:s1], [sflag:$0x6], $0x1900, $0x38;
	[tilespmem:$0x1A900] =	vst v63  }
0x114: {  	_ =	swait.ge [sflag:s24], $0x1900  }
0x115: {  	[sflag:s24] =	ssyncset.done $0x0  }
0x116: {  	[sflag:s24] =	ssyncadd.s32 $0xFFFFE700  }
0x117: {  	_ =	swait.ge [sflag:s24], $0x1900  }
0x118: {  	[sflag:s24] =	ssyncset.done $0x0  }
0x119: {  	[sflag:s24] =	ssyncadd.s32 $0xFFFFE700  }
0x11a: {  	_ =	swait.ge [sflag:s24], $0x1900  }
0x11b: {  	[sflag:s24] =	ssyncset.done $0x0  }
0x11c: {  	[sflag:s24] =	ssyncadd.s32 $0xFFFFE700  }
0x11d: {  	_ =	swait.ge [sflag:s24], $0x1900  }
0x11e: {  	[sflag:s24] =	ssyncset.done $0x0  }
0x11f: {  	s21 =	sadd.s32 $0xFFFFFE70, s10;
	[sflag:s24] =	ssyncadd.s32 $0xFFFFE700  }
0x120: {  	[tilespmem:s12], [sflag:$0x1] =	stream.indirect.gather [hbm4b:s2+s11], $0x80, s21, s11, $0xb8;
	[tilespmem:$0x1A900] =	vst v63  }
0x121: {  	_ =	swait.ge [sflag:s25], $0x6400  }
0x122: {  	[sflag:s25] =	ssyncset.done $0x0  }
0x123: {  	s29 =	sadd.s32 $0x5400, s16;
	[sflag:s25] =	ssyncadd.s32 $0xFFFF9C00  }
0x124: {  	[hbm4b:s29+s3] =	stream.linear.scatter [tilespmem:s14], [sflag:$0x7], $0x1900, $0x38;
	[tilespmem:$0x1A900] =	vst v63  }
0x125: {  	s21 =	sadd.s32 $0x5780, s16;
	s18 =	rddreg [dreg:$0x6]  }
0x126: {  	[hbm4b:s21+s3] =	stream.linear.scatter [tilespmem:s0], [sflag:$0x7], $0x1900, $0x38;
	[tilespmem:$0x1A900] =	vst v63  }
0x127: {  	s18 =	sadd.s32 s8, s18;
	s29 =	rddreg [dreg:$0x5]  }
0x128: {  	[hbm4b:s18+s3] =	stream.linear.scatter [tilespmem:s5], [sflag:$0x7], $0x1900, $0x38;
	[tilespmem:$0x1A900] =	vst v63  }
0x129: {  	s29 =	sadd.s32 s8, s29  }
0x12a: {  	[hbm4b:s29+s3] =	stream.linear.scatter [tilespmem:s22], [sflag:$0x7], $0x1900, $0x38;
	[tilespmem:$0x1A900] =	vst v63  }
0x12b: {  	_ =	swait.ge [sflag:s30], $0x1900  }
0x12c: {  	[sflag:s30] =	ssyncset.done $0x0  }
0x12d: {  	[sflag:s30] =	ssyncadd.s32 $0xFFFFE700  }
0x12e: {  	_ =	swait.ge [sflag:s30], $0x1900  }
0x12f: {  	[sflag:s30] =	ssyncset.done $0x0  }
0x130: {  	[sflag:s30] =	ssyncadd.s32 $0xFFFFE700  }
0x131: {  	_ =	swait.ge [sflag:s30], $0x1900  }
0x132: {  	[sflag:s30] =	ssyncset.done $0x0  }
0x133: {  	[sflag:s30] =	ssyncadd.s32 $0xFFFFE700  }
0x134: {  	_ =	swait.ge [sflag:s30], $0x1900  }
0x135: {  	[sflag:s30] =	ssyncset.done $0x0  }
0x136: {  	s18 =	sadd.s32 $0xFFFFFF38, s10;
	[sflag:s30] =	ssyncadd.s32 $0xFFFFE700  }
0x137: {  	[tilespmem:s13], [sflag:$0x2] =	stream.indirect.gather [hbm4b:s2+s11], $0x80, s18, s11, $0xb8;
	[tilespmem:$0x1A900] =	vst v63  }
0x138: {  	_ =	swait.ge [sflag:s31], $0x6400  }
0x139: {  	[sflag:s31] =	ssyncset.done $0x0  }
0x13a: {  	s16 =	sadd.s32 $0x6200, s16;
	s21 =	rddreg [dreg:$0xd];
	[sflag:s31] =	ssyncadd.s32 $0xFFFF9C00  }
0x13b: {  	[hbm4b:s16+s3] =	stream.linear.scatter [tilespmem:s19], [sflag:$0x8], $0x1900, $0x38;
	[tilespmem:$0x1A900] =	vst v63  }
0x13c: {  	s29 =	rddreg [dreg:$0xc];
	s17 =	sadd.s32 s8, s21  }
0x13d: {  	[hbm4b:s17+s3] =	stream.linear.scatter [tilespmem:s23], [sflag:$0x8], $0x1900, $0x38;
	[tilespmem:$0x1A900] =	vst v63  }
0x13e: {  	s21 =	rddreg [dreg:$0xb];
	s29 =	sadd.s32 s8, s29  }
0x13f: {  	[hbm4b:s29+s3] =	stream.linear.scatter [tilespmem:s26], [sflag:$0x8], $0x1900, $0x38;
	[tilespmem:$0x1A900] =	vst v63  }
0x140: {  	s8 =	sadd.s32 s8, s21  }
0x141: {  	[hbm4b:s8+s3] =	stream.linear.scatter [tilespmem:s28], [sflag:$0x8], $0x1900, $0x38;
	[tilespmem:$0x1A900] =	vst v63  }
0x142: {  	_ =	swait.ge [sflag:s6], $0x1900  }
0x143: {  	[sflag:s6] =	ssyncset.done $0x0  }
0x144: {  	[sflag:s6] =	ssyncadd.s32 $0xFFFFE700  }
0x145: {  	_ =	swait.ge [sflag:s6], $0x1900  }
0x146: {  	[sflag:s6] =	ssyncset.done $0x0  }
0x147: {  	[sflag:s6] =	ssyncadd.s32 $0xFFFFE700  }
0x148: {  	p0 =	sne.s32 s4, $0x11800;
	_ =	swait.ge [sflag:s6], $0x1900  }
.Ltmp0:
0x149: {  	[sflag:s6] =	ssyncset.done $0x0;
	(pc) =	sbr.rel @p0 .LBB2_2-.Ltmp0, $4  }
0x14a: {  	[sflag:s6] =	ssyncadd.s32 $0xFFFFE700  }
0x14b: {  	_ =	swait.ge [sflag:s6], $0x1900  }
0x14c: {  	s9 =	smov.u32 s10;
	[sflag:s6] =	ssyncset.done $0x0  }
0x14d: {  	s4 =	sadd.s32 $0x3800, s4;
	s10 =	sadd.s32 $0x320, s10;
	[sflag:s6] =	ssyncadd.s32 $0xFFFFE700  }
0x14e: {  	[tilespmem:s14], [sflag:$0x3] =	stream.indirect.gather [hbm4b:s2+s11], $0x80, s9, s11, $0xb8;
	[tilespmem:$0x1A900] =	vst v63  }
0x14f: {  	_ =	swait.ge [sflag:s15], $0x6400  }
0x150: {  	[sflag:s15] =	ssyncset.done $0x0  }
0x151: {  	s4 =	rddreg [dreg:$0x13];
	[sflag:s15] =	ssyncadd.s32 $0xFFFF9C00  }
0x152: {  	[hbm4b:s4+s3] =	stream.linear.scatter [tilespmem:s12], [sflag:$0x5], $0x1900, $0x38;
	[tilespmem:$0x1A900] =	vst v63  }
0x153: {  	s8 =	simm.s32 $0x3200;
	s18 =	rddreg [dreg:$0x14]  }
0x154: {  	[hbm4b:s18+s3] =	stream.linear.scatter [tilespmem:s8], [sflag:$0x5], $0x1900, $0x38;
	[tilespmem:$0x1A900] =	vst v63  }
0x155: {  	s29 =	simm.s32 $0x4B00;
	s21 =	rddreg [dreg:$0x15]  }
0x156: {  	[hbm4b:s21+s3] =	stream.linear.scatter [tilespmem:s29], [sflag:$0x5], $0x1900, $0x38;
	[tilespmem:$0x1A900] =	vst v63  }
0x157: {  	s9 =	simm.s32 $0x6400;
	s8 =	rddreg [dreg:$0x16]  }
0x158: {  	[hbm4b:s8+s3] =	stream.linear.scatter [tilespmem:s9], [sflag:$0x5], $0x1900, $0x38;
	[tilespmem:$0x1A900] =	vst v63  }
0x159: {  	_ =	swait.ge [sflag:s7], $0x1900  }
0x15a: {  	[sflag:s7] =	ssyncset.done $0x0  }
0x15b: {  	[sflag:s7] =	ssyncadd.s32 $0xFFFFE700  }
0x15c: {  	_ =	swait.ge [sflag:s7], $0x1900  }
0x15d: {  	[sflag:s7] =	ssyncset.done $0x0  }
0x15e: {  	[sflag:s7] =	ssyncadd.s32 $0xFFFFE700  }
0x15f: {  	_ =	swait.ge [sflag:s7], $0x1900  }
0x160: {  	[sflag:s7] =	ssyncset.done $0x0  }
0x161: {  	[sflag:s7] =	ssyncadd.s32 $0xFFFFE700  }
0x162: {  	_ =	swait.ge [sflag:s7], $0x1900  }
0x163: {  	[sflag:s7] =	ssyncset.done $0x0  }
0x164: {  	s10 =	simm.s32 $0x1838;
	[sflag:s7] =	ssyncadd.s32 $0xFFFFE700  }
0x165: {  	[tilespmem:s19], [sflag:$0x4] =	stream.indirect.gather [hbm4b:s2+s11], $0x80, s10, s11, $0xb8;
	[tilespmem:$0x1A900] =	vst v63  }
0x166: {  	_ =	swait.ge [sflag:s20], $0x6400  }
0x167: {  	[sflag:s20] =	ssyncset.done $0x0  }
0x168: {  	s16 =	rddreg [dreg:$0x17];
	[sflag:s20] =	ssyncadd.s32 $0xFFFF9C00  }
0x169: {  	[hbm4b:s16+s3] =	stream.linear.scatter [tilespmem:s13], [sflag:$0x6], $0x1900, $0x38;
	[tilespmem:$0x1A900] =	vst v63  }
0x16a: {  	s18 =	simm.s32 $0x9600;
	s17 =	rddreg [dreg:$0x18]  }
0x16b: {  	[hbm4b:s17+s3] =	stream.linear.scatter [tilespmem:s18], [sflag:$0x6], $0x1900, $0x38;
	[tilespmem:$0x1A900] =	vst v63  }
0x16c: {  	s29 =	simm.s32 $0xAF00;
	s21 =	rddreg [dreg:$0x19]  }
0x16d: {  	[hbm4b:s21+s3] =	stream.linear.scatter [tilespmem:s29], [sflag:$0x6], $0x1900, $0x38;
	[tilespmem:$0x1A900] =	vst v63  }
0x16e: {  	s9 =	rddreg [dreg:$0x1a]  }
0x16f: {  	[hbm4b:s9+s3] =	stream.linear.scatter [tilespmem:s1], [sflag:$0x6], $0x1900, $0x38;
	[tilespmem:$0x1A900] =	vst v63  }
0x170: {  	_ =	swait.ge [sflag:s24], $0x1900  }
0x171: {  	[sflag:s24] =	ssyncset.done $0x0  }
0x172: {  	[sflag:s24] =	ssyncadd.s32 $0xFFFFE700  }
0x173: {  	_ =	swait.ge [sflag:s24], $0x1900  }
0x174: {  	[sflag:s24] =	ssyncset.done $0x0  }
0x175: {  	[sflag:s24] =	ssyncadd.s32 $0xFFFFE700  }
0x176: {  	_ =	swait.ge [sflag:s24], $0x1900  }
0x177: {  	[sflag:s24] =	ssyncset.done $0x0  }
0x178: {  	[sflag:s24] =	ssyncadd.s32 $0xFFFFE700  }
0x179: {  	_ =	swait.ge [sflag:s24], $0x1900  }
0x17a: {  	[sflag:s24] =	ssyncset.done $0x0  }
0x17b: {  	[sflag:s24] =	ssyncadd.s32 $0xFFFFE700  }
0x17c: {  	_ =	swait.ge [sflag:s25], $0x6400  }
0x17d: {  	[sflag:s25] =	ssyncset.done $0x0  }
0x17e: {  	s10 =	rddreg [dreg:$0x1b];
	[sflag:s25] =	ssyncadd.s32 $0xFFFF9C00  }
0x17f: {  	[hbm4b:s10+s3] =	stream.linear.scatter [tilespmem:s14], [sflag:$0x7], $0x1900, $0x38;
	[tilespmem:$0x1A900] =	vst v63  }
0x180: {  	s16 =	rddreg [dreg:$0x1c]  }
0x181: {  	[hbm4b:s16+s3] =	stream.linear.scatter [tilespmem:s0], [sflag:$0x7], $0x1900, $0x38;
	[tilespmem:$0x1A900] =	vst v63  }
0x182: {  	s17 =	rddreg [dreg:$0x1d]  }
0x183: {  	[hbm4b:s17+s3] =	stream.linear.scatter [tilespmem:s5], [sflag:$0x7], $0x1900, $0x38;
	[tilespmem:$0x1A900] =	vst v63  }
0x184: {  	s18 =	rddreg [dreg:$0x1e]  }
0x185: {  	[hbm4b:s18+s3] =	stream.linear.scatter [tilespmem:s22], [sflag:$0x7], $0x1900, $0x38;
	[tilespmem:$0x1A900] =	vst v63  }
0x186: {  	_ =	swait.ge [sflag:s30], $0x1900  }
0x187: {  	[sflag:s30] =	ssyncset.done $0x0  }
0x188: {  	[sflag:s30] =	ssyncadd.s32 $0xFFFFE700  }
0x189: {  	_ =	swait.ge [sflag:s30], $0x1900  }
0x18a: {  	[sflag:s30] =	ssyncset.done $0x0  }
0x18b: {  	[sflag:s30] =	ssyncadd.s32 $0xFFFFE700  }
0x18c: {  	_ =	swait.ge [sflag:s30], $0x1900  }
0x18d: {  	[sflag:s30] =	ssyncset.done $0x0  }
0x18e: {  	[sflag:s30] =	ssyncadd.s32 $0xFFFFE700  }
0x18f: {  	_ =	swait.ge [sflag:s30], $0x1900  }
0x190: {  	[sflag:s30] =	ssyncset.done $0x0  }
0x191: {  	[sflag:s30] =	ssyncadd.s32 $0xFFFFE700  }
0x192: {  	_ =	swait.ge [sflag:s31], $0x6400  }
0x193: {  	[sflag:s31] =	ssyncset.done $0x0;
	s21 =	rddreg [dreg:$0x1f]  }
0x194: {  	s22 =	sld [smem:$0x7EE];
	[sflag:s31] =	ssyncadd.s32 $0xFFFF9C00  }
0x195: {  	[hbm4b:s21+s3] =	stream.linear.scatter [tilespmem:s19], [sflag:$0x8], $0x1900, $0x38;
	[tilespmem:$0x1A900] =	vst v63  }
0x196: {  	_ = 	snop  }
0x197: {  	[hbm4b:s22+s3] =	stream.linear.scatter [tilespmem:s23], [sflag:$0x8], $0x1900, $0x38;
	[tilespmem:$0x1A900] =	vst v63  }
0x198: {  	s23 =	sld [smem:$0x7EF];
	_ =	sdelay $0x2  }
0x199: {  	[hbm4b:s23+s3] =	stream.linear.scatter [tilespmem:s26], [sflag:$0x8], $0x1900, $0x38;
	[tilespmem:$0x1A900] =	vst v63  }
0x19a: {  	s26 =	sld [smem:$0x7F0];
	_ =	sdelay $0x2  }
0x19b: {  	[hbm4b:s26+s3] =	stream.linear.scatter [tilespmem:s28], [sflag:$0x8], $0x1900, $0x38;
	[tilespmem:$0x1A900] =	vst v63  }
0x19c: {  	_ =	swait.ge [sflag:s6], $0x1900  }
0x19d: {  	[sflag:s6] =	ssyncset.done $0x0  }
0x19e: {  	[sflag:s6] =	ssyncadd.s32 $0xFFFFE700  }
0x19f: {  	_ =	swait.ge [sflag:s6], $0x1900  }
0x1a0: {  	[sflag:s6] =	ssyncset.done $0x0  }
0x1a1: {  	[sflag:s6] =	ssyncadd.s32 $0xFFFFE700  }
0x1a2: {  	_ =	swait.ge [sflag:s6], $0x1900  }
0x1a3: {  	[sflag:s6] =	ssyncset.done $0x0  }
0x1a4: {  	[sflag:s6] =	ssyncadd.s32 $0xFFFFE700  }
0x1a5: {  	_ =	swait.ge [sflag:s6], $0x1900  }
0x1a6: {  	[sflag:s6] =	ssyncset.done $0x0  }
0x1a7: {  	[sflag:s6] =	ssyncadd.s32 $0xFFFFE700  }
0x1a8: {  	_ =	swait.ge [sflag:s7], $0x1900  }
0x1a9: {  	[sflag:s7] =	ssyncset.done $0x0  }
0x1aa: {  	[sflag:s7] =	ssyncadd.s32 $0xFFFFE700  }
0x1ab: {  	_ =	swait.ge [sflag:s7], $0x1900  }
0x1ac: {  	[sflag:s7] =	ssyncset.done $0x0  }
0x1ad: {  	[sflag:s7] =	ssyncadd.s32 $0xFFFFE700  }
0x1ae: {  	_ =	swait.ge [sflag:s7], $0x1900  }
0x1af: {  	[sflag:s7] =	ssyncset.done $0x0  }
0x1b0: {  	[sflag:s7] =	ssyncadd.s32 $0xFFFFE700  }
0x1b1: {  	_ =	swait.ge [sflag:s7], $0x1900  }
0x1b2: {  	s28 =	sld [smem:$0x7ED]  }
0x1b3: {  	s29 =	sld [smem:$0x7F1];
	_ =	sdelay $0x1  }
0x1b4: {  	s0 =	sadd.s32 $0x1, s28  }
0x1b5: {  	p0 =	sne.s32 s0, s29  }
.Ltmp1:
0x1b6: {  	_ = 	snop;
	(pc) =	sbr.rel @p0 .LBB2_1-.Ltmp1, $3  }
0x1b7: {  	_ =	sdelay $0x1  }
0x1b8: {  	[sflag:s7] =	ssyncset.done $0x0  }
0x1b9: {  	[sflag:s7] =	ssyncadd.s32 $0xFFFFE700  }
0x1ba: {  	_ =	sfence.sel $0x180000  }
0x1bb: {  	[bflag:$0x0] =	sbarrier.arrive $0xFFFF  }
0x1bc: {  	_ =	strace $0x90000047  }
0x1bd: {  	s0 =	stileid.u32;
	[bflag:$0x2] =	sbarrier.arrive $0xFFFF  }
0x1be: {  	p0 =	sne.s32 s0, $0x0;
	s0 =	rddreg [dreg:$0x3]  }
0x1bf: {  	s0 =	sadd.s32 @!p0 $0x100000, s0  }
0x1c0: {  	[sflag:s0] =	ssyncadd.tile.s32 @!p0 $0x1;
	_ =	shalt  }
.Lfunc_end2:
_tile_overlayer_lowered:
.L_overlay_start_2:
0x1c1: {  	(tag) =	ssettag $0x2  }
0x1c2: {  	s0 =	rddreg [dreg:$0x0];
	s2 =	stileid.u32  }
0x1c3: {  	s1 =	rddreg [dreg:$0x1];
	p0 =	sne.s32 s2, $0x0  }
0x1c4: {  	s3 =	rddreg [dreg:$0x2];
	[bflag:$0x3] =	sbarrier.arrive $0xFFFF;
	s2 =	simm.s32 @!p0 $0x1C09  }
0x1c5: {  	[timem:s3], [sflag:s2] =	dma.local @!p0 [hbm:s0], s1  }
0x1c6: {  	s0 =	simm.s32 @!p0 $0x9  }
0x1c7: {  	_ =	swait.ge @!p0 [sflag:s0], s1  }
0x1c8: {  	s1 =	ssub.s32 @!p0 $0x0, s1;
	[sflag:s0] =	ssyncset.done @!p0 $0x0  }
0x1c9: {  	[sflag:s0] =	ssyncadd.s32 @!p0 s1  }
0x1ca: {  	[bflag:$0x3] =	sbarrier.arrive $0xFFFF  }
0x1cb: {  	_ =	shalt  }

</sc_bundles>
